<compile_context>
chip_gen: v7x
topology: tpu7x:2x2x1
jax: 0.10.2.dev20260603
libtpu: 0.0.44.dev20260713+nightly
codegen_flags: <defaults>
</compile_context>

<pallas_src>
import functools

import jax
import jax.numpy as jnp
from jax import lax
from jax.experimental import pallas as pl
from jax.experimental.pallas import tpu as pltpu
from jax.experimental.pallas import tpu_sc as plsc

N = 10000
E_EDGES = 320000
D = 128
NUM_EXPERTS = 8

NC = 2
NS = 16
NW = NC * NS
EPW = E_EDGES // NW
CHUNK = 80
NCHUNK = EPW // CHUNK
NP = 10240
ROWS_PER_TILE = NP // NS
DEGW = 128

_f32 = jnp.float32


def _make_agg():
  mesh = plsc.VectorSubcoreMesh(core_axis_name="c", subcore_axis_name="s")

  @functools.partial(
      pl.kernel,
      mesh=mesh,
      out_type=jax.ShapeDtypeStruct((NC, NP, D), _f32),
      scratch_types=[
          pltpu.VMEM((EPW,), jnp.int32),
          pltpu.VMEM((NCHUNK, CHUNK), jnp.int32),
          pltpu.VMEM((2, CHUNK, D), _f32),
          pltpu.VMEM_SHARED((NP, D), _f32),
          pltpu.SemaphoreType.DMA,
          pltpu.SemaphoreType.DMA,
      ],
  )
  def agg(x_hbm, srcf_hbm, dst_hbm, zero_hbm, out_hbm,
          src_v, dst_v, rows_v, acc_sh, sem0, sem1):
    cid = lax.axis_index("c")
    sid = lax.axis_index("s")
    wid = sid * NC + cid
    rsl = pl.ds(sid * ROWS_PER_TILE, ROWS_PER_TILE)

    pltpu.sync_copy(srcf_hbm.at[pl.ds(wid * EPW, EPW)], src_v)
    pltpu.sync_copy(dst_hbm.at[wid], dst_v)
    pltpu.sync_copy(zero_hbm.at[rsl], acc_sh.at[rsl])
    plsc.subcore_barrier()

    def body(t, carry):
      j = 2 * t
      i0 = src_v.at[pl.ds(j * CHUNK, CHUNK)]
      i1 = src_v.at[pl.ds((j + 1) * CHUNK, CHUNK)]
      c0 = pltpu.async_copy(x_hbm.at[i0], rows_v.at[0], sem0)
      c1 = pltpu.async_copy(x_hbm.at[i1], rows_v.at[1], sem1)
      c0.wait()
      pltpu.sync_copy(rows_v.at[0], acc_sh.at[dst_v.at[j]], add=True)
      c1.wait()
      pltpu.sync_copy(rows_v.at[1], acc_sh.at[dst_v.at[j + 1]], add=True)
      return carry

    lax.fori_loop(0, NCHUNK // 2, body, 0)
    j = NCHUNK - 1
    pltpu.async_copy(
        x_hbm.at[src_v.at[pl.ds(j * CHUNK, CHUNK)]], rows_v.at[0], sem0).wait()
    pltpu.sync_copy(rows_v.at[0], acc_sh.at[dst_v.at[j]], add=True)
    plsc.subcore_barrier()

    pltpu.sync_copy(acc_sh.at[rsl], out_hbm.at[cid, rsl])

  return agg


def _make_deg():
  mesh = plsc.VectorSubcoreMesh(core_axis_name="c", subcore_axis_name="s")

  @functools.partial(
      pl.kernel,
      mesh=mesh,
      out_type=jax.ShapeDtypeStruct((NC, NP, DEGW), _f32),
      scratch_types=[
          pltpu.VMEM((NCHUNK, CHUNK), jnp.int32),
          pltpu.VMEM((CHUNK, DEGW), _f32),
          pltpu.VMEM_SHARED((NP, DEGW), _f32),
          pltpu.SemaphoreType.DMA,
      ],
  )
  def deg(dst_hbm, zdeg_hbm, ones_hbm, out_hbm, dst_v, ones_v, deg_sh, sem):
    cid = lax.axis_index("c")
    sid = lax.axis_index("s")
    wid = sid * NC + cid
    rsl = pl.ds(sid * ROWS_PER_TILE, ROWS_PER_TILE)

    pltpu.sync_copy(dst_hbm.at[wid], dst_v)
    pltpu.sync_copy(ones_hbm, ones_v)
    pltpu.sync_copy(zdeg_hbm.at[rsl], deg_sh.at[rsl])
    plsc.subcore_barrier()

    infl = 4

    def body(j, carry):
      pltpu.async_copy(ones_v, deg_sh.at[dst_v.at[j]], sem, add=True)

      @pl.when(j >= infl)
      def _():
        pltpu.make_async_copy(ones_v, deg_sh.at[dst_v.at[0]], sem).wait()

      return carry

    lax.fori_loop(0, NCHUNK, body, 0)
    for _ in range(infl):
      pltpu.make_async_copy(ones_v, deg_sh.at[dst_v.at[0]], sem).wait()
    plsc.subcore_barrier()
    pltpu.sync_copy(deg_sh.at[rsl], out_hbm.at[cid, rsl])

  return deg


@functools.cache
def _get_agg():
  return _make_agg()


@functools.cache
def _get_deg():
  return _make_deg()


def _agg(*args):
  return _get_agg()(*args)


def _deg(*args):
  return _get_deg()(*args)


def _inv_deg(degp_ref):
  deg = degp_ref[0, :, 0:1] + degp_ref[1, :, 0:1]
  return 1.0 / jnp.maximum(deg, 1.0)


def _dot_t(a, w):
  return lax.dot_general(a, w, (((1,), (1,)), ((), ())),
                         preferred_element_type=_f32)


def _layer_body(apply_relu, p_ref, degp_ref, h_ref, wl_ref, bl_ref, wr_ref,
                o_ref):
  a = (p_ref[0] + p_ref[1]) * _inv_deg(degp_ref)
  y = _dot_t(a, wl_ref[...]) + bl_ref[...] + _dot_t(h_ref[...], wr_ref[...])
  o_ref[...] = jnp.maximum(y, 0.0) if apply_relu else y


def _moe_body(p_ref, degp_ref, h_ref, wg_ref, ewl_ref, ebl_ref, ewr_ref,
              o_ref):
  a = (p_ref[0] + p_ref[1]) * _inv_deg(degp_ref)
  h = h_ref[...]
  logits = jnp.dot(h, wg_ref[...], preferred_element_type=_f32)
  iota = lax.broadcasted_iota(jnp.int32, logits.shape, 1)
  m1 = jnp.max(logits, axis=1, keepdims=True)
  e1 = jnp.min(jnp.where(logits == m1, iota, NUM_EXPERTS), axis=1,
               keepdims=True)
  oh1 = iota == e1
  masked = jnp.where(oh1, -jnp.inf, logits)
  m2 = jnp.max(masked, axis=1, keepdims=True)
  e2 = jnp.min(jnp.where(masked == m2, iota, NUM_EXPERTS), axis=1,
               keepdims=True)
  oh2 = iota == e2
  g1 = 1.0 / (1.0 + jnp.exp(m2 - m1))
  gates = g1 * oh1.astype(_f32) + (1.0 - g1) * oh2.astype(_f32)

  acc = jnp.dot(gates, ebl_ref[...], preferred_element_type=_f32)
  for e in range(NUM_EXPERTS):
    ge = gates[:, e:e + 1]
    acc = acc + ge * (_dot_t(a, ewl_ref[e]) + _dot_t(h, ewr_ref[e]))
  o_ref[...] = jnp.maximum(acc, 0.0)


_TB = 1000


def _row_spec(shape):
  if len(shape) == 3:
    return pl.BlockSpec((shape[0], _TB, shape[2]), lambda i: (0, i, 0))
  return pl.BlockSpec((_TB, shape[1]), lambda i: (i, 0))


def _full_spec(shape):
  nd = len(shape)
  return pl.BlockSpec(shape, lambda i: (0,) * nd)


def _tc_call(body, row_args, full_args):
  in_specs = ([_row_spec(a.shape) for a in row_args] +
              [_full_spec(a.shape) for a in full_args])
  return pl.pallas_call(
      body,
      grid=(N // _TB,),
      in_specs=in_specs,
      out_specs=pl.BlockSpec((_TB, D), lambda i: (i, 0)),
      out_shape=jax.ShapeDtypeStruct((N, D), _f32),
  )(*row_args, *full_args)


def _layer(p, degp, h, wl, bl, wr, apply_relu):
  return _tc_call(functools.partial(_layer_body, apply_relu),
                  [p, degp, h], [wl, bl, wr])


def _moe(p, degp, h, wg, ewl, ebl, ewr):
  return _tc_call(_moe_body, [p, degp, h], [wg, ewl, ebl, ewr])


def kernel(x, edge_index, Wl0, bl0, Wr0, w_gate, eWl, ebl, eWr,
           Wl2, bl2, Wr2, Wl3, bl3, Wr3):
  srcf = edge_index[0].astype(jnp.int32)
  dst3 = edge_index[1].astype(jnp.int32).reshape(NW, NCHUNK, CHUNK)
  zero = jnp.zeros((NP, D), _f32)
  zdeg = jnp.zeros((NP, DEGW), _f32)
  ones = jnp.ones((CHUNK, DEGW), _f32)
  bl0r = bl0.reshape(1, D)
  bl2r = bl2.reshape(1, D)
  bl3r = bl3.reshape(1, D)

  degp = _deg(dst3, zdeg, ones)
  p0 = _agg(x, srcf, dst3, zero)
  h1 = _layer(p0, degp, x, Wl0, bl0r, Wr0, True)
  p1 = _agg(h1, srcf, dst3, zero)
  h2 = _moe(p1, degp, h1, w_gate, eWl, ebl, eWr)
  p2 = _agg(h2, srcf, dst3, zero)
  h3 = _layer(p2, degp, h2, Wl2, bl2r, Wr2, True)
  p3 = _agg(h3, srcf, dst3, zero)
  return _layer(p3, degp, h3, Wl3, bl3r, Wr3, False)

# --- scband reference (transcript-rebuilt; emitter-appended) ---
"""Pipeline reference for scband-sage-sp-mo-e-45122926412019 (READ-ONLY COPY).

The authoritative reference and input builder live on the scoring server;
editing this copy changes nothing except your own understanding.
"""

import jax, jax.numpy as jnp
import numpy as np

N = 10000
E_EDGES = 320000
D = 128
NUM_EXPERTS = 8
TOPK = 2
COEF = 0.01


def sage_conv(x, src, dst, Wl, bl, Wr):
    # PyG SAGEConv with mean aggregation: lin_l(mean_aggr(x_j)) + lin_r(x_i)
    msg = x[src]
    agg = jax.ops.segment_sum(msg, dst, num_segments=N)
    deg = jax.ops.segment_sum(jnp.ones((src.shape[0],), x.dtype), dst, num_segments=N)
    agg = agg / jnp.clip(deg, 1.0)[:, None]
    return agg @ Wl.T + bl + x @ Wr.T


def setup_inputs(seed: int = 0) -> dict:
    key = jax.random.key(seed)
    ks = jax.random.split(key, 16)

    def w(k, shape):
        return jax.random.normal(k, shape, dtype=jnp.float32) * 0.05

    x = jax.random.normal(ks[0], (N, D), dtype=jnp.float32)
    edge_index = jax.random.randint(ks[1], (2, E_EDGES), 0, N)
    return {
        'x': x,
        'edge_index': edge_index,
        'Wl0': w(ks[2], (D, D)), 'bl0': jnp.zeros((D,), jnp.float32), 'Wr0': w(ks[3], (D, D)),
        'w_gate': w(ks[4], (D, NUM_EXPERTS)),
        'eWl': w(ks[5], (NUM_EXPERTS, D, D)),
        'ebl': jnp.zeros((NUM_EXPERTS, D), jnp.float32),
        'eWr': w(ks[6], (NUM_EXPERTS, D, D)),
        'Wl2': w(ks[7], (D, D)), 'bl2': jnp.zeros((D,), jnp.float32), 'Wr2': w(ks[8], (D, D)),
        'Wl3': w(ks[9], (D, D)), 'bl3': jnp.zeros((D,), jnp.float32), 'Wr3': w(ks[10], (D, D)),
    }


def reference(x, edge_index, Wl0, bl0, Wr0, w_gate, eWl, ebl, eWr, Wl2, bl2, Wr2, Wl3, bl3, Wr3):
    src, dst = edge_index[0], edge_index[1]
    # layer 0: SAGEConv + relu (dropout is identity in eval)
    h = jax.nn.relu(sage_conv(x, src, dst, Wl0, bl0, Wr0))

    # layer 1: MoE with SAGEConv experts (eval-mode noisy-top-k gating -> clean logits)
    logits = h @ w_gate
    top_logits, top_idx = jax.lax.top_k(logits, TOPK)
    top_gates = jax.nn.softmax(top_logits, axis=1)
    gates = jnp.zeros_like(logits).at[jnp.arange(N)[:, None], top_idx].set(top_gates)
    importance = gates.sum(axis=0)
    load = (gates > 0).astype(jnp.float32).sum(axis=0)

    def cv_squared(v):
        return v.var(ddof=1) / (v.mean() ** 2 + 1e-10)

    load_balance_loss = (cv_squared(importance) + cv_squared(load)) * COEF  # stored on module, not returned

    outs = jax.vmap(lambda wl, bl, wr: sage_conv(h, src, dst, wl, bl, wr))(eWl, ebl, eWr)  # [E, N, D]
    y = (gates.T[:, :, None] * outs).sum(axis=0)
    h = jax.nn.relu(y)

    # layer 2: SAGEConv + relu
    h = jax.nn.relu(sage_conv(h, src, dst, Wl2, bl2, Wr2))

    # layer 3 (final): SAGEConv, no activation
    out = sage_conv(h, src, dst, Wl3, bl3, Wr3)
    return out

if __name__ == "__main__":
    import jax
    _d = setup_inputs()
    print(jax.jit(kernel)(*tuple(_d.values())))

</pallas_src>

<mosaic_0001>
#map = affine_map<(d0, d1) -> (0, 0, 0)>
#map1 = affine_map<(d0, d1) -> (0, 0)>
module attributes {stable_mosaic.version = 14 : i64} {
  func.func @deg(%arg0: i32, %arg1: i32, %arg2: memref<32x125x80xi32, #tpu.memory_space<hbm>>, %arg3: memref<10240x128xf32, #tpu.memory_space<hbm>>, %arg4: memref<80x128xf32, #tpu.memory_space<hbm>>, %arg5: memref<2x10240x128xf32, #tpu.memory_space<hbm>>, %arg6: memref<125x80xi32, #tpu.memory_space<vmem>>, %arg7: memref<80x128xf32, #tpu.memory_space<vmem>>, %arg8: memref<10240x128xf32, #tpu.memory_space<vmem_shared>>, %arg9: memref<!tpu.dma_semaphore, #tpu.memory_space<semaphore_mem>>) attributes {dimension_semantics = [#tpu.dimension_semantics<core_parallel>, #tpu.dimension_semantics<subcore_parallel>], iteration_bounds = array<i64: 2, 16>, scalar_prefetch = 0 : i64, scratch_operands = 4 : i64, tpu.core_type = #tpu.core_type<sc_vector_subcore>, window_params = [{transform_indices = #map}, {transform_indices = #map1}, {transform_indices = #map1}, {transform_indices = #map}]} {
    %mul3A = arith.constant 2 : i32
    %mul3A_0 = arith.muli %arg1, %mul3A : i32
    %add3A = arith.addi %mul3A_0, %arg0 : i32
    %mul3A_1 = arith.constant 640 : i32
    %mul3A_2 = arith.muli %arg1, %mul3A_1 : i32
    "tpu.region"() ({
      %run_scoped3A = tpu.sem_alloc : memref<!tpu.dma_semaphore, #tpu.memory_space<semaphore_mem>>
      %dma_start3A = arith.constant 0 : i32
      %dma_start3A_36 = arith.constant 0 : i32
      %dma_start3A_37 = tpu.memref_slice %arg2[%add3A, %dma_start3A, %dma_start3A_36] : memref<32x125x80xi32, #tpu.memory_space<hbm>> -> memref<1x125x80xi32, #tpu.memory_space<hbm>>
      %dma_start3A_38 = tpu.memref_squeeze %dma_start3A_37 : memref<1x125x80xi32, #tpu.memory_space<hbm>> -> memref<125x80xi32, #tpu.memory_space<hbm>>
      %dma_start3A_39 = arith.constant 0 : i32
      %dma_start3A_40 = arith.constant 0 : i32
      %dma_start3A_41 = tpu.memref_slice %arg2[%add3A, %dma_start3A_39, %dma_start3A_40] : memref<32x125x80xi32, #tpu.memory_space<hbm>> -> memref<1x125x80xi32, #tpu.memory_space<hbm>>
      %dma_start3A_42 = tpu.memref_squeeze %dma_start3A_41 : memref<1x125x80xi32, #tpu.memory_space<hbm>> -> memref<125x80xi32, #tpu.memory_space<hbm>>
      tpu.enqueue_dma source(%dma_start3A_42 : memref<125x80xi32, #tpu.memory_space<hbm>>) target(%arg6 : memref<125x80xi32, #tpu.memory_space<vmem>>) target_semaphore(%run_scoped3A : memref<!tpu.dma_semaphore, #tpu.memory_space<semaphore_mem>>)
      %dma_wait3A_43 = arith.constant 0 : i32
      %dma_wait3A_44 = arith.constant 0 : i32
      %dma_wait3A_45 = tpu.memref_slice %arg2[%add3A, %dma_wait3A_43, %dma_wait3A_44] : memref<32x125x80xi32, #tpu.memory_space<hbm>> -> memref<1x125x80xi32, #tpu.memory_space<hbm>>
      %dma_wait3A_46 = tpu.memref_squeeze %dma_wait3A_45 : memref<1x125x80xi32, #tpu.memory_space<hbm>> -> memref<125x80xi32, #tpu.memory_space<hbm>>
      %dma_wait3A_47 = arith.constant 0 : i32
      %dma_wait3A_48 = arith.constant 0 : i32
      %dma_wait3A_49 = tpu.memref_slice %arg2[%add3A, %dma_wait3A_47, %dma_wait3A_48] : memref<32x125x80xi32, #tpu.memory_space<hbm>> -> memref<1x125x80xi32, #tpu.memory_space<hbm>>
      %dma_wait3A_50 = tpu.memref_squeeze %dma_wait3A_49 : memref<1x125x80xi32, #tpu.memory_space<hbm>> -> memref<125x80xi32, #tpu.memory_space<hbm>>
      tpu.wait_dma2 semaphore(%run_scoped3A : memref<!tpu.dma_semaphore, #tpu.memory_space<semaphore_mem>>) src(%dma_wait3A_50 : memref<125x80xi32, #tpu.memory_space<hbm>>) dst(%arg6 : memref<125x80xi32, #tpu.memory_space<vmem>>)
      tpu.yield
    }) : () -> ()
    "tpu.region"() ({
      %run_scoped3A = tpu.sem_alloc : memref<!tpu.dma_semaphore, #tpu.memory_space<semaphore_mem>>
      tpu.enqueue_dma source(%arg4 : memref<80x128xf32, #tpu.memory_space<hbm>>) target(%arg7 : memref<80x128xf32, #tpu.memory_space<vmem>>) target_semaphore(%run_scoped3A : memref<!tpu.dma_semaphore, #tpu.memory_space<semaphore_mem>>)
      tpu.wait_dma2 semaphore(%run_scoped3A : memref<!tpu.dma_semaphore, #tpu.memory_space<semaphore_mem>>) src(%arg4 : memref<80x128xf32, #tpu.memory_space<hbm>>) dst(%arg7 : memref<80x128xf32, #tpu.memory_space<vmem>>)
      tpu.yield
    }) : () -> ()
    "tpu.region"() ({
      %run_scoped3A = tpu.sem_alloc : memref<!tpu.dma_semaphore, #tpu.memory_space<semaphore_mem>>
      %dma_start3A = arith.constant 0 : i32
      %dma_start3A_36 = tpu.memref_slice %arg8[%mul3A_2, %dma_start3A] : memref<10240x128xf32, #tpu.memory_space<vmem_shared>> -> memref<640x128xf32, #tpu.memory_space<vmem_shared>>
      %dma_start3A_37 = arith.constant 0 : i32
      %dma_start3A_38 = tpu.memref_slice %arg3[%mul3A_2, %dma_start3A_37] : memref<10240x128xf32, #tpu.memory_space<hbm>> -> memref<640x128xf32, #tpu.memory_space<hbm>>
      tpu.enqueue_dma source(%dma_start3A_38 : memref<640x128xf32, #tpu.memory_space<hbm>>) target(%dma_start3A_36 : memref<640x128xf32, #tpu.memory_space<vmem_shared>>) target_semaphore(%run_scoped3A : memref<!tpu.dma_semaphore, #tpu.memory_space<semaphore_mem>>)
      %dma_wait3A_39 = arith.constant 0 : i32
      %dma_wait3A_40 = tpu.memref_slice %arg8[%mul3A_2, %dma_wait3A_39] : memref<10240x128xf32, #tpu.memory_space<vmem_shared>> -> memref<640x128xf32, #tpu.memory_space<vmem_shared>>
      %dma_wait3A_41 = arith.constant 0 : i32
      %dma_wait3A_42 = tpu.memref_slice %arg3[%mul3A_2, %dma_wait3A_41] : memref<10240x128xf32, #tpu.memory_space<hbm>> -> memref<640x128xf32, #tpu.memory_space<hbm>>
      tpu.wait_dma2 semaphore(%run_scoped3A : memref<!tpu.dma_semaphore, #tpu.memory_space<semaphore_mem>>) src(%dma_wait3A_42 : memref<640x128xf32, #tpu.memory_space<hbm>>) dst(%dma_wait3A_40 : memref<640x128xf32, #tpu.memory_space<vmem_shared>>)
      tpu.yield
    }) : () -> ()
    %barrier3A = arith.constant 0 : index
    tpu.barrier barrier_id(%barrier3A)
    %scan3A = arith.constant 0 : i32
    %scan3A_3 = arith.constant 0 : i32
    %scan3A_4 = arith.constant 125 : i32
    %scan3A_5 = arith.addi %scan3A_3, %scan3A_4 : i32
    %scan3A_6 = arith.constant 1 : i32
    scf.for %scan3A_36 = %scan3A_3 to %scan3A_5 step %scan3A_6  : i32 {
      %dma_start3A = arith.constant 0 : i32
      %dma_start3A_37 = tpu.memref_slice %arg6[%scan3A_36, %dma_start3A] : memref<125x80xi32, #tpu.memory_space<vmem>> -> memref<1x80xi32, #tpu.memory_space<vmem>>
      %dma_start3A_38 = tpu.memref_squeeze %dma_start3A_37 : memref<1x80xi32, #tpu.memory_space<vmem>> -> memref<80xi32, #tpu.memory_space<vmem>>
      %dma_start3A_39 = arith.constant 0 : i32
      %dma_start3A_40 = arith.constant 0 : i32
      %dma_start3A_41 = tpu.memref_slice %arg8[%dma_start3A_39, %dma_start3A_40] : memref<10240x128xf32, #tpu.memory_space<vmem_shared>> -> memref<10240x128xf32, #tpu.memory_space<vmem_shared>>
      tpu.enqueue_indirect_dma source(%arg7 : memref<80x128xf32, #tpu.memory_space<vmem>>) target(%dma_start3A_41 : memref<10240x128xf32, #tpu.memory_space<vmem_shared>>) offsets(%dma_start3A_38 : memref<80xi32, #tpu.memory_space<vmem>>) semaphore(%arg9 : memref<!tpu.dma_semaphore, #tpu.memory_space<semaphore_mem>>) {add = true}
      %ge3A = arith.constant 4 : i32
      %ge3A_42 = arith.cmpi sge, %scan3A_36, %ge3A : i32
      %convert_element_type3A = arith.extui %ge3A_42 : i1 to i32
      %cond3A = arith.constant 0 : i32
      %cond3A_43 = arith.cmpi ne, %convert_element_type3A, %cond3A : i32
      scf.if %cond3A_43 {
        %dma_wait3A_44 = arith.constant 0 : i32
        %dma_wait3A_45 = arith.constant 0 : i32
        %dma_wait3A_46 = tpu.memref_slice %arg6[%dma_wait3A_44, %dma_wait3A_45] : memref<125x80xi32, #tpu.memory_space<vmem>> -> memref<1x80xi32, #tpu.memory_space<vmem>>
        %dma_wait3A_47 = tpu.memref_squeeze %dma_wait3A_46 : memref<1x80xi32, #tpu.memory_space<vmem>> -> memref<80xi32, #tpu.memory_space<vmem>>
        %dma_wait3A_48 = arith.constant 0 : i32
        %dma_wait3A_49 = arith.constant 0 : i32
        %dma_wait3A_50 = tpu.memref_slice %arg8[%dma_wait3A_48, %dma_wait3A_49] : memref<10240x128xf32, #tpu.memory_space<vmem_shared>> -> memref<10240x128xf32, #tpu.memory_space<vmem_shared>>
        tpu.wait_indirect_dma semaphore(%arg9 : memref<!tpu.dma_semaphore, #tpu.memory_space<semaphore_mem>>) src(%arg7 : memref<80x128xf32, #tpu.memory_space<vmem>>) dst(%dma_wait3A_50 : memref<10240x128xf32, #tpu.memory_space<vmem_shared>>)
      } else {
      }
    }
    %scan3A_7 = arith.constant 125 : i32
    %dma_wait3A = arith.constant 0 : i32
    %dma_wait3A_8 = arith.constant 0 : i32
    %dma_wait3A_9 = tpu.memref_slice %arg6[%dma_wait3A, %dma_wait3A_8] : memref<125x80xi32, #tpu.memory_space<vmem>> -> memref<1x80xi32, #tpu.memory_space<vmem>>
    %dma_wait3A_10 = tpu.memref_squeeze %dma_wait3A_9 : memref<1x80xi32, #tpu.memory_space<vmem>> -> memref<80xi32, #tpu.memory_space<vmem>>
    %dma_wait3A_11 = arith.constant 0 : i32
    %dma_wait3A_12 = arith.constant 0 : i32
    %dma_wait3A_13 = tpu.memref_slice %arg8[%dma_wait3A_11, %dma_wait3A_12] : memref<10240x128xf32, #tpu.memory_space<vmem_shared>> -> memref<10240x128xf32, #tpu.memory_space<vmem_shared>>
    tpu.wait_indirect_dma semaphore(%arg9 : memref<!tpu.dma_semaphore, #tpu.memory_space<semaphore_mem>>) src(%arg7 : memref<80x128xf32, #tpu.memory_space<vmem>>) dst(%dma_wait3A_13 : memref<10240x128xf32, #tpu.memory_space<vmem_shared>>)
    %dma_wait3A_14 = arith.constant 0 : i32
    %dma_wait3A_15 = arith.constant 0 : i32
    %dma_wait3A_16 = tpu.memref_slice %arg6[%dma_wait3A_14, %dma_wait3A_15] : memref<125x80xi32, #tpu.memory_space<vmem>> -> memref<1x80xi32, #tpu.memory_space<vmem>>
    %dma_wait3A_17 = tpu.memref_squeeze %dma_wait3A_16 : memref<1x80xi32, #tpu.memory_space<vmem>> -> memref<80xi32, #tpu.memory_space<vmem>>
    %dma_wait3A_18 = arith.constant 0 : i32
    %dma_wait3A_19 = arith.constant 0 : i32
    %dma_wait3A_20 = tpu.memref_slice %arg8[%dma_wait3A_18, %dma_wait3A_19] : memref<10240x128xf32, #tpu.memory_space<vmem_shared>> -> memref<10240x128xf32, #tpu.memory_space<vmem_shared>>
    tpu.wait_indirect_dma semaphore(%arg9 : memref<!tpu.dma_semaphore, #tpu.memory_space<semaphore_mem>>) src(%arg7 : memref<80x128xf32, #tpu.memory_space<vmem>>) dst(%dma_wait3A_20 : memref<10240x128xf32, #tpu.memory_space<vmem_shared>>)
    %dma_wait3A_21 = arith.constant 0 : i32
    %dma_wait3A_22 = arith.constant 0 : i32
    %dma_wait3A_23 = tpu.memref_slice %arg6[%dma_wait3A_21, %dma_wait3A_22] : memref<125x80xi32, #tpu.memory_space<vmem>> -> memref<1x80xi32, #tpu.memory_space<vmem>>
    %dma_wait3A_24 = tpu.memref_squeeze %dma_wait3A_23 : memref<1x80xi32, #tpu.memory_space<vmem>> -> memref<80xi32, #tpu.memory_space<vmem>>
    %dma_wait3A_25 = arith.constant 0 : i32
    %dma_wait3A_26 = arith.constant 0 : i32
    %dma_wait3A_27 = tpu.memref_slice %arg8[%dma_wait3A_25, %dma_wait3A_26] : memref<10240x128xf32, #tpu.memory_space<vmem_shared>> -> memref<10240x128xf32, #tpu.memory_space<vmem_shared>>
    tpu.wait_indirect_dma semaphore(%arg9 : memref<!tpu.dma_semaphore, #tpu.memory_space<semaphore_mem>>) src(%arg7 : memref<80x128xf32, #tpu.memory_space<vmem>>) dst(%dma_wait3A_27 : memref<10240x128xf32, #tpu.memory_space<vmem_shared>>)
    %dma_wait3A_28 = arith.constant 0 : i32
    %dma_wait3A_29 = arith.constant 0 : i32
    %dma_wait3A_30 = tpu.memref_slice %arg6[%dma_wait3A_28, %dma_wait3A_29] : memref<125x80xi32, #tpu.memory_space<vmem>> -> memref<1x80xi32, #tpu.memory_space<vmem>>
    %dma_wait3A_31 = tpu.memref_squeeze %dma_wait3A_30 : memref<1x80xi32, #tpu.memory_space<vmem>> -> memref<80xi32, #tpu.memory_space<vmem>>
    %dma_wait3A_32 = arith.constant 0 : i32
    %dma_wait3A_33 = arith.constant 0 : i32
    %dma_wait3A_34 = tpu.memref_slice %arg8[%dma_wait3A_32, %dma_wait3A_33] : memref<10240x128xf32, #tpu.memory_space<vmem_shared>> -> memref<10240x128xf32, #tpu.memory_space<vmem_shared>>
    tpu.wait_indirect_dma semaphore(%arg9 : memref<!tpu.dma_semaphore, #tpu.memory_space<semaphore_mem>>) src(%arg7 : memref<80x128xf32, #tpu.memory_space<vmem>>) dst(%dma_wait3A_34 : memref<10240x128xf32, #tpu.memory_space<vmem_shared>>)
    %barrier3A_35 = arith.constant 0 : index
    tpu.barrier barrier_id(%barrier3A_35)
    "tpu.region"() ({
      %run_scoped3A = tpu.sem_alloc : memref<!tpu.dma_semaphore, #tpu.memory_space<semaphore_mem>>
      %dma_start3A = arith.constant 0 : i32
      %dma_start3A_36 = tpu.memref_slice %arg5[%arg0, %mul3A_2, %dma_start3A] : memref<2x10240x128xf32, #tpu.memory_space<hbm>> -> memref<1x640x128xf32, #tpu.memory_space<hbm>>
      %dma_start3A_37 = tpu.memref_squeeze %dma_start3A_36 : memref<1x640x128xf32, #tpu.memory_space<hbm>> -> memref<640x128xf32, #tpu.memory_space<hbm>>
      %dma_start3A_38 = arith.constant 0 : i32
      %dma_start3A_39 = tpu.memref_slice %arg8[%mul3A_2, %dma_start3A_38] : memref<10240x128xf32, #tpu.memory_space<vmem_shared>> -> memref<640x128xf32, #tpu.memory_space<vmem_shared>>
      tpu.enqueue_dma source(%dma_start3A_39 : memref<640x128xf32, #tpu.memory_space<vmem_shared>>) target(%dma_start3A_37 : memref<640x128xf32, #tpu.memory_space<hbm>>) target_semaphore(%run_scoped3A : memref<!tpu.dma_semaphore, #tpu.memory_space<semaphore_mem>>)
      %dma_wait3A_40 = arith.constant 0 : i32
      %dma_wait3A_41 = tpu.memref_slice %arg5[%arg0, %mul3A_2, %dma_wait3A_40] : memref<2x10240x128xf32, #tpu.memory_space<hbm>> -> memref<1x640x128xf32, #tpu.memory_space<hbm>>
      %dma_wait3A_42 = tpu.memref_squeeze %dma_wait3A_41 : memref<1x640x128xf32, #tpu.memory_space<hbm>> -> memref<640x128xf32, #tpu.memory_space<hbm>>
      %dma_wait3A_43 = arith.constant 0 : i32
      %dma_wait3A_44 = tpu.memref_slice %arg8[%mul3A_2, %dma_wait3A_43] : memref<10240x128xf32, #tpu.memory_space<vmem_shared>> -> memref<640x128xf32, #tpu.memory_space<vmem_shared>>
      tpu.wait_dma2 semaphore(%run_scoped3A : memref<!tpu.dma_semaphore, #tpu.memory_space<semaphore_mem>>) src(%dma_wait3A_44 : memref<640x128xf32, #tpu.memory_space<vmem_shared>>) dst(%dma_wait3A_42 : memref<640x128xf32, #tpu.memory_space<hbm>>)
      tpu.yield
    }) : () -> ()
    return
  }
}

#map = affine_map<(d0, d1) -> (0, 0)>
#map1 = affine_map<(d0, d1) -> (0)>
#map2 = affine_map<(d0, d1) -> (0, 0, 0)>
module attributes {stable_mosaic.version = 14 : i64} {
  func.func @agg(%arg0: i32, %arg1: i32, %arg2: memref<10000x128xf32, #tpu.memory_space<hbm>>, %arg3: memref<320000xi32, #tpu.memory_space<hbm>>, %arg4: memref<32x125x80xi32, #tpu.memory_space<hbm>>, %arg5: memref<10240x128xf32, #tpu.memory_space<hbm>>, %arg6: memref<2x10240x128xf32, #tpu.memory_space<hbm>>, %arg7: memref<10000xi32, #tpu.memory_space<vmem>>, %arg8: memref<125x80xi32, #tpu.memory_space<vmem>>, %arg9: memref<2x80x128xf32, #tpu.memory_space<vmem>>, %arg10: memref<10240x128xf32, #tpu.memory_space<vmem_shared>>, %arg11: memref<!tpu.dma_semaphore, #tpu.memory_space<semaphore_mem>>, %arg12: memref<!tpu.dma_semaphore, #tpu.memory_space<semaphore_mem>>) attributes {dimension_semantics = [#tpu.dimension_semantics<core_parallel>, #tpu.dimension_semantics<subcore_parallel>], iteration_bounds = array<i64: 2, 16>, scalar_prefetch = 0 : i64, scratch_operands = 6 : i64, tpu.core_type = #tpu.core_type<sc_vector_subcore>, window_params = [{transform_indices = #map}, {transform_indices = #map1}, {transform_indices = #map2}, {transform_indices = #map}, {transform_indices = #map2}]} {
    %mul3A = arith.constant 2 : i32
    %mul3A_0 = arith.muli %arg1, %mul3A : i32
    %add3A = arith.addi %mul3A_0, %arg0 : i32
    %mul3A_1 = arith.constant 640 : i32
    %mul3A_2 = arith.muli %arg1, %mul3A_1 : i32
    %mul3A_3 = arith.constant 10000 : i32
    %mul3A_4 = arith.muli %add3A, %mul3A_3 : i32
    "tpu.region"() ({
      %run_scoped3A_30 = tpu.sem_alloc : memref<!tpu.dma_semaphore, #tpu.memory_space<semaphore_mem>>
      %dma_start3A_31 = tpu.memref_slice %arg3[%mul3A_4] : memref<320000xi32, #tpu.memory_space<hbm>> -> memref<10000xi32, #tpu.memory_space<hbm>>
      %dma_start3A_32 = tpu.memref_slice %arg3[%mul3A_4] : memref<320000xi32, #tpu.memory_space<hbm>> -> memref<10000xi32, #tpu.memory_space<hbm>>
      tpu.enqueue_dma source(%dma_start3A_32 : memref<10000xi32, #tpu.memory_space<hbm>>) target(%arg7 : memref<10000xi32, #tpu.memory_space<vmem>>) target_semaphore(%run_scoped3A_30 : memref<!tpu.dma_semaphore, #tpu.memory_space<semaphore_mem>>)
      %dma_wait3A_33 = tpu.memref_slice %arg3[%mul3A_4] : memref<320000xi32, #tpu.memory_space<hbm>> -> memref<10000xi32, #tpu.memory_space<hbm>>
      %dma_wait3A_34 = tpu.memref_slice %arg3[%mul3A_4] : memref<320000xi32, #tpu.memory_space<hbm>> -> memref<10000xi32, #tpu.memory_space<hbm>>
      tpu.wait_dma2 semaphore(%run_scoped3A_30 : memref<!tpu.dma_semaphore, #tpu.memory_space<semaphore_mem>>) src(%dma_wait3A_34 : memref<10000xi32, #tpu.memory_space<hbm>>) dst(%arg7 : memref<10000xi32, #tpu.memory_space<vmem>>)
      tpu.yield
    }) : () -> ()
    "tpu.region"() ({
      %run_scoped3A_30 = tpu.sem_alloc : memref<!tpu.dma_semaphore, #tpu.memory_space<semaphore_mem>>
      %dma_start3A_31 = arith.constant 0 : i32
      %dma_start3A_32 = arith.constant 0 : i32
      %dma_start3A_33 = tpu.memref_slice %arg4[%add3A, %dma_start3A_31, %dma_start3A_32] : memref<32x125x80xi32, #tpu.memory_space<hbm>> -> memref<1x125x80xi32, #tpu.memory_space<hbm>>
      %dma_start3A_34 = tpu.memref_squeeze %dma_start3A_33 : memref<1x125x80xi32, #tpu.memory_space<hbm>> -> memref<125x80xi32, #tpu.memory_space<hbm>>
      %dma_start3A_35 = arith.constant 0 : i32
      %dma_start3A_36 = arith.constant 0 : i32
      %dma_start3A_37 = tpu.memref_slice %arg4[%add3A, %dma_start3A_35, %dma_start3A_36] : memref<32x125x80xi32, #tpu.memory_space<hbm>> -> memref<1x125x80xi32, #tpu.memory_space<hbm>>
      %dma_start3A_38 = tpu.memref_squeeze %dma_start3A_37 : memref<1x125x80xi32, #tpu.memory_space<hbm>> -> memref<125x80xi32, #tpu.memory_space<hbm>>
      tpu.enqueue_dma source(%dma_start3A_38 : memref<125x80xi32, #tpu.memory_space<hbm>>) target(%arg8 : memref<125x80xi32, #tpu.memory_space<vmem>>) target_semaphore(%run_scoped3A_30 : memref<!tpu.dma_semaphore, #tpu.memory_space<semaphore_mem>>)
      %dma_wait3A_39 = arith.constant 0 : i32
      %dma_wait3A_40 = arith.constant 0 : i32
      %dma_wait3A_41 = tpu.memref_slice %arg4[%add3A, %dma_wait3A_39, %dma_wait3A_40] : memref<32x125x80xi32, #tpu.memory_space<hbm>> -> memref<1x125x80xi32, #tpu.memory_space<hbm>>
      %dma_wait3A_42 = tpu.memref_squeeze %dma_wait3A_41 : memref<1x125x80xi32, #tpu.memory_space<hbm>> -> memref<125x80xi32, #tpu.memory_space<hbm>>
      %dma_wait3A_43 = arith.constant 0 : i32
      %dma_wait3A_44 = arith.constant 0 : i32
      %dma_wait3A_45 = tpu.memref_slice %arg4[%add3A, %dma_wait3A_43, %dma_wait3A_44] : memref<32x125x80xi32, #tpu.memory_space<hbm>> -> memref<1x125x80xi32, #tpu.memory_space<hbm>>
      %dma_wait3A_46 = tpu.memref_squeeze %dma_wait3A_45 : memref<1x125x80xi32, #tpu.memory_space<hbm>> -> memref<125x80xi32, #tpu.memory_space<hbm>>
      tpu.wait_dma2 semaphore(%run_scoped3A_30 : memref<!tpu.dma_semaphore, #tpu.memory_space<semaphore_mem>>) src(%dma_wait3A_46 : memref<125x80xi32, #tpu.memory_space<hbm>>) dst(%arg8 : memref<125x80xi32, #tpu.memory_space<vmem>>)
      tpu.yield
    }) : () -> ()
    "tpu.region"() ({
      %run_scoped3A_30 = tpu.sem_alloc : memref<!tpu.dma_semaphore, #tpu.memory_space<semaphore_mem>>
      %dma_start3A_31 = arith.constant 0 : i32
      %dma_start3A_32 = tpu.memref_slice %arg10[%mul3A_2, %dma_start3A_31] : memref<10240x128xf32, #tpu.memory_space<vmem_shared>> -> memref<640x128xf32, #tpu.memory_space<vmem_shared>>
      %dma_start3A_33 = arith.constant 0 : i32
      %dma_start3A_34 = tpu.memref_slice %arg5[%mul3A_2, %dma_start3A_33] : memref<10240x128xf32, #tpu.memory_space<hbm>> -> memref<640x128xf32, #tpu.memory_space<hbm>>
      tpu.enqueue_dma source(%dma_start3A_34 : memref<640x128xf32, #tpu.memory_space<hbm>>) target(%dma_start3A_32 : memref<640x128xf32, #tpu.memory_space<vmem_shared>>) target_semaphore(%run_scoped3A_30 : memref<!tpu.dma_semaphore, #tpu.memory_space<semaphore_mem>>)
      %dma_wait3A_35 = arith.constant 0 : i32
      %dma_wait3A_36 = tpu.memref_slice %arg10[%mul3A_2, %dma_wait3A_35] : memref<10240x128xf32, #tpu.memory_space<vmem_shared>> -> memref<640x128xf32, #tpu.memory_space<vmem_shared>>
      %dma_wait3A_37 = arith.constant 0 : i32
      %dma_wait3A_38 = tpu.memref_slice %arg5[%mul3A_2, %dma_wait3A_37] : memref<10240x128xf32, #tpu.memory_space<hbm>> -> memref<640x128xf32, #tpu.memory_space<hbm>>
      tpu.wait_dma2 semaphore(%run_scoped3A_30 : memref<!tpu.dma_semaphore, #tpu.memory_space<semaphore_mem>>) src(%dma_wait3A_38 : memref<640x128xf32, #tpu.memory_space<hbm>>) dst(%dma_wait3A_36 : memref<640x128xf32, #tpu.memory_space<vmem_shared>>)
      tpu.yield
    }) : () -> ()
    %barrier3A = arith.constant 0 : index
    tpu.barrier barrier_id(%barrier3A)
    %scan3A = arith.constant 0 : i32
    %scan3A_5 = arith.constant 0 : i32
    %scan3A_6 = arith.constant 62 : i32
    %scan3A_7 = arith.addi %scan3A_5, %scan3A_6 : i32
    %scan3A_8 = arith.constant 1 : i32
    scf.for %scan3A_30 = %scan3A_5 to %scan3A_7 step %scan3A_8  : i32 {
      %mul3A_31 = arith.constant 2 : i32
      %mul3A_32 = arith.muli %mul3A_31, %scan3A_30 : i32
      %mul3A_33 = arith.constant 80 : i32
      %mul3A_34 = arith.muli %mul3A_32, %mul3A_33 : i32
      %add3A_35 = arith.constant 1 : i32
      %add3A_36 = arith.addi %mul3A_32, %add3A_35 : i32
      %mul3A_37 = arith.constant 80 : i32
      %mul3A_38 = arith.muli %add3A_36, %mul3A_37 : i32
      %dma_start3A_39 = arith.constant 0 : i32
      %dma_start3A_40 = arith.constant 0 : i32
      %dma_start3A_41 = arith.constant 0 : i32
      %dma_start3A_42 = tpu.memref_slice %arg9[%dma_start3A_39, %dma_start3A_40, %dma_start3A_41] : memref<2x80x128xf32, #tpu.memory_space<vmem>> -> memref<1x80x128xf32, #tpu.memory_space<vmem>>
      %dma_start3A_43 = tpu.memref_squeeze %dma_start3A_42 : memref<1x80x128xf32, #tpu.memory_space<vmem>> -> memref<80x128xf32, #tpu.memory_space<vmem>>
      %dma_start3A_44 = tpu.memref_slice %arg7[%mul3A_34] : memref<10000xi32, #tpu.memory_space<vmem>> -> memref<80xi32, #tpu.memory_space<vmem>>
      %dma_start3A_45 = arith.constant 0 : i32
      %dma_start3A_46 = arith.constant 0 : i32
      %dma_start3A_47 = tpu.memref_slice %arg2[%dma_start3A_45, %dma_start3A_46] : memref<10000x128xf32, #tpu.memory_space<hbm>> -> memref<10000x128xf32, #tpu.memory_space<hbm>>
      tpu.enqueue_indirect_dma source(%dma_start3A_47 : memref<10000x128xf32, #tpu.memory_space<hbm>>) target(%dma_start3A_43 : memref<80x128xf32, #tpu.memory_space<vmem>>) offsets(%dma_start3A_44 : memref<80xi32, #tpu.memory_space<vmem>>) semaphore(%arg11 : memref<!tpu.dma_semaphore, #tpu.memory_space<semaphore_mem>>)
      %dma_start3A_48 = arith.constant 1 : i32
      %dma_start3A_49 = arith.constant 0 : i32
      %dma_start3A_50 = arith.constant 0 : i32
      %dma_start3A_51 = tpu.memref_slice %arg9[%dma_start3A_48, %dma_start3A_49, %dma_start3A_50] : memref<2x80x128xf32, #tpu.memory_space<vmem>> -> memref<1x80x128xf32, #tpu.memory_space<vmem>>
      %dma_start3A_52 = tpu.memref_squeeze %dma_start3A_51 : memref<1x80x128xf32, #tpu.memory_space<vmem>> -> memref<80x128xf32, #tpu.memory_space<vmem>>
      %dma_start3A_53 = tpu.memref_slice %arg7[%mul3A_38] : memref<10000xi32, #tpu.memory_space<vmem>> -> memref<80xi32, #tpu.memory_space<vmem>>
      %dma_start3A_54 = arith.constant 0 : i32
      %dma_start3A_55 = arith.constant 0 : i32
      %dma_start3A_56 = tpu.memref_slice %arg2[%dma_start3A_54, %dma_start3A_55] : memref<10000x128xf32, #tpu.memory_space<hbm>> -> memref<10000x128xf32, #tpu.memory_space<hbm>>
      tpu.enqueue_indirect_dma source(%dma_start3A_56 : memref<10000x128xf32, #tpu.memory_space<hbm>>) target(%dma_start3A_52 : memref<80x128xf32, #tpu.memory_space<vmem>>) offsets(%dma_start3A_53 : memref<80xi32, #tpu.memory_space<vmem>>) semaphore(%arg12 : memref<!tpu.dma_semaphore, #tpu.memory_space<semaphore_mem>>)
      %dma_wait3A_57 = arith.constant 0 : i32
      %dma_wait3A_58 = arith.constant 0 : i32
      %dma_wait3A_59 = arith.constant 0 : i32
      %dma_wait3A_60 = tpu.memref_slice %arg9[%dma_wait3A_57, %dma_wait3A_58, %dma_wait3A_59] : memref<2x80x128xf32, #tpu.memory_space<vmem>> -> memref<1x80x128xf32, #tpu.memory_space<vmem>>
      %dma_wait3A_61 = tpu.memref_squeeze %dma_wait3A_60 : memref<1x80x128xf32, #tpu.memory_space<vmem>> -> memref<80x128xf32, #tpu.memory_space<vmem>>
      %dma_wait3A_62 = tpu.memref_slice %arg7[%mul3A_34] : memref<10000xi32, #tpu.memory_space<vmem>> -> memref<80xi32, #tpu.memory_space<vmem>>
      %dma_wait3A_63 = arith.constant 0 : i32
      %dma_wait3A_64 = arith.constant 0 : i32
      %dma_wait3A_65 = tpu.memref_slice %arg2[%dma_wait3A_63, %dma_wait3A_64] : memref<10000x128xf32, #tpu.memory_space<hbm>> -> memref<10000x128xf32, #tpu.memory_space<hbm>>
      tpu.wait_indirect_dma semaphore(%arg11 : memref<!tpu.dma_semaphore, #tpu.memory_space<semaphore_mem>>) src(%dma_wait3A_65 : memref<10000x128xf32, #tpu.memory_space<hbm>>) dst(%dma_wait3A_61 : memref<80x128xf32, #tpu.memory_space<vmem>>)
      %run_scoped3A_66 = arith.constant 0 : i32
      "tpu.region"() ({
        %run_scoped3A_79 = tpu.sem_alloc : memref<!tpu.dma_semaphore, #tpu.memory_space<semaphore_mem>>
        %dma_start3A_80 = arith.constant 0 : i32
        %dma_start3A_81 = arith.constant 0 : i32
        %dma_start3A_82 = tpu.memref_slice %arg9[%run_scoped3A_66, %dma_start3A_80, %dma_start3A_81] : memref<2x80x128xf32, #tpu.memory_space<vmem>> -> memref<1x80x128xf32, #tpu.memory_space<vmem>>
        %dma_start3A_83 = tpu.memref_squeeze %dma_start3A_82 : memref<1x80x128xf32, #tpu.memory_space<vmem>> -> memref<80x128xf32, #tpu.memory_space<vmem>>
        %dma_start3A_84 = arith.constant 0 : i32
        %dma_start3A_85 = tpu.memref_slice %arg8[%mul3A_32, %dma_start3A_84] : memref<125x80xi32, #tpu.memory_space<vmem>> -> memref<1x80xi32, #tpu.memory_space<vmem>>
        %dma_start3A_86 = tpu.memref_squeeze %dma_start3A_85 : memref<1x80xi32, #tpu.memory_space<vmem>> -> memref<80xi32, #tpu.memory_space<vmem>>
        %dma_start3A_87 = arith.constant 0 : i32
        %dma_start3A_88 = arith.constant 0 : i32
        %dma_start3A_89 = tpu.memref_slice %arg10[%dma_start3A_87, %dma_start3A_88] : memref<10240x128xf32, #tpu.memory_space<vmem_shared>> -> memref<10240x128xf32, #tpu.memory_space<vmem_shared>>
        tpu.enqueue_indirect_dma source(%dma_start3A_83 : memref<80x128xf32, #tpu.memory_space<vmem>>) target(%dma_start3A_89 : memref<10240x128xf32, #tpu.memory_space<vmem_shared>>) offsets(%dma_start3A_86 : memref<80xi32, #tpu.memory_space<vmem>>) semaphore(%run_scoped3A_79 : memref<!tpu.dma_semaphore, #tpu.memory_space<semaphore_mem>>) {add = true}
        %dma_wait3A_90 = arith.constant 0 : i32
        %dma_wait3A_91 = arith.constant 0 : i32
        %dma_wait3A_92 = tpu.memref_slice %arg9[%run_scoped3A_66, %dma_wait3A_90, %dma_wait3A_91] : memref<2x80x128xf32, #tpu.memory_space<vmem>> -> memref<1x80x128xf32, #tpu.memory_space<vmem>>
        %dma_wait3A_93 = tpu.memref_squeeze %dma_wait3A_92 : memref<1x80x128xf32, #tpu.memory_space<vmem>> -> memref<80x128xf32, #tpu.memory_space<vmem>>
        %dma_wait3A_94 = arith.constant 0 : i32
        %dma_wait3A_95 = tpu.memref_slice %arg8[%mul3A_32, %dma_wait3A_94] : memref<125x80xi32, #tpu.memory_space<vmem>> -> memref<1x80xi32, #tpu.memory_space<vmem>>
        %dma_wait3A_96 = tpu.memref_squeeze %dma_wait3A_95 : memref<1x80xi32, #tpu.memory_space<vmem>> -> memref<80xi32, #tpu.memory_space<vmem>>
        %dma_wait3A_97 = arith.constant 0 : i32
        %dma_wait3A_98 = arith.constant 0 : i32
        %dma_wait3A_99 = tpu.memref_slice %arg10[%dma_wait3A_97, %dma_wait3A_98] : memref<10240x128xf32, #tpu.memory_space<vmem_shared>> -> memref<10240x128xf32, #tpu.memory_space<vmem_shared>>
        tpu.wait_indirect_dma semaphore(%run_scoped3A_79 : memref<!tpu.dma_semaphore, #tpu.memory_space<semaphore_mem>>) src(%dma_wait3A_93 : memref<80x128xf32, #tpu.memory_space<vmem>>) dst(%dma_wait3A_99 : memref<10240x128xf32, #tpu.memory_space<vmem_shared>>)
        tpu.yield
      }) : () -> ()
      %dma_wait3A_67 = arith.constant 1 : i32
      %dma_wait3A_68 = arith.constant 0 : i32
      %dma_wait3A_69 = arith.constant 0 : i32
      %dma_wait3A_70 = tpu.memref_slice %arg9[%dma_wait3A_67, %dma_wait3A_68, %dma_wait3A_69] : memref<2x80x128xf32, #tpu.memory_space<vmem>> -> memref<1x80x128xf32, #tpu.memory_space<vmem>>
      %dma_wait3A_71 = tpu.memref_squeeze %dma_wait3A_70 : memref<1x80x128xf32, #tpu.memory_space<vmem>> -> memref<80x128xf32, #tpu.memory_space<vmem>>
      %dma_wait3A_72 = tpu.memref_slice %arg7[%mul3A_38] : memref<10000xi32, #tpu.memory_space<vmem>> -> memref<80xi32, #tpu.memory_space<vmem>>
      %dma_wait3A_73 = arith.constant 0 : i32
      %dma_wait3A_74 = arith.constant 0 : i32
      %dma_wait3A_75 = tpu.memref_slice %arg2[%dma_wait3A_73, %dma_wait3A_74] : memref<10000x128xf32, #tpu.memory_space<hbm>> -> memref<10000x128xf32, #tpu.memory_space<hbm>>
      tpu.wait_indirect_dma semaphore(%arg12 : memref<!tpu.dma_semaphore, #tpu.memory_space<semaphore_mem>>) src(%dma_wait3A_75 : memref<10000x128xf32, #tpu.memory_space<hbm>>) dst(%dma_wait3A_71 : memref<80x128xf32, #tpu.memory_space<vmem>>)
      %add3A_76 = arith.constant 1 : i32
      %add3A_77 = arith.addi %mul3A_32, %add3A_76 : i32
      %run_scoped3A_78 = arith.constant 1 : i32
      "tpu.region"() ({
        %run_scoped3A_79 = tpu.sem_alloc : memref<!tpu.dma_semaphore, #tpu.memory_space<semaphore_mem>>
        %dma_start3A_80 = arith.constant 0 : i32
        %dma_start3A_81 = arith.constant 0 : i32
        %dma_start3A_82 = tpu.memref_slice %arg9[%run_scoped3A_78, %dma_start3A_80, %dma_start3A_81] : memref<2x80x128xf32, #tpu.memory_space<vmem>> -> memref<1x80x128xf32, #tpu.memory_space<vmem>>
        %dma_start3A_83 = tpu.memref_squeeze %dma_start3A_82 : memref<1x80x128xf32, #tpu.memory_space<vmem>> -> memref<80x128xf32, #tpu.memory_space<vmem>>
        %dma_start3A_84 = arith.constant 0 : i32
        %dma_start3A_85 = tpu.memref_slice %arg8[%add3A_77, %dma_start3A_84] : memref<125x80xi32, #tpu.memory_space<vmem>> -> memref<1x80xi32, #tpu.memory_space<vmem>>
        %dma_start3A_86 = tpu.memref_squeeze %dma_start3A_85 : memref<1x80xi32, #tpu.memory_space<vmem>> -> memref<80xi32, #tpu.memory_space<vmem>>
        %dma_start3A_87 = arith.constant 0 : i32
        %dma_start3A_88 = arith.constant 0 : i32
        %dma_start3A_89 = tpu.memref_slice %arg10[%dma_start3A_87, %dma_start3A_88] : memref<10240x128xf32, #tpu.memory_space<vmem_shared>> -> memref<10240x128xf32, #tpu.memory_space<vmem_shared>>
        tpu.enqueue_indirect_dma source(%dma_start3A_83 : memref<80x128xf32, #tpu.memory_space<vmem>>) target(%dma_start3A_89 : memref<10240x128xf32, #tpu.memory_space<vmem_shared>>) offsets(%dma_start3A_86 : memref<80xi32, #tpu.memory_space<vmem>>) semaphore(%run_scoped3A_79 : memref<!tpu.dma_semaphore, #tpu.memory_space<semaphore_mem>>) {add = true}
        %dma_wait3A_90 = arith.constant 0 : i32
        %dma_wait3A_91 = arith.constant 0 : i32
        %dma_wait3A_92 = tpu.memref_slice %arg9[%run_scoped3A_78, %dma_wait3A_90, %dma_wait3A_91] : memref<2x80x128xf32, #tpu.memory_space<vmem>> -> memref<1x80x128xf32, #tpu.memory_space<vmem>>
        %dma_wait3A_93 = tpu.memref_squeeze %dma_wait3A_92 : memref<1x80x128xf32, #tpu.memory_space<vmem>> -> memref<80x128xf32, #tpu.memory_space<vmem>>
        %dma_wait3A_94 = arith.constant 0 : i32
        %dma_wait3A_95 = tpu.memref_slice %arg8[%add3A_77, %dma_wait3A_94] : memref<125x80xi32, #tpu.memory_space<vmem>> -> memref<1x80xi32, #tpu.memory_space<vmem>>
        %dma_wait3A_96 = tpu.memref_squeeze %dma_wait3A_95 : memref<1x80xi32, #tpu.memory_space<vmem>> -> memref<80xi32, #tpu.memory_space<vmem>>
        %dma_wait3A_97 = arith.constant 0 : i32
        %dma_wait3A_98 = arith.constant 0 : i32
        %dma_wait3A_99 = tpu.memref_slice %arg10[%dma_wait3A_97, %dma_wait3A_98] : memref<10240x128xf32, #tpu.memory_space<vmem_shared>> -> memref<10240x128xf32, #tpu.memory_space<vmem_shared>>
        tpu.wait_indirect_dma semaphore(%run_scoped3A_79 : memref<!tpu.dma_semaphore, #tpu.memory_space<semaphore_mem>>) src(%dma_wait3A_93 : memref<80x128xf32, #tpu.memory_space<vmem>>) dst(%dma_wait3A_99 : memref<10240x128xf32, #tpu.memory_space<vmem_shared>>)
        tpu.yield
      }) : () -> ()
    }
    %scan3A_9 = arith.constant 62 : i32
    %dma_start3A = arith.constant 0 : i32
    %dma_start3A_10 = arith.constant 0 : i32
    %dma_start3A_11 = arith.constant 0 : i32
    %dma_start3A_12 = tpu.memref_slice %arg9[%dma_start3A, %dma_start3A_10, %dma_start3A_11] : memref<2x80x128xf32, #tpu.memory_space<vmem>> -> memref<1x80x128xf32, #tpu.memory_space<vmem>>
    %dma_start3A_13 = tpu.memref_squeeze %dma_start3A_12 : memref<1x80x128xf32, #tpu.memory_space<vmem>> -> memref<80x128xf32, #tpu.memory_space<vmem>>
    %dma_start3A_14 = arith.constant 9920 : i32
    %dma_start3A_15 = tpu.memref_slice %arg7[%dma_start3A_14] : memref<10000xi32, #tpu.memory_space<vmem>> -> memref<80xi32, #tpu.memory_space<vmem>>
    %dma_start3A_16 = arith.constant 0 : i32
    %dma_start3A_17 = arith.constant 0 : i32
    %dma_start3A_18 = tpu.memref_slice %arg2[%dma_start3A_16, %dma_start3A_17] : memref<10000x128xf32, #tpu.memory_space<hbm>> -> memref<10000x128xf32, #tpu.memory_space<hbm>>
    tpu.enqueue_indirect_dma source(%dma_start3A_18 : memref<10000x128xf32, #tpu.memory_space<hbm>>) target(%dma_start3A_13 : memref<80x128xf32, #tpu.memory_space<vmem>>) offsets(%dma_start3A_15 : memref<80xi32, #tpu.memory_space<vmem>>) semaphore(%arg11 : memref<!tpu.dma_semaphore, #tpu.memory_space<semaphore_mem>>)
    %dma_wait3A = arith.constant 0 : i32
    %dma_wait3A_19 = arith.constant 0 : i32
    %dma_wait3A_20 = arith.constant 0 : i32
    %dma_wait3A_21 = tpu.memref_slice %arg9[%dma_wait3A, %dma_wait3A_19, %dma_wait3A_20] : memref<2x80x128xf32, #tpu.memory_space<vmem>> -> memref<1x80x128xf32, #tpu.memory_space<vmem>>
    %dma_wait3A_22 = tpu.memref_squeeze %dma_wait3A_21 : memref<1x80x128xf32, #tpu.memory_space<vmem>> -> memref<80x128xf32, #tpu.memory_space<vmem>>
    %dma_wait3A_23 = arith.constant 9920 : i32
    %dma_wait3A_24 = tpu.memref_slice %arg7[%dma_wait3A_23] : memref<10000xi32, #tpu.memory_space<vmem>> -> memref<80xi32, #tpu.memory_space<vmem>>
    %dma_wait3A_25 = arith.constant 0 : i32
    %dma_wait3A_26 = arith.constant 0 : i32
    %dma_wait3A_27 = tpu.memref_slice %arg2[%dma_wait3A_25, %dma_wait3A_26] : memref<10000x128xf32, #tpu.memory_space<hbm>> -> memref<10000x128xf32, #tpu.memory_space<hbm>>
    tpu.wait_indirect_dma semaphore(%arg11 : memref<!tpu.dma_semaphore, #tpu.memory_space<semaphore_mem>>) src(%dma_wait3A_27 : memref<10000x128xf32, #tpu.memory_space<hbm>>) dst(%dma_wait3A_22 : memref<80x128xf32, #tpu.memory_space<vmem>>)
    %run_scoped3A = arith.constant 0 : i32
    %run_scoped3A_28 = arith.constant 124 : i32
    "tpu.region"() ({
      %run_scoped3A_30 = tpu.sem_alloc : memref<!tpu.dma_semaphore, #tpu.memory_space<semaphore_mem>>
      %dma_start3A_31 = arith.constant 0 : i32
      %dma_start3A_32 = arith.constant 0 : i32
      %dma_start3A_33 = tpu.memref_slice %arg9[%run_scoped3A, %dma_start3A_31, %dma_start3A_32] : memref<2x80x128xf32, #tpu.memory_space<vmem>> -> memref<1x80x128xf32, #tpu.memory_space<vmem>>
      %dma_start3A_34 = tpu.memref_squeeze %dma_start3A_33 : memref<1x80x128xf32, #tpu.memory_space<vmem>> -> memref<80x128xf32, #tpu.memory_space<vmem>>
      %dma_start3A_35 = arith.constant 0 : i32
      %dma_start3A_36 = tpu.memref_slice %arg8[%run_scoped3A_28, %dma_start3A_35] : memref<125x80xi32, #tpu.memory_space<vmem>> -> memref<1x80xi32, #tpu.memory_space<vmem>>
      %dma_start3A_37 = tpu.memref_squeeze %dma_start3A_36 : memref<1x80xi32, #tpu.memory_space<vmem>> -> memref<80xi32, #tpu.memory_space<vmem>>
      %dma_start3A_38 = arith.constant 0 : i32
      %dma_start3A_39 = arith.constant 0 : i32
      %dma_start3A_40 = tpu.memref_slice %arg10[%dma_start3A_38, %dma_start3A_39] : memref<10240x128xf32, #tpu.memory_space<vmem_shared>> -> memref<10240x128xf32, #tpu.memory_space<vmem_shared>>
      tpu.enqueue_indirect_dma source(%dma_start3A_34 : memref<80x128xf32, #tpu.memory_space<vmem>>) target(%dma_start3A_40 : memref<10240x128xf32, #tpu.memory_space<vmem_shared>>) offsets(%dma_start3A_37 : memref<80xi32, #tpu.memory_space<vmem>>) semaphore(%run_scoped3A_30 : memref<!tpu.dma_semaphore, #tpu.memory_space<semaphore_mem>>) {add = true}
      %dma_wait3A_41 = arith.constant 0 : i32
      %dma_wait3A_42 = arith.constant 0 : i32
      %dma_wait3A_43 = tpu.memref_slice %arg9[%run_scoped3A, %dma_wait3A_41, %dma_wait3A_42] : memref<2x80x128xf32, #tpu.memory_space<vmem>> -> memref<1x80x128xf32, #tpu.memory_space<vmem>>
      %dma_wait3A_44 = tpu.memref_squeeze %dma_wait3A_43 : memref<1x80x128xf32, #tpu.memory_space<vmem>> -> memref<80x128xf32, #tpu.memory_space<vmem>>
      %dma_wait3A_45 = arith.constant 0 : i32
      %dma_wait3A_46 = tpu.memref_slice %arg8[%run_scoped3A_28, %dma_wait3A_45] : memref<125x80xi32, #tpu.memory_space<vmem>> -> memref<1x80xi32, #tpu.memory_space<vmem>>
      %dma_wait3A_47 = tpu.memref_squeeze %dma_wait3A_46 : memref<1x80xi32, #tpu.memory_space<vmem>> -> memref<80xi32, #tpu.memory_space<vmem>>
      %dma_wait3A_48 = arith.constant 0 : i32
      %dma_wait3A_49 = arith.constant 0 : i32
      %dma_wait3A_50 = tpu.memref_slice %arg10[%dma_wait3A_48, %dma_wait3A_49] : memref<10240x128xf32, #tpu.memory_space<vmem_shared>> -> memref<10240x128xf32, #tpu.memory_space<vmem_shared>>
      tpu.wait_indirect_dma semaphore(%run_scoped3A_30 : memref<!tpu.dma_semaphore, #tpu.memory_space<semaphore_mem>>) src(%dma_wait3A_44 : memref<80x128xf32, #tpu.memory_space<vmem>>) dst(%dma_wait3A_50 : memref<10240x128xf32, #tpu.memory_space<vmem_shared>>)
      tpu.yield
    }) : () -> ()
    %barrier3A_29 = arith.constant 0 : index
    tpu.barrier barrier_id(%barrier3A_29)
    "tpu.region"() ({
      %run_scoped3A_30 = tpu.sem_alloc : memref<!tpu.dma_semaphore, #tpu.memory_space<semaphore_mem>>
      %dma_start3A_31 = arith.constant 0 : i32
      %dma_start3A_32 = tpu.memref_slice %arg6[%arg0, %mul3A_2, %dma_start3A_31] : memref<2x10240x128xf32, #tpu.memory_space<hbm>> -> memref<1x640x128xf32, #tpu.memory_space<hbm>>
      %dma_start3A_33 = tpu.memref_squeeze %dma_start3A_32 : memref<1x640x128xf32, #tpu.memory_space<hbm>> -> memref<640x128xf32, #tpu.memory_space<hbm>>
      %dma_start3A_34 = arith.constant 0 : i32
      %dma_start3A_35 = tpu.memref_slice %arg10[%mul3A_2, %dma_start3A_34] : memref<10240x128xf32, #tpu.memory_space<vmem_shared>> -> memref<640x128xf32, #tpu.memory_space<vmem_shared>>
      tpu.enqueue_dma source(%dma_start3A_35 : memref<640x128xf32, #tpu.memory_space<vmem_shared>>) target(%dma_start3A_33 : memref<640x128xf32, #tpu.memory_space<hbm>>) target_semaphore(%run_scoped3A_30 : memref<!tpu.dma_semaphore, #tpu.memory_space<semaphore_mem>>)
      %dma_wait3A_36 = arith.constant 0 : i32
      %dma_wait3A_37 = tpu.memref_slice %arg6[%arg0, %mul3A_2, %dma_wait3A_36] : memref<2x10240x128xf32, #tpu.memory_space<hbm>> -> memref<1x640x128xf32, #tpu.memory_space<hbm>>
      %dma_wait3A_38 = tpu.memref_squeeze %dma_wait3A_37 : memref<1x640x128xf32, #tpu.memory_space<hbm>> -> memref<640x128xf32, #tpu.memory_space<hbm>>
      %dma_wait3A_39 = arith.constant 0 : i32
      %dma_wait3A_40 = tpu.memref_slice %arg10[%mul3A_2, %dma_wait3A_39] : memref<10240x128xf32, #tpu.memory_space<vmem_shared>> -> memref<640x128xf32, #tpu.memory_space<vmem_shared>>
      tpu.wait_dma2 semaphore(%run_scoped3A_30 : memref<!tpu.dma_semaphore, #tpu.memory_space<semaphore_mem>>) src(%dma_wait3A_40 : memref<640x128xf32, #tpu.memory_space<vmem_shared>>) dst(%dma_wait3A_38 : memref<640x128xf32, #tpu.memory_space<hbm>>)
      tpu.yield
    }) : () -> ()
    return
  }
}

#map = affine_map<(d0, d1) -> (0, 0)>
#map1 = affine_map<(d0, d1) -> (0)>
#map2 = affine_map<(d0, d1) -> (0, 0, 0)>
module attributes {stable_mosaic.version = 14 : i64} {
  func.func @agg(%arg0: i32, %arg1: i32, %arg2: memref<10000x128xf32, #tpu.memory_space<hbm>>, %arg3: memref<320000xi32, #tpu.memory_space<hbm>>, %arg4: memref<32x125x80xi32, #tpu.memory_space<hbm>>, %arg5: memref<10240x128xf32, #tpu.memory_space<hbm>>, %arg6: memref<2x10240x128xf32, #tpu.memory_space<hbm>>, %arg7: memref<10000xi32, #tpu.memory_space<vmem>>, %arg8: memref<125x80xi32, #tpu.memory_space<vmem>>, %arg9: memref<2x80x128xf32, #tpu.memory_space<vmem>>, %arg10: memref<10240x128xf32, #tpu.memory_space<vmem_shared>>, %arg11: memref<!tpu.dma_semaphore, #tpu.memory_space<semaphore_mem>>, %arg12: memref<!tpu.dma_semaphore, #tpu.memory_space<semaphore_mem>>) attributes {dimension_semantics = [#tpu.dimension_semantics<core_parallel>, #tpu.dimension_semantics<subcore_parallel>], iteration_bounds = array<i64: 2, 16>, scalar_prefetch = 0 : i64, scratch_operands = 6 : i64, tpu.core_type = #tpu.core_type<sc_vector_subcore>, window_params = [{transform_indices = #map}, {transform_indices = #map1}, {transform_indices = #map2}, {transform_indices = #map}, {transform_indices = #map2}]} {
    %mul3A = arith.constant 2 : i32
    %mul3A_0 = arith.muli %arg1, %mul3A : i32
    %add3A = arith.addi %mul3A_0, %arg0 : i32
    %mul3A_1 = arith.constant 640 : i32
    %mul3A_2 = arith.muli %arg1, %mul3A_1 : i32
    %mul3A_3 = arith.constant 10000 : i32
    %mul3A_4 = arith.muli %add3A, %mul3A_3 : i32
    "tpu.region"() ({
      %run_scoped3A_30 = tpu.sem_alloc : memref<!tpu.dma_semaphore, #tpu.memory_space<semaphore_mem>>
      %dma_start3A_31 = tpu.memref_slice %arg3[%mul3A_4] : memref<320000xi32, #tpu.memory_space<hbm>> -> memref<10000xi32, #tpu.memory_space<hbm>>
      %dma_start3A_32 = tpu.memref_slice %arg3[%mul3A_4] : memref<320000xi32, #tpu.memory_space<hbm>> -> memref<10000xi32, #tpu.memory_space<hbm>>
      tpu.enqueue_dma source(%dma_start3A_32 : memref<10000xi32, #tpu.memory_space<hbm>>) target(%arg7 : memref<10000xi32, #tpu.memory_space<vmem>>) target_semaphore(%run_scoped3A_30 : memref<!tpu.dma_semaphore, #tpu.memory_space<semaphore_mem>>)
      %dma_wait3A_33 = tpu.memref_slice %arg3[%mul3A_4] : memref<320000xi32, #tpu.memory_space<hbm>> -> memref<10000xi32, #tpu.memory_space<hbm>>
      %dma_wait3A_34 = tpu.memref_slice %arg3[%mul3A_4] : memref<320000xi32, #tpu.memory_space<hbm>> -> memref<10000xi32, #tpu.memory_space<hbm>>
      tpu.wait_dma2 semaphore(%run_scoped3A_30 : memref<!tpu.dma_semaphore, #tpu.memory_space<semaphore_mem>>) src(%dma_wait3A_34 : memref<10000xi32, #tpu.memory_space<hbm>>) dst(%arg7 : memref<10000xi32, #tpu.memory_space<vmem>>)
      tpu.yield
    }) : () -> ()
    "tpu.region"() ({
      %run_scoped3A_30 = tpu.sem_alloc : memref<!tpu.dma_semaphore, #tpu.memory_space<semaphore_mem>>
      %dma_start3A_31 = arith.constant 0 : i32
      %dma_start3A_32 = arith.constant 0 : i32
      %dma_start3A_33 = tpu.memref_slice %arg4[%add3A, %dma_start3A_31, %dma_start3A_32] : memref<32x125x80xi32, #tpu.memory_space<hbm>> -> memref<1x125x80xi32, #tpu.memory_space<hbm>>
      %dma_start3A_34 = tpu.memref_squeeze %dma_start3A_33 : memref<1x125x80xi32, #tpu.memory_space<hbm>> -> memref<125x80xi32, #tpu.memory_space<hbm>>
      %dma_start3A_35 = arith.constant 0 : i32
      %dma_start3A_36 = arith.constant 0 : i32
      %dma_start3A_37 = tpu.memref_slice %arg4[%add3A, %dma_start3A_35, %dma_start3A_36] : memref<32x125x80xi32, #tpu.memory_space<hbm>> -> memref<1x125x80xi32, #tpu.memory_space<hbm>>
      %dma_start3A_38 = tpu.memref_squeeze %dma_start3A_37 : memref<1x125x80xi32, #tpu.memory_space<hbm>> -> memref<125x80xi32, #tpu.memory_space<hbm>>
      tpu.enqueue_dma source(%dma_start3A_38 : memref<125x80xi32, #tpu.memory_space<hbm>>) target(%arg8 : memref<125x80xi32, #tpu.memory_space<vmem>>) target_semaphore(%run_scoped3A_30 : memref<!tpu.dma_semaphore, #tpu.memory_space<semaphore_mem>>)
      %dma_wait3A_39 = arith.constant 0 : i32
      %dma_wait3A_40 = arith.constant 0 : i32
      %dma_wait3A_41 = tpu.memref_slice %arg4[%add3A, %dma_wait3A_39, %dma_wait3A_40] : memref<32x125x80xi32, #tpu.memory_space<hbm>> -> memref<1x125x80xi32, #tpu.memory_space<hbm>>
      %dma_wait3A_42 = tpu.memref_squeeze %dma_wait3A_41 : memref<1x125x80xi32, #tpu.memory_space<hbm>> -> memref<125x80xi32, #tpu.memory_space<hbm>>
      %dma_wait3A_43 = arith.constant 0 : i32
      %dma_wait3A_44 = arith.constant 0 : i32
      %dma_wait3A_45 = tpu.memref_slice %arg4[%add3A, %dma_wait3A_43, %dma_wait3A_44] : memref<32x125x80xi32, #tpu.memory_space<hbm>> -> memref<1x125x80xi32, #tpu.memory_space<hbm>>
      %dma_wait3A_46 = tpu.memref_squeeze %dma_wait3A_45 : memref<1x125x80xi32, #tpu.memory_space<hbm>> -> memref<125x80xi32, #tpu.memory_space<hbm>>
      tpu.wait_dma2 semaphore(%run_scoped3A_30 : memref<!tpu.dma_semaphore, #tpu.memory_space<semaphore_mem>>) src(%dma_wait3A_46 : memref<125x80xi32, #tpu.memory_space<hbm>>) dst(%arg8 : memref<125x80xi32, #tpu.memory_space<vmem>>)
      tpu.yield
    }) : () -> ()
    "tpu.region"() ({
      %run_scoped3A_30 = tpu.sem_alloc : memref<!tpu.dma_semaphore, #tpu.memory_space<semaphore_mem>>
      %dma_start3A_31 = arith.constant 0 : i32
      %dma_start3A_32 = tpu.memref_slice %arg10[%mul3A_2, %dma_start3A_31] : memref<10240x128xf32, #tpu.memory_space<vmem_shared>> -> memref<640x128xf32, #tpu.memory_space<vmem_shared>>
      %dma_start3A_33 = arith.constant 0 : i32
      %dma_start3A_34 = tpu.memref_slice %arg5[%mul3A_2, %dma_start3A_33] : memref<10240x128xf32, #tpu.memory_space<hbm>> -> memref<640x128xf32, #tpu.memory_space<hbm>>
      tpu.enqueue_dma source(%dma_start3A_34 : memref<640x128xf32, #tpu.memory_space<hbm>>) target(%dma_start3A_32 : memref<640x128xf32, #tpu.memory_space<vmem_shared>>) target_semaphore(%run_scoped3A_30 : memref<!tpu.dma_semaphore, #tpu.memory_space<semaphore_mem>>)
      %dma_wait3A_35 = arith.constant 0 : i32
      %dma_wait3A_36 = tpu.memref_slice %arg10[%mul3A_2, %dma_wait3A_35] : memref<10240x128xf32, #tpu.memory_space<vmem_shared>> -> memref<640x128xf32, #tpu.memory_space<vmem_shared>>
      %dma_wait3A_37 = arith.constant 0 : i32
      %dma_wait3A_38 = tpu.memref_slice %arg5[%mul3A_2, %dma_wait3A_37] : memref<10240x128xf32, #tpu.memory_space<hbm>> -> memref<640x128xf32, #tpu.memory_space<hbm>>
      tpu.wait_dma2 semaphore(%run_scoped3A_30 : memref<!tpu.dma_semaphore, #tpu.memory_space<semaphore_mem>>) src(%dma_wait3A_38 : memref<640x128xf32, #tpu.memory_space<hbm>>) dst(%dma_wait3A_36 : memref<640x128xf32, #tpu.memory_space<vmem_shared>>)
      tpu.yield
    }) : () -> ()
    %barrier3A = arith.constant 0 : index
    tpu.barrier barrier_id(%barrier3A)
    %scan3A = arith.constant 0 : i32
    %scan3A_5 = arith.constant 0 : i32
    %scan3A_6 = arith.constant 62 : i32
    %scan3A_7 = arith.addi %scan3A_5, %scan3A_6 : i32
    %scan3A_8 = arith.constant 1 : i32
    scf.for %scan3A_30 = %scan3A_5 to %scan3A_7 step %scan3A_8  : i32 {
      %mul3A_31 = arith.constant 2 : i32
      %mul3A_32 = arith.muli %mul3A_31, %scan3A_30 : i32
      %mul3A_33 = arith.constant 80 : i32
      %mul3A_34 = arith.muli %mul3A_32, %mul3A_33 : i32
      %add3A_35 = arith.constant 1 : i32
      %add3A_36 = arith.addi %mul3A_32, %add3A_35 : i32
      %mul3A_37 = arith.constant 80 : i32
      %mul3A_38 = arith.muli %add3A_36, %mul3A_37 : i32
      %dma_start3A_39 = arith.constant 0 : i32
      %dma_start3A_40 = arith.constant 0 : i32
      %dma_start3A_41 = arith.constant 0 : i32
      %dma_start3A_42 = tpu.memref_slice %arg9[%dma_start3A_39, %dma_start3A_40, %dma_start3A_41] : memref<2x80x128xf32, #tpu.memory_space<vmem>> -> memref<1x80x128xf32, #tpu.memory_space<vmem>>
      %dma_start3A_43 = tpu.memref_squeeze %dma_start3A_42 : memref<1x80x128xf32, #tpu.memory_space<vmem>> -> memref<80x128xf32, #tpu.memory_space<vmem>>
      %dma_start3A_44 = tpu.memref_slice %arg7[%mul3A_34] : memref<10000xi32, #tpu.memory_space<vmem>> -> memref<80xi32, #tpu.memory_space<vmem>>
      %dma_start3A_45 = arith.constant 0 : i32
      %dma_start3A_46 = arith.constant 0 : i32
      %dma_start3A_47 = tpu.memref_slice %arg2[%dma_start3A_45, %dma_start3A_46] : memref<10000x128xf32, #tpu.memory_space<hbm>> -> memref<10000x128xf32, #tpu.memory_space<hbm>>
      tpu.enqueue_indirect_dma source(%dma_start3A_47 : memref<10000x128xf32, #tpu.memory_space<hbm>>) target(%dma_start3A_43 : memref<80x128xf32, #tpu.memory_space<vmem>>) offsets(%dma_start3A_44 : memref<80xi32, #tpu.memory_space<vmem>>) semaphore(%arg11 : memref<!tpu.dma_semaphore, #tpu.memory_space<semaphore_mem>>)
      %dma_start3A_48 = arith.constant 1 : i32
      %dma_start3A_49 = arith.constant 0 : i32
      %dma_start3A_50 = arith.constant 0 : i32
      %dma_start3A_51 = tpu.memref_slice %arg9[%dma_start3A_48, %dma_start3A_49, %dma_start3A_50] : memref<2x80x128xf32, #tpu.memory_space<vmem>> -> memref<1x80x128xf32, #tpu.memory_space<vmem>>
      %dma_start3A_52 = tpu.memref_squeeze %dma_start3A_51 : memref<1x80x128xf32, #tpu.memory_space<vmem>> -> memref<80x128xf32, #tpu.memory_space<vmem>>
      %dma_start3A_53 = tpu.memref_slice %arg7[%mul3A_38] : memref<10000xi32, #tpu.memory_space<vmem>> -> memref<80xi32, #tpu.memory_space<vmem>>
      %dma_start3A_54 = arith.constant 0 : i32
      %dma_start3A_55 = arith.constant 0 : i32
      %dma_start3A_56 = tpu.memref_slice %arg2[%dma_start3A_54, %dma_start3A_55] : memref<10000x128xf32, #tpu.memory_space<hbm>> -> memref<10000x128xf32, #tpu.memory_space<hbm>>
      tpu.enqueue_indirect_dma source(%dma_start3A_56 : memref<10000x128xf32, #tpu.memory_space<hbm>>) target(%dma_start3A_52 : memref<80x128xf32, #tpu.memory_space<vmem>>) offsets(%dma_start3A_53 : memref<80xi32, #tpu.memory_space<vmem>>) semaphore(%arg12 : memref<!tpu.dma_semaphore, #tpu.memory_space<semaphore_mem>>)
      %dma_wait3A_57 = arith.constant 0 : i32
      %dma_wait3A_58 = arith.constant 0 : i32
      %dma_wait3A_59 = arith.constant 0 : i32
      %dma_wait3A_60 = tpu.memref_slice %arg9[%dma_wait3A_57, %dma_wait3A_58, %dma_wait3A_59] : memref<2x80x128xf32, #tpu.memory_space<vmem>> -> memref<1x80x128xf32, #tpu.memory_space<vmem>>
      %dma_wait3A_61 = tpu.memref_squeeze %dma_wait3A_60 : memref<1x80x128xf32, #tpu.memory_space<vmem>> -> memref<80x128xf32, #tpu.memory_space<vmem>>
      %dma_wait3A_62 = tpu.memref_slice %arg7[%mul3A_34] : memref<10000xi32, #tpu.memory_space<vmem>> -> memref<80xi32, #tpu.memory_space<vmem>>
      %dma_wait3A_63 = arith.constant 0 : i32
      %dma_wait3A_64 = arith.constant 0 : i32
      %dma_wait3A_65 = tpu.memref_slice %arg2[%dma_wait3A_63, %dma_wait3A_64] : memref<10000x128xf32, #tpu.memory_space<hbm>> -> memref<10000x128xf32, #tpu.memory_space<hbm>>
      tpu.wait_indirect_dma semaphore(%arg11 : memref<!tpu.dma_semaphore, #tpu.memory_space<semaphore_mem>>) src(%dma_wait3A_65 : memref<10000x128xf32, #tpu.memory_space<hbm>>) dst(%dma_wait3A_61 : memref<80x128xf32, #tpu.memory_space<vmem>>)
      %run_scoped3A_66 = arith.constant 0 : i32
      "tpu.region"() ({
        %run_scoped3A_79 = tpu.sem_alloc : memref<!tpu.dma_semaphore, #tpu.memory_space<semaphore_mem>>
        %dma_start3A_80 = arith.constant 0 : i32
        %dma_start3A_81 = arith.constant 0 : i32
        %dma_start3A_82 = tpu.memref_slice %arg9[%run_scoped3A_66, %dma_start3A_80, %dma_start3A_81] : memref<2x80x128xf32, #tpu.memory_space<vmem>> -> memref<1x80x128xf32, #tpu.memory_space<vmem>>
        %dma_start3A_83 = tpu.memref_squeeze %dma_start3A_82 : memref<1x80x128xf32, #tpu.memory_space<vmem>> -> memref<80x128xf32, #tpu.memory_space<vmem>>
        %dma_start3A_84 = arith.constant 0 : i32
        %dma_start3A_85 = tpu.memref_slice %arg8[%mul3A_32, %dma_start3A_84] : memref<125x80xi32, #tpu.memory_space<vmem>> -> memref<1x80xi32, #tpu.memory_space<vmem>>
        %dma_start3A_86 = tpu.memref_squeeze %dma_start3A_85 : memref<1x80xi32, #tpu.memory_space<vmem>> -> memref<80xi32, #tpu.memory_space<vmem>>
        %dma_start3A_87 = arith.constant 0 : i32
        %dma_start3A_88 = arith.constant 0 : i32
        %dma_start3A_89 = tpu.memref_slice %arg10[%dma_start3A_87, %dma_start3A_88] : memref<10240x128xf32, #tpu.memory_space<vmem_shared>> -> memref<10240x128xf32, #tpu.memory_space<vmem_shared>>
        tpu.enqueue_indirect_dma source(%dma_start3A_83 : memref<80x128xf32, #tpu.memory_space<vmem>>) target(%dma_start3A_89 : memref<10240x128xf32, #tpu.memory_space<vmem_shared>>) offsets(%dma_start3A_86 : memref<80xi32, #tpu.memory_space<vmem>>) semaphore(%run_scoped3A_79 : memref<!tpu.dma_semaphore, #tpu.memory_space<semaphore_mem>>) {add = true}
        %dma_wait3A_90 = arith.constant 0 : i32
        %dma_wait3A_91 = arith.constant 0 : i32
        %dma_wait3A_92 = tpu.memref_slice %arg9[%run_scoped3A_66, %dma_wait3A_90, %dma_wait3A_91] : memref<2x80x128xf32, #tpu.memory_space<vmem>> -> memref<1x80x128xf32, #tpu.memory_space<vmem>>
        %dma_wait3A_93 = tpu.memref_squeeze %dma_wait3A_92 : memref<1x80x128xf32, #tpu.memory_space<vmem>> -> memref<80x128xf32, #tpu.memory_space<vmem>>
        %dma_wait3A_94 = arith.constant 0 : i32
        %dma_wait3A_95 = tpu.memref_slice %arg8[%mul3A_32, %dma_wait3A_94] : memref<125x80xi32, #tpu.memory_space<vmem>> -> memref<1x80xi32, #tpu.memory_space<vmem>>
        %dma_wait3A_96 = tpu.memref_squeeze %dma_wait3A_95 : memref<1x80xi32, #tpu.memory_space<vmem>> -> memref<80xi32, #tpu.memory_space<vmem>>
        %dma_wait3A_97 = arith.constant 0 : i32
        %dma_wait3A_98 = arith.constant 0 : i32
        %dma_wait3A_99 = tpu.memref_slice %arg10[%dma_wait3A_97, %dma_wait3A_98] : memref<10240x128xf32, #tpu.memory_space<vmem_shared>> -> memref<10240x128xf32, #tpu.memory_space<vmem_shared>>
        tpu.wait_indirect_dma semaphore(%run_scoped3A_79 : memref<!tpu.dma_semaphore, #tpu.memory_space<semaphore_mem>>) src(%dma_wait3A_93 : memref<80x128xf32, #tpu.memory_space<vmem>>) dst(%dma_wait3A_99 : memref<10240x128xf32, #tpu.memory_space<vmem_shared>>)
        tpu.yield
      }) : () -> ()
      %dma_wait3A_67 = arith.constant 1 : i32
      %dma_wait3A_68 = arith.constant 0 : i32
      %dma_wait3A_69 = arith.constant 0 : i32
      %dma_wait3A_70 = tpu.memref_slice %arg9[%dma_wait3A_67, %dma_wait3A_68, %dma_wait3A_69] : memref<2x80x128xf32, #tpu.memory_space<vmem>> -> memref<1x80x128xf32, #tpu.memory_space<vmem>>
      %dma_wait3A_71 = tpu.memref_squeeze %dma_wait3A_70 : memref<1x80x128xf32, #tpu.memory_space<vmem>> -> memref<80x128xf32, #tpu.memory_space<vmem>>
      %dma_wait3A_72 = tpu.memref_slice %arg7[%mul3A_38] : memref<10000xi32, #tpu.memory_space<vmem>> -> memref<80xi32, #tpu.memory_space<vmem>>
      %dma_wait3A_73 = arith.constant 0 : i32
      %dma_wait3A_74 = arith.constant 0 : i32
      %dma_wait3A_75 = tpu.memref_slice %arg2[%dma_wait3A_73, %dma_wait3A_74] : memref<10000x128xf32, #tpu.memory_space<hbm>> -> memref<10000x128xf32, #tpu.memory_space<hbm>>
      tpu.wait_indirect_dma semaphore(%arg12 : memref<!tpu.dma_semaphore, #tpu.memory_space<semaphore_mem>>) src(%dma_wait3A_75 : memref<10000x128xf32, #tpu.memory_space<hbm>>) dst(%dma_wait3A_71 : memref<80x128xf32, #tpu.memory_space<vmem>>)
      %add3A_76 = arith.constant 1 : i32
      %add3A_77 = arith.addi %mul3A_32, %add3A_76 : i32
      %run_scoped3A_78 = arith.constant 1 : i32
      "tpu.region"() ({
        %run_scoped3A_79 = tpu.sem_alloc : memref<!tpu.dma_semaphore, #tpu.memory_space<semaphore_mem>>
        %dma_start3A_80 = arith.constant 0 : i32
        %dma_start3A_81 = arith.constant 0 : i32
        %dma_start3A_82 = tpu.memref_slice %arg9[%run_scoped3A_78, %dma_start3A_80, %dma_start3A_81] : memref<2x80x128xf32, #tpu.memory_space<vmem>> -> memref<1x80x128xf32, #tpu.memory_space<vmem>>
        %dma_start3A_83 = tpu.memref_squeeze %dma_start3A_82 : memref<1x80x128xf32, #tpu.memory_space<vmem>> -> memref<80x128xf32, #tpu.memory_space<vmem>>
        %dma_start3A_84 = arith.constant 0 : i32
        %dma_start3A_85 = tpu.memref_slice %arg8[%add3A_77, %dma_start3A_84] : memref<125x80xi32, #tpu.memory_space<vmem>> -> memref<1x80xi32, #tpu.memory_space<vmem>>
        %dma_start3A_86 = tpu.memref_squeeze %dma_start3A_85 : memref<1x80xi32, #tpu.memory_space<vmem>> -> memref<80xi32, #tpu.memory_space<vmem>>
        %dma_start3A_87 = arith.constant 0 : i32
        %dma_start3A_88 = arith.constant 0 : i32
        %dma_start3A_89 = tpu.memref_slice %arg10[%dma_start3A_87, %dma_start3A_88] : memref<10240x128xf32, #tpu.memory_space<vmem_shared>> -> memref<10240x128xf32, #tpu.memory_space<vmem_shared>>
        tpu.enqueue_indirect_dma source(%dma_start3A_83 : memref<80x128xf32, #tpu.memory_space<vmem>>) target(%dma_start3A_89 : memref<10240x128xf32, #tpu.memory_space<vmem_shared>>) offsets(%dma_start3A_86 : memref<80xi32, #tpu.memory_space<vmem>>) semaphore(%run_scoped3A_79 : memref<!tpu.dma_semaphore, #tpu.memory_space<semaphore_mem>>) {add = true}
        %dma_wait3A_90 = arith.constant 0 : i32
        %dma_wait3A_91 = arith.constant 0 : i32
        %dma_wait3A_92 = tpu.memref_slice %arg9[%run_scoped3A_78, %dma_wait3A_90, %dma_wait3A_91] : memref<2x80x128xf32, #tpu.memory_space<vmem>> -> memref<1x80x128xf32, #tpu.memory_space<vmem>>
        %dma_wait3A_93 = tpu.memref_squeeze %dma_wait3A_92 : memref<1x80x128xf32, #tpu.memory_space<vmem>> -> memref<80x128xf32, #tpu.memory_space<vmem>>
        %dma_wait3A_94 = arith.constant 0 : i32
        %dma_wait3A_95 = tpu.memref_slice %arg8[%add3A_77, %dma_wait3A_94] : memref<125x80xi32, #tpu.memory_space<vmem>> -> memref<1x80xi32, #tpu.memory_space<vmem>>
        %dma_wait3A_96 = tpu.memref_squeeze %dma_wait3A_95 : memref<1x80xi32, #tpu.memory_space<vmem>> -> memref<80xi32, #tpu.memory_space<vmem>>
        %dma_wait3A_97 = arith.constant 0 : i32
        %dma_wait3A_98 = arith.constant 0 : i32
        %dma_wait3A_99 = tpu.memref_slice %arg10[%dma_wait3A_97, %dma_wait3A_98] : memref<10240x128xf32, #tpu.memory_space<vmem_shared>> -> memref<10240x128xf32, #tpu.memory_space<vmem_shared>>
        tpu.wait_indirect_dma semaphore(%run_scoped3A_79 : memref<!tpu.dma_semaphore, #tpu.memory_space<semaphore_mem>>) src(%dma_wait3A_93 : memref<80x128xf32, #tpu.memory_space<vmem>>) dst(%dma_wait3A_99 : memref<10240x128xf32, #tpu.memory_space<vmem_shared>>)
        tpu.yield
      }) : () -> ()
    }
    %scan3A_9 = arith.constant 62 : i32
    %dma_start3A = arith.constant 0 : i32
    %dma_start3A_10 = arith.constant 0 : i32
    %dma_start3A_11 = arith.constant 0 : i32
    %dma_start3A_12 = tpu.memref_slice %arg9[%dma_start3A, %dma_start3A_10, %dma_start3A_11] : memref<2x80x128xf32, #tpu.memory_space<vmem>> -> memref<1x80x128xf32, #tpu.memory_space<vmem>>
    %dma_start3A_13 = tpu.memref_squeeze %dma_start3A_12 : memref<1x80x128xf32, #tpu.memory_space<vmem>> -> memref<80x128xf32, #tpu.memory_space<vmem>>
    %dma_start3A_14 = arith.constant 9920 : i32
    %dma_start3A_15 = tpu.memref_slice %arg7[%dma_start3A_14] : memref<10000xi32, #tpu.memory_space<vmem>> -> memref<80xi32, #tpu.memory_space<vmem>>
    %dma_start3A_16 = arith.constant 0 : i32
    %dma_start3A_17 = arith.constant 0 : i32
    %dma_start3A_18 = tpu.memref_slice %arg2[%dma_start3A_16, %dma_start3A_17] : memref<10000x128xf32, #tpu.memory_space<hbm>> -> memref<10000x128xf32, #tpu.memory_space<hbm>>
    tpu.enqueue_indirect_dma source(%dma_start3A_18 : memref<10000x128xf32, #tpu.memory_space<hbm>>) target(%dma_start3A_13 : memref<80x128xf32, #tpu.memory_space<vmem>>) offsets(%dma_start3A_15 : memref<80xi32, #tpu.memory_space<vmem>>) semaphore(%arg11 : memref<!tpu.dma_semaphore, #tpu.memory_space<semaphore_mem>>)
    %dma_wait3A = arith.constant 0 : i32
    %dma_wait3A_19 = arith.constant 0 : i32
    %dma_wait3A_20 = arith.constant 0 : i32
    %dma_wait3A_21 = tpu.memref_slice %arg9[%dma_wait3A, %dma_wait3A_19, %dma_wait3A_20] : memref<2x80x128xf32, #tpu.memory_space<vmem>> -> memref<1x80x128xf32, #tpu.memory_space<vmem>>
    %dma_wait3A_22 = tpu.memref_squeeze %dma_wait3A_21 : memref<1x80x128xf32, #tpu.memory_space<vmem>> -> memref<80x128xf32, #tpu.memory_space<vmem>>
    %dma_wait3A_23 = arith.constant 9920 : i32
    %dma_wait3A_24 = tpu.memref_slice %arg7[%dma_wait3A_23] : memref<10000xi32, #tpu.memory_space<vmem>> -> memref<80xi32, #tpu.memory_space<vmem>>
    %dma_wait3A_25 = arith.constant 0 : i32
    %dma_wait3A_26 = arith.constant 0 : i32
    %dma_wait3A_27 = tpu.memref_slice %arg2[%dma_wait3A_25, %dma_wait3A_26] : memref<10000x128xf32, #tpu.memory_space<hbm>> -> memref<10000x128xf32, #tpu.memory_space<hbm>>
    tpu.wait_indirect_dma semaphore(%arg11 : memref<!tpu.dma_semaphore, #tpu.memory_space<semaphore_mem>>) src(%dma_wait3A_27 : memref<10000x128xf32, #tpu.memory_space<hbm>>) dst(%dma_wait3A_22 : memref<80x128xf32, #tpu.memory_space<vmem>>)
    %run_scoped3A = arith.constant 0 : i32
    %run_scoped3A_28 = arith.constant 124 : i32
    "tpu.region"() ({
      %run_scoped3A_30 = tpu.sem_alloc : memref<!tpu.dma_semaphore, #tpu.memory_space<semaphore_mem>>
      %dma_start3A_31 = arith.constant 0 : i32
      %dma_start3A_32 = arith.constant 0 : i32
      %dma_start3A_33 = tpu.memref_slice %arg9[%run_scoped3A, %dma_start3A_31, %dma_start3A_32] : memref<2x80x128xf32, #tpu.memory_space<vmem>> -> memref<1x80x128xf32, #tpu.memory_space<vmem>>
      %dma_start3A_34 = tpu.memref_squeeze %dma_start3A_33 : memref<1x80x128xf32, #tpu.memory_space<vmem>> -> memref<80x128xf32, #tpu.memory_space<vmem>>
      %dma_start3A_35 = arith.constant 0 : i32
      %dma_start3A_36 = tpu.memref_slice %arg8[%run_scoped3A_28, %dma_start3A_35] : memref<125x80xi32, #tpu.memory_space<vmem>> -> memref<1x80xi32, #tpu.memory_space<vmem>>
      %dma_start3A_37 = tpu.memref_squeeze %dma_start3A_36 : memref<1x80xi32, #tpu.memory_space<vmem>> -> memref<80xi32, #tpu.memory_space<vmem>>
      %dma_start3A_38 = arith.constant 0 : i32
      %dma_start3A_39 = arith.constant 0 : i32
      %dma_start3A_40 = tpu.memref_slice %arg10[%dma_start3A_38, %dma_start3A_39] : memref<10240x128xf32, #tpu.memory_space<vmem_shared>> -> memref<10240x128xf32, #tpu.memory_space<vmem_shared>>
      tpu.enqueue_indirect_dma source(%dma_start3A_34 : memref<80x128xf32, #tpu.memory_space<vmem>>) target(%dma_start3A_40 : memref<10240x128xf32, #tpu.memory_space<vmem_shared>>) offsets(%dma_start3A_37 : memref<80xi32, #tpu.memory_space<vmem>>) semaphore(%run_scoped3A_30 : memref<!tpu.dma_semaphore, #tpu.memory_space<semaphore_mem>>) {add = true}
      %dma_wait3A_41 = arith.constant 0 : i32
      %dma_wait3A_42 = arith.constant 0 : i32
      %dma_wait3A_43 = tpu.memref_slice %arg9[%run_scoped3A, %dma_wait3A_41, %dma_wait3A_42] : memref<2x80x128xf32, #tpu.memory_space<vmem>> -> memref<1x80x128xf32, #tpu.memory_space<vmem>>
      %dma_wait3A_44 = tpu.memref_squeeze %dma_wait3A_43 : memref<1x80x128xf32, #tpu.memory_space<vmem>> -> memref<80x128xf32, #tpu.memory_space<vmem>>
      %dma_wait3A_45 = arith.constant 0 : i32
      %dma_wait3A_46 = tpu.memref_slice %arg8[%run_scoped3A_28, %dma_wait3A_45] : memref<125x80xi32, #tpu.memory_space<vmem>> -> memref<1x80xi32, #tpu.memory_space<vmem>>
      %dma_wait3A_47 = tpu.memref_squeeze %dma_wait3A_46 : memref<1x80xi32, #tpu.memory_space<vmem>> -> memref<80xi32, #tpu.memory_space<vmem>>
      %dma_wait3A_48 = arith.constant 0 : i32
      %dma_wait3A_49 = arith.constant 0 : i32
      %dma_wait3A_50 = tpu.memref_slice %arg10[%dma_wait3A_48, %dma_wait3A_49] : memref<10240x128xf32, #tpu.memory_space<vmem_shared>> -> memref<10240x128xf32, #tpu.memory_space<vmem_shared>>
      tpu.wait_indirect_dma semaphore(%run_scoped3A_30 : memref<!tpu.dma_semaphore, #tpu.memory_space<semaphore_mem>>) src(%dma_wait3A_44 : memref<80x128xf32, #tpu.memory_space<vmem>>) dst(%dma_wait3A_50 : memref<10240x128xf32, #tpu.memory_space<vmem_shared>>)
      tpu.yield
    }) : () -> ()
    %barrier3A_29 = arith.constant 0 : index
    tpu.barrier barrier_id(%barrier3A_29)
    "tpu.region"() ({
      %run_scoped3A_30 = tpu.sem_alloc : memref<!tpu.dma_semaphore, #tpu.memory_space<semaphore_mem>>
      %dma_start3A_31 = arith.constant 0 : i32
      %dma_start3A_32 = tpu.memref_slice %arg6[%arg0, %mul3A_2, %dma_start3A_31] : memref<2x10240x128xf32, #tpu.memory_space<hbm>> -> memref<1x640x128xf32, #tpu.memory_space<hbm>>
      %dma_start3A_33 = tpu.memref_squeeze %dma_start3A_32 : memref<1x640x128xf32, #tpu.memory_space<hbm>> -> memref<640x128xf32, #tpu.memory_space<hbm>>
      %dma_start3A_34 = arith.constant 0 : i32
      %dma_start3A_35 = tpu.memref_slice %arg10[%mul3A_2, %dma_start3A_34] : memref<10240x128xf32, #tpu.memory_space<vmem_shared>> -> memref<640x128xf32, #tpu.memory_space<vmem_shared>>
      tpu.enqueue_dma source(%dma_start3A_35 : memref<640x128xf32, #tpu.memory_space<vmem_shared>>) target(%dma_start3A_33 : memref<640x128xf32, #tpu.memory_space<hbm>>) target_semaphore(%run_scoped3A_30 : memref<!tpu.dma_semaphore, #tpu.memory_space<semaphore_mem>>)
      %dma_wait3A_36 = arith.constant 0 : i32
      %dma_wait3A_37 = tpu.memref_slice %arg6[%arg0, %mul3A_2, %dma_wait3A_36] : memref<2x10240x128xf32, #tpu.memory_space<hbm>> -> memref<1x640x128xf32, #tpu.memory_space<hbm>>
      %dma_wait3A_38 = tpu.memref_squeeze %dma_wait3A_37 : memref<1x640x128xf32, #tpu.memory_space<hbm>> -> memref<640x128xf32, #tpu.memory_space<hbm>>
      %dma_wait3A_39 = arith.constant 0 : i32
      %dma_wait3A_40 = tpu.memref_slice %arg10[%mul3A_2, %dma_wait3A_39] : memref<10240x128xf32, #tpu.memory_space<vmem_shared>> -> memref<640x128xf32, #tpu.memory_space<vmem_shared>>
      tpu.wait_dma2 semaphore(%run_scoped3A_30 : memref<!tpu.dma_semaphore, #tpu.memory_space<semaphore_mem>>) src(%dma_wait3A_40 : memref<640x128xf32, #tpu.memory_space<vmem_shared>>) dst(%dma_wait3A_38 : memref<640x128xf32, #tpu.memory_space<hbm>>)
      tpu.yield
    }) : () -> ()
    return
  }
}

#map = affine_map<(d0, d1) -> (0, 0)>
#map1 = affine_map<(d0, d1) -> (0)>
#map2 = affine_map<(d0, d1) -> (0, 0, 0)>
module attributes {stable_mosaic.version = 14 : i64} {
  func.func @agg(%arg0: i32, %arg1: i32, %arg2: memref<10000x128xf32, #tpu.memory_space<hbm>>, %arg3: memref<320000xi32, #tpu.memory_space<hbm>>, %arg4: memref<32x125x80xi32, #tpu.memory_space<hbm>>, %arg5: memref<10240x128xf32, #tpu.memory_space<hbm>>, %arg6: memref<2x10240x128xf32, #tpu.memory_space<hbm>>, %arg7: memref<10000xi32, #tpu.memory_space<vmem>>, %arg8: memref<125x80xi32, #tpu.memory_space<vmem>>, %arg9: memref<2x80x128xf32, #tpu.memory_space<vmem>>, %arg10: memref<10240x128xf32, #tpu.memory_space<vmem_shared>>, %arg11: memref<!tpu.dma_semaphore, #tpu.memory_space<semaphore_mem>>, %arg12: memref<!tpu.dma_semaphore, #tpu.memory_space<semaphore_mem>>) attributes {dimension_semantics = [#tpu.dimension_semantics<core_parallel>, #tpu.dimension_semantics<subcore_parallel>], iteration_bounds = array<i64: 2, 16>, scalar_prefetch = 0 : i64, scratch_operands = 6 : i64, tpu.core_type = #tpu.core_type<sc_vector_subcore>, window_params = [{transform_indices = #map}, {transform_indices = #map1}, {transform_indices = #map2}, {transform_indices = #map}, {transform_indices = #map2}]} {
    %mul3A = arith.constant 2 : i32
    %mul3A_0 = arith.muli %arg1, %mul3A : i32
    %add3A = arith.addi %mul3A_0, %arg0 : i32
    %mul3A_1 = arith.constant 640 : i32
    %mul3A_2 = arith.muli %arg1, %mul3A_1 : i32
    %mul3A_3 = arith.constant 10000 : i32
    %mul3A_4 = arith.muli %add3A, %mul3A_3 : i32
    "tpu.region"() ({
      %run_scoped3A_30 = tpu.sem_alloc : memref<!tpu.dma_semaphore, #tpu.memory_space<semaphore_mem>>
      %dma_start3A_31 = tpu.memref_slice %arg3[%mul3A_4] : memref<320000xi32, #tpu.memory_space<hbm>> -> memref<10000xi32, #tpu.memory_space<hbm>>
      %dma_start3A_32 = tpu.memref_slice %arg3[%mul3A_4] : memref<320000xi32, #tpu.memory_space<hbm>> -> memref<10000xi32, #tpu.memory_space<hbm>>
      tpu.enqueue_dma source(%dma_start3A_32 : memref<10000xi32, #tpu.memory_space<hbm>>) target(%arg7 : memref<10000xi32, #tpu.memory_space<vmem>>) target_semaphore(%run_scoped3A_30 : memref<!tpu.dma_semaphore, #tpu.memory_space<semaphore_mem>>)
      %dma_wait3A_33 = tpu.memref_slice %arg3[%mul3A_4] : memref<320000xi32, #tpu.memory_space<hbm>> -> memref<10000xi32, #tpu.memory_space<hbm>>
      %dma_wait3A_34 = tpu.memref_slice %arg3[%mul3A_4] : memref<320000xi32, #tpu.memory_space<hbm>> -> memref<10000xi32, #tpu.memory_space<hbm>>
      tpu.wait_dma2 semaphore(%run_scoped3A_30 : memref<!tpu.dma_semaphore, #tpu.memory_space<semaphore_mem>>) src(%dma_wait3A_34 : memref<10000xi32, #tpu.memory_space<hbm>>) dst(%arg7 : memref<10000xi32, #tpu.memory_space<vmem>>)
      tpu.yield
    }) : () -> ()
    "tpu.region"() ({
      %run_scoped3A_30 = tpu.sem_alloc : memref<!tpu.dma_semaphore, #tpu.memory_space<semaphore_mem>>
      %dma_start3A_31 = arith.constant 0 : i32
      %dma_start3A_32 = arith.constant 0 : i32
      %dma_start3A_33 = tpu.memref_slice %arg4[%add3A, %dma_start3A_31, %dma_start3A_32] : memref<32x125x80xi32, #tpu.memory_space<hbm>> -> memref<1x125x80xi32, #tpu.memory_space<hbm>>
      %dma_start3A_34 = tpu.memref_squeeze %dma_start3A_33 : memref<1x125x80xi32, #tpu.memory_space<hbm>> -> memref<125x80xi32, #tpu.memory_space<hbm>>
      %dma_start3A_35 = arith.constant 0 : i32
      %dma_start3A_36 = arith.constant 0 : i32
      %dma_start3A_37 = tpu.memref_slice %arg4[%add3A, %dma_start3A_35, %dma_start3A_36] : memref<32x125x80xi32, #tpu.memory_space<hbm>> -> memref<1x125x80xi32, #tpu.memory_space<hbm>>
      %dma_start3A_38 = tpu.memref_squeeze %dma_start3A_37 : memref<1x125x80xi32, #tpu.memory_space<hbm>> -> memref<125x80xi32, #tpu.memory_space<hbm>>
      tpu.enqueue_dma source(%dma_start3A_38 : memref<125x80xi32, #tpu.memory_space<hbm>>) target(%arg8 : memref<125x80xi32, #tpu.memory_space<vmem>>) target_semaphore(%run_scoped3A_30 : memref<!tpu.dma_semaphore, #tpu.memory_space<semaphore_mem>>)
      %dma_wait3A_39 = arith.constant 0 : i32
      %dma_wait3A_40 = arith.constant 0 : i32
      %dma_wait3A_41 = tpu.memref_slice %arg4[%add3A, %dma_wait3A_39, %dma_wait3A_40] : memref<32x125x80xi32, #tpu.memory_space<hbm>> -> memref<1x125x80xi32, #tpu.memory_space<hbm>>
      %dma_wait3A_42 = tpu.memref_squeeze %dma_wait3A_41 : memref<1x125x80xi32, #tpu.memory_space<hbm>> -> memref<125x80xi32, #tpu.memory_space<hbm>>
      %dma_wait3A_43 = arith.constant 0 : i32
      %dma_wait3A_44 = arith.constant 0 : i32
      %dma_wait3A_45 = tpu.memref_slice %arg4[%add3A, %dma_wait3A_43, %dma_wait3A_44] : memref<32x125x80xi32, #tpu.memory_space<hbm>> -> memref<1x125x80xi32, #tpu.memory_space<hbm>>
      %dma_wait3A_46 = tpu.memref_squeeze %dma_wait3A_45 : memref<1x125x80xi32, #tpu.memory_space<hbm>> -> memref<125x80xi32, #tpu.memory_space<hbm>>
      tpu.wait_dma2 semaphore(%run_scoped3A_30 : memref<!tpu.dma_semaphore, #tpu.memory_space<semaphore_mem>>) src(%dma_wait3A_46 : memref<125x80xi32, #tpu.memory_space<hbm>>) dst(%arg8 : memref<125x80xi32, #tpu.memory_space<vmem>>)
      tpu.yield
    }) : () -> ()
    "tpu.region"() ({
      %run_scoped3A_30 = tpu.sem_alloc : memref<!tpu.dma_semaphore, #tpu.memory_space<semaphore_mem>>
      %dma_start3A_31 = arith.constant 0 : i32
      %dma_start3A_32 = tpu.memref_slice %arg10[%mul3A_2, %dma_start3A_31] : memref<10240x128xf32, #tpu.memory_space<vmem_shared>> -> memref<640x128xf32, #tpu.memory_space<vmem_shared>>
      %dma_start3A_33 = arith.constant 0 : i32
      %dma_start3A_34 = tpu.memref_slice %arg5[%mul3A_2, %dma_start3A_33] : memref<10240x128xf32, #tpu.memory_space<hbm>> -> memref<640x128xf32, #tpu.memory_space<hbm>>
      tpu.enqueue_dma source(%dma_start3A_34 : memref<640x128xf32, #tpu.memory_space<hbm>>) target(%dma_start3A_32 : memref<640x128xf32, #tpu.memory_space<vmem_shared>>) target_semaphore(%run_scoped3A_30 : memref<!tpu.dma_semaphore, #tpu.memory_space<semaphore_mem>>)
      %dma_wait3A_35 = arith.constant 0 : i32
      %dma_wait3A_36 = tpu.memref_slice %arg10[%mul3A_2, %dma_wait3A_35] : memref<10240x128xf32, #tpu.memory_space<vmem_shared>> -> memref<640x128xf32, #tpu.memory_space<vmem_shared>>
      %dma_wait3A_37 = arith.constant 0 : i32
      %dma_wait3A_38 = tpu.memref_slice %arg5[%mul3A_2, %dma_wait3A_37] : memref<10240x128xf32, #tpu.memory_space<hbm>> -> memref<640x128xf32, #tpu.memory_space<hbm>>
      tpu.wait_dma2 semaphore(%run_scoped3A_30 : memref<!tpu.dma_semaphore, #tpu.memory_space<semaphore_mem>>) src(%dma_wait3A_38 : memref<640x128xf32, #tpu.memory_space<hbm>>) dst(%dma_wait3A_36 : memref<640x128xf32, #tpu.memory_space<vmem_shared>>)
      tpu.yield
    }) : () -> ()
    %barrier3A = arith.constant 0 : index
    tpu.barrier barrier_id(%barrier3A)
    %scan3A = arith.constant 0 : i32
    %scan3A_5 = arith.constant 0 : i32
    %scan3A_6 = arith.constant 62 : i32
    %scan3A_7 = arith.addi %scan3A_5, %scan3A_6 : i32
    %scan3A_8 = arith.constant 1 : i32
    scf.for %scan3A_30 = %scan3A_5 to %scan3A_7 step %scan3A_8  : i32 {
      %mul3A_31 = arith.constant 2 : i32
      %mul3A_32 = arith.muli %mul3A_31, %scan3A_30 : i32
      %mul3A_33 = arith.constant 80 : i32
      %mul3A_34 = arith.muli %mul3A_32, %mul3A_33 : i32
      %add3A_35 = arith.constant 1 : i32
      %add3A_36 = arith.addi %mul3A_32, %add3A_35 : i32
      %mul3A_37 = arith.constant 80 : i32
      %mul3A_38 = arith.muli %add3A_36, %mul3A_37 : i32
      %dma_start3A_39 = arith.constant 0 : i32
      %dma_start3A_40 = arith.constant 0 : i32
      %dma_start3A_41 = arith.constant 0 : i32
      %dma_start3A_42 = tpu.memref_slice %arg9[%dma_start3A_39, %dma_start3A_40, %dma_start3A_41] : memref<2x80x128xf32, #tpu.memory_space<vmem>> -> memref<1x80x128xf32, #tpu.memory_space<vmem>>
      %dma_start3A_43 = tpu.memref_squeeze %dma_start3A_42 : memref<1x80x128xf32, #tpu.memory_space<vmem>> -> memref<80x128xf32, #tpu.memory_space<vmem>>
      %dma_start3A_44 = tpu.memref_slice %arg7[%mul3A_34] : memref<10000xi32, #tpu.memory_space<vmem>> -> memref<80xi32, #tpu.memory_space<vmem>>
      %dma_start3A_45 = arith.constant 0 : i32
      %dma_start3A_46 = arith.constant 0 : i32
      %dma_start3A_47 = tpu.memref_slice %arg2[%dma_start3A_45, %dma_start3A_46] : memref<10000x128xf32, #tpu.memory_space<hbm>> -> memref<10000x128xf32, #tpu.memory_space<hbm>>
      tpu.enqueue_indirect_dma source(%dma_start3A_47 : memref<10000x128xf32, #tpu.memory_space<hbm>>) target(%dma_start3A_43 : memref<80x128xf32, #tpu.memory_space<vmem>>) offsets(%dma_start3A_44 : memref<80xi32, #tpu.memory_space<vmem>>) semaphore(%arg11 : memref<!tpu.dma_semaphore, #tpu.memory_space<semaphore_mem>>)
      %dma_start3A_48 = arith.constant 1 : i32
      %dma_start3A_49 = arith.constant 0 : i32
      %dma_start3A_50 = arith.constant 0 : i32
      %dma_start3A_51 = tpu.memref_slice %arg9[%dma_start3A_48, %dma_start3A_49, %dma_start3A_50] : memref<2x80x128xf32, #tpu.memory_space<vmem>> -> memref<1x80x128xf32, #tpu.memory_space<vmem>>
      %dma_start3A_52 = tpu.memref_squeeze %dma_start3A_51 : memref<1x80x128xf32, #tpu.memory_space<vmem>> -> memref<80x128xf32, #tpu.memory_space<vmem>>
      %dma_start3A_53 = tpu.memref_slice %arg7[%mul3A_38] : memref<10000xi32, #tpu.memory_space<vmem>> -> memref<80xi32, #tpu.memory_space<vmem>>
      %dma_start3A_54 = arith.constant 0 : i32
      %dma_start3A_55 = arith.constant 0 : i32
      %dma_start3A_56 = tpu.memref_slice %arg2[%dma_start3A_54, %dma_start3A_55] : memref<10000x128xf32, #tpu.memory_space<hbm>> -> memref<10000x128xf32, #tpu.memory_space<hbm>>
      tpu.enqueue_indirect_dma source(%dma_start3A_56 : memref<10000x128xf32, #tpu.memory_space<hbm>>) target(%dma_start3A_52 : memref<80x128xf32, #tpu.memory_space<vmem>>) offsets(%dma_start3A_53 : memref<80xi32, #tpu.memory_space<vmem>>) semaphore(%arg12 : memref<!tpu.dma_semaphore, #tpu.memory_space<semaphore_mem>>)
      %dma_wait3A_57 = arith.constant 0 : i32
      %dma_wait3A_58 = arith.constant 0 : i32
      %dma_wait3A_59 = arith.constant 0 : i32
      %dma_wait3A_60 = tpu.memref_slice %arg9[%dma_wait3A_57, %dma_wait3A_58, %dma_wait3A_59] : memref<2x80x128xf32, #tpu.memory_space<vmem>> -> memref<1x80x128xf32, #tpu.memory_space<vmem>>
      %dma_wait3A_61 = tpu.memref_squeeze %dma_wait3A_60 : memref<1x80x128xf32, #tpu.memory_space<vmem>> -> memref<80x128xf32, #tpu.memory_space<vmem>>
      %dma_wait3A_62 = tpu.memref_slice %arg7[%mul3A_34] : memref<10000xi32, #tpu.memory_space<vmem>> -> memref<80xi32, #tpu.memory_space<vmem>>
      %dma_wait3A_63 = arith.constant 0 : i32
      %dma_wait3A_64 = arith.constant 0 : i32
      %dma_wait3A_65 = tpu.memref_slice %arg2[%dma_wait3A_63, %dma_wait3A_64] : memref<10000x128xf32, #tpu.memory_space<hbm>> -> memref<10000x128xf32, #tpu.memory_space<hbm>>
      tpu.wait_indirect_dma semaphore(%arg11 : memref<!tpu.dma_semaphore, #tpu.memory_space<semaphore_mem>>) src(%dma_wait3A_65 : memref<10000x128xf32, #tpu.memory_space<hbm>>) dst(%dma_wait3A_61 : memref<80x128xf32, #tpu.memory_space<vmem>>)
      %run_scoped3A_66 = arith.constant 0 : i32
      "tpu.region"() ({
        %run_scoped3A_79 = tpu.sem_alloc : memref<!tpu.dma_semaphore, #tpu.memory_space<semaphore_mem>>
        %dma_start3A_80 = arith.constant 0 : i32
        %dma_start3A_81 = arith.constant 0 : i32
        %dma_start3A_82 = tpu.memref_slice %arg9[%run_scoped3A_66, %dma_start3A_80, %dma_start3A_81] : memref<2x80x128xf32, #tpu.memory_space<vmem>> -> memref<1x80x128xf32, #tpu.memory_space<vmem>>
        %dma_start3A_83 = tpu.memref_squeeze %dma_start3A_82 : memref<1x80x128xf32, #tpu.memory_space<vmem>> -> memref<80x128xf32, #tpu.memory_space<vmem>>
        %dma_start3A_84 = arith.constant 0 : i32
        %dma_start3A_85 = tpu.memref_slice %arg8[%mul3A_32, %dma_start3A_84] : memref<125x80xi32, #tpu.memory_space<vmem>> -> memref<1x80xi32, #tpu.memory_space<vmem>>
        %dma_start3A_86 = tpu.memref_squeeze %dma_start3A_85 : memref<1x80xi32, #tpu.memory_space<vmem>> -> memref<80xi32, #tpu.memory_space<vmem>>
        %dma_start3A_87 = arith.constant 0 : i32
        %dma_start3A_88 = arith.constant 0 : i32
        %dma_start3A_89 = tpu.memref_slice %arg10[%dma_start3A_87, %dma_start3A_88] : memref<10240x128xf32, #tpu.memory_space<vmem_shared>> -> memref<10240x128xf32, #tpu.memory_space<vmem_shared>>
        tpu.enqueue_indirect_dma source(%dma_start3A_83 : memref<80x128xf32, #tpu.memory_space<vmem>>) target(%dma_start3A_89 : memref<10240x128xf32, #tpu.memory_space<vmem_shared>>) offsets(%dma_start3A_86 : memref<80xi32, #tpu.memory_space<vmem>>) semaphore(%run_scoped3A_79 : memref<!tpu.dma_semaphore, #tpu.memory_space<semaphore_mem>>) {add = true}
        %dma_wait3A_90 = arith.constant 0 : i32
        %dma_wait3A_91 = arith.constant 0 : i32
        %dma_wait3A_92 = tpu.memref_slice %arg9[%run_scoped3A_66, %dma_wait3A_90, %dma_wait3A_91] : memref<2x80x128xf32, #tpu.memory_space<vmem>> -> memref<1x80x128xf32, #tpu.memory_space<vmem>>
        %dma_wait3A_93 = tpu.memref_squeeze %dma_wait3A_92 : memref<1x80x128xf32, #tpu.memory_space<vmem>> -> memref<80x128xf32, #tpu.memory_space<vmem>>
        %dma_wait3A_94 = arith.constant 0 : i32
        %dma_wait3A_95 = tpu.memref_slice %arg8[%mul3A_32, %dma_wait3A_94] : memref<125x80xi32, #tpu.memory_space<vmem>> -> memref<1x80xi32, #tpu.memory_space<vmem>>
        %dma_wait3A_96 = tpu.memref_squeeze %dma_wait3A_95 : memref<1x80xi32, #tpu.memory_space<vmem>> -> memref<80xi32, #tpu.memory_space<vmem>>
        %dma_wait3A_97 = arith.constant 0 : i32
        %dma_wait3A_98 = arith.constant 0 : i32
        %dma_wait3A_99 = tpu.memref_slice %arg10[%dma_wait3A_97, %dma_wait3A_98] : memref<10240x128xf32, #tpu.memory_space<vmem_shared>> -> memref<10240x128xf32, #tpu.memory_space<vmem_shared>>
        tpu.wait_indirect_dma semaphore(%run_scoped3A_79 : memref<!tpu.dma_semaphore, #tpu.memory_space<semaphore_mem>>) src(%dma_wait3A_93 : memref<80x128xf32, #tpu.memory_space<vmem>>) dst(%dma_wait3A_99 : memref<10240x128xf32, #tpu.memory_space<vmem_shared>>)
        tpu.yield
      }) : () -> ()
      %dma_wait3A_67 = arith.constant 1 : i32
      %dma_wait3A_68 = arith.constant 0 : i32
      %dma_wait3A_69 = arith.constant 0 : i32
      %dma_wait3A_70 = tpu.memref_slice %arg9[%dma_wait3A_67, %dma_wait3A_68, %dma_wait3A_69] : memref<2x80x128xf32, #tpu.memory_space<vmem>> -> memref<1x80x128xf32, #tpu.memory_space<vmem>>
      %dma_wait3A_71 = tpu.memref_squeeze %dma_wait3A_70 : memref<1x80x128xf32, #tpu.memory_space<vmem>> -> memref<80x128xf32, #tpu.memory_space<vmem>>
      %dma_wait3A_72 = tpu.memref_slice %arg7[%mul3A_38] : memref<10000xi32, #tpu.memory_space<vmem>> -> memref<80xi32, #tpu.memory_space<vmem>>
      %dma_wait3A_73 = arith.constant 0 : i32
      %dma_wait3A_74 = arith.constant 0 : i32
      %dma_wait3A_75 = tpu.memref_slice %arg2[%dma_wait3A_73, %dma_wait3A_74] : memref<10000x128xf32, #tpu.memory_space<hbm>> -> memref<10000x128xf32, #tpu.memory_space<hbm>>
      tpu.wait_indirect_dma semaphore(%arg12 : memref<!tpu.dma_semaphore, #tpu.memory_space<semaphore_mem>>) src(%dma_wait3A_75 : memref<10000x128xf32, #tpu.memory_space<hbm>>) dst(%dma_wait3A_71 : memref<80x128xf32, #tpu.memory_space<vmem>>)
      %add3A_76 = arith.constant 1 : i32
      %add3A_77 = arith.addi %mul3A_32, %add3A_76 : i32
      %run_scoped3A_78 = arith.constant 1 : i32
      "tpu.region"() ({
        %run_scoped3A_79 = tpu.sem_alloc : memref<!tpu.dma_semaphore, #tpu.memory_space<semaphore_mem>>
        %dma_start3A_80 = arith.constant 0 : i32
        %dma_start3A_81 = arith.constant 0 : i32
        %dma_start3A_82 = tpu.memref_slice %arg9[%run_scoped3A_78, %dma_start3A_80, %dma_start3A_81] : memref<2x80x128xf32, #tpu.memory_space<vmem>> -> memref<1x80x128xf32, #tpu.memory_space<vmem>>
        %dma_start3A_83 = tpu.memref_squeeze %dma_start3A_82 : memref<1x80x128xf32, #tpu.memory_space<vmem>> -> memref<80x128xf32, #tpu.memory_space<vmem>>
        %dma_start3A_84 = arith.constant 0 : i32
        %dma_start3A_85 = tpu.memref_slice %arg8[%add3A_77, %dma_start3A_84] : memref<125x80xi32, #tpu.memory_space<vmem>> -> memref<1x80xi32, #tpu.memory_space<vmem>>
        %dma_start3A_86 = tpu.memref_squeeze %dma_start3A_85 : memref<1x80xi32, #tpu.memory_space<vmem>> -> memref<80xi32, #tpu.memory_space<vmem>>
        %dma_start3A_87 = arith.constant 0 : i32
        %dma_start3A_88 = arith.constant 0 : i32
        %dma_start3A_89 = tpu.memref_slice %arg10[%dma_start3A_87, %dma_start3A_88] : memref<10240x128xf32, #tpu.memory_space<vmem_shared>> -> memref<10240x128xf32, #tpu.memory_space<vmem_shared>>
        tpu.enqueue_indirect_dma source(%dma_start3A_83 : memref<80x128xf32, #tpu.memory_space<vmem>>) target(%dma_start3A_89 : memref<10240x128xf32, #tpu.memory_space<vmem_shared>>) offsets(%dma_start3A_86 : memref<80xi32, #tpu.memory_space<vmem>>) semaphore(%run_scoped3A_79 : memref<!tpu.dma_semaphore, #tpu.memory_space<semaphore_mem>>) {add = true}
        %dma_wait3A_90 = arith.constant 0 : i32
        %dma_wait3A_91 = arith.constant 0 : i32
        %dma_wait3A_92 = tpu.memref_slice %arg9[%run_scoped3A_78, %dma_wait3A_90, %dma_wait3A_91] : memref<2x80x128xf32, #tpu.memory_space<vmem>> -> memref<1x80x128xf32, #tpu.memory_space<vmem>>
        %dma_wait3A_93 = tpu.memref_squeeze %dma_wait3A_92 : memref<1x80x128xf32, #tpu.memory_space<vmem>> -> memref<80x128xf32, #tpu.memory_space<vmem>>
        %dma_wait3A_94 = arith.constant 0 : i32
        %dma_wait3A_95 = tpu.memref_slice %arg8[%add3A_77, %dma_wait3A_94] : memref<125x80xi32, #tpu.memory_space<vmem>> -> memref<1x80xi32, #tpu.memory_space<vmem>>
        %dma_wait3A_96 = tpu.memref_squeeze %dma_wait3A_95 : memref<1x80xi32, #tpu.memory_space<vmem>> -> memref<80xi32, #tpu.memory_space<vmem>>
        %dma_wait3A_97 = arith.constant 0 : i32
        %dma_wait3A_98 = arith.constant 0 : i32
        %dma_wait3A_99 = tpu.memref_slice %arg10[%dma_wait3A_97, %dma_wait3A_98] : memref<10240x128xf32, #tpu.memory_space<vmem_shared>> -> memref<10240x128xf32, #tpu.memory_space<vmem_shared>>
        tpu.wait_indirect_dma semaphore(%run_scoped3A_79 : memref<!tpu.dma_semaphore, #tpu.memory_space<semaphore_mem>>) src(%dma_wait3A_93 : memref<80x128xf32, #tpu.memory_space<vmem>>) dst(%dma_wait3A_99 : memref<10240x128xf32, #tpu.memory_space<vmem_shared>>)
        tpu.yield
      }) : () -> ()
    }
    %scan3A_9 = arith.constant 62 : i32
    %dma_start3A = arith.constant 0 : i32
    %dma_start3A_10 = arith.constant 0 : i32
    %dma_start3A_11 = arith.constant 0 : i32
    %dma_start3A_12 = tpu.memref_slice %arg9[%dma_start3A, %dma_start3A_10, %dma_start3A_11] : memref<2x80x128xf32, #tpu.memory_space<vmem>> -> memref<1x80x128xf32, #tpu.memory_space<vmem>>
    %dma_start3A_13 = tpu.memref_squeeze %dma_start3A_12 : memref<1x80x128xf32, #tpu.memory_space<vmem>> -> memref<80x128xf32, #tpu.memory_space<vmem>>
    %dma_start3A_14 = arith.constant 9920 : i32
    %dma_start3A_15 = tpu.memref_slice %arg7[%dma_start3A_14] : memref<10000xi32, #tpu.memory_space<vmem>> -> memref<80xi32, #tpu.memory_space<vmem>>
    %dma_start3A_16 = arith.constant 0 : i32
    %dma_start3A_17 = arith.constant 0 : i32
    %dma_start3A_18 = tpu.memref_slice %arg2[%dma_start3A_16, %dma_start3A_17] : memref<10000x128xf32, #tpu.memory_space<hbm>> -> memref<10000x128xf32, #tpu.memory_space<hbm>>
    tpu.enqueue_indirect_dma source(%dma_start3A_18 : memref<10000x128xf32, #tpu.memory_space<hbm>>) target(%dma_start3A_13 : memref<80x128xf32, #tpu.memory_space<vmem>>) offsets(%dma_start3A_15 : memref<80xi32, #tpu.memory_space<vmem>>) semaphore(%arg11 : memref<!tpu.dma_semaphore, #tpu.memory_space<semaphore_mem>>)
    %dma_wait3A = arith.constant 0 : i32
    %dma_wait3A_19 = arith.constant 0 : i32
    %dma_wait3A_20 = arith.constant 0 : i32
    %dma_wait3A_21 = tpu.memref_slice %arg9[%dma_wait3A, %dma_wait3A_19, %dma_wait3A_20] : memref<2x80x128xf32, #tpu.memory_space<vmem>> -> memref<1x80x128xf32, #tpu.memory_space<vmem>>
    %dma_wait3A_22 = tpu.memref_squeeze %dma_wait3A_21 : memref<1x80x128xf32, #tpu.memory_space<vmem>> -> memref<80x128xf32, #tpu.memory_space<vmem>>
    %dma_wait3A_23 = arith.constant 9920 : i32
    %dma_wait3A_24 = tpu.memref_slice %arg7[%dma_wait3A_23] : memref<10000xi32, #tpu.memory_space<vmem>> -> memref<80xi32, #tpu.memory_space<vmem>>
    %dma_wait3A_25 = arith.constant 0 : i32
    %dma_wait3A_26 = arith.constant 0 : i32
    %dma_wait3A_27 = tpu.memref_slice %arg2[%dma_wait3A_25, %dma_wait3A_26] : memref<10000x128xf32, #tpu.memory_space<hbm>> -> memref<10000x128xf32, #tpu.memory_space<hbm>>
    tpu.wait_indirect_dma semaphore(%arg11 : memref<!tpu.dma_semaphore, #tpu.memory_space<semaphore_mem>>) src(%dma_wait3A_27 : memref<10000x128xf32, #tpu.memory_space<hbm>>) dst(%dma_wait3A_22 : memref<80x128xf32, #tpu.memory_space<vmem>>)
    %run_scoped3A = arith.constant 0 : i32
    %run_scoped3A_28 = arith.constant 124 : i32
    "tpu.region"() ({
      %run_scoped3A_30 = tpu.sem_alloc : memref<!tpu.dma_semaphore, #tpu.memory_space<semaphore_mem>>
      %dma_start3A_31 = arith.constant 0 : i32
      %dma_start3A_32 = arith.constant 0 : i32
      %dma_start3A_33 = tpu.memref_slice %arg9[%run_scoped3A, %dma_start3A_31, %dma_start3A_32] : memref<2x80x128xf32, #tpu.memory_space<vmem>> -> memref<1x80x128xf32, #tpu.memory_space<vmem>>
      %dma_start3A_34 = tpu.memref_squeeze %dma_start3A_33 : memref<1x80x128xf32, #tpu.memory_space<vmem>> -> memref<80x128xf32, #tpu.memory_space<vmem>>
      %dma_start3A_35 = arith.constant 0 : i32
      %dma_start3A_36 = tpu.memref_slice %arg8[%run_scoped3A_28, %dma_start3A_35] : memref<125x80xi32, #tpu.memory_space<vmem>> -> memref<1x80xi32, #tpu.memory_space<vmem>>
      %dma_start3A_37 = tpu.memref_squeeze %dma_start3A_36 : memref<1x80xi32, #tpu.memory_space<vmem>> -> memref<80xi32, #tpu.memory_space<vmem>>
      %dma_start3A_38 = arith.constant 0 : i32
      %dma_start3A_39 = arith.constant 0 : i32
      %dma_start3A_40 = tpu.memref_slice %arg10[%dma_start3A_38, %dma_start3A_39] : memref<10240x128xf32, #tpu.memory_space<vmem_shared>> -> memref<10240x128xf32, #tpu.memory_space<vmem_shared>>
      tpu.enqueue_indirect_dma source(%dma_start3A_34 : memref<80x128xf32, #tpu.memory_space<vmem>>) target(%dma_start3A_40 : memref<10240x128xf32, #tpu.memory_space<vmem_shared>>) offsets(%dma_start3A_37 : memref<80xi32, #tpu.memory_space<vmem>>) semaphore(%run_scoped3A_30 : memref<!tpu.dma_semaphore, #tpu.memory_space<semaphore_mem>>) {add = true}
      %dma_wait3A_41 = arith.constant 0 : i32
      %dma_wait3A_42 = arith.constant 0 : i32
      %dma_wait3A_43 = tpu.memref_slice %arg9[%run_scoped3A, %dma_wait3A_41, %dma_wait3A_42] : memref<2x80x128xf32, #tpu.memory_space<vmem>> -> memref<1x80x128xf32, #tpu.memory_space<vmem>>
      %dma_wait3A_44 = tpu.memref_squeeze %dma_wait3A_43 : memref<1x80x128xf32, #tpu.memory_space<vmem>> -> memref<80x128xf32, #tpu.memory_space<vmem>>
      %dma_wait3A_45 = arith.constant 0 : i32
      %dma_wait3A_46 = tpu.memref_slice %arg8[%run_scoped3A_28, %dma_wait3A_45] : memref<125x80xi32, #tpu.memory_space<vmem>> -> memref<1x80xi32, #tpu.memory_space<vmem>>
      %dma_wait3A_47 = tpu.memref_squeeze %dma_wait3A_46 : memref<1x80xi32, #tpu.memory_space<vmem>> -> memref<80xi32, #tpu.memory_space<vmem>>
      %dma_wait3A_48 = arith.constant 0 : i32
      %dma_wait3A_49 = arith.constant 0 : i32
      %dma_wait3A_50 = tpu.memref_slice %arg10[%dma_wait3A_48, %dma_wait3A_49] : memref<10240x128xf32, #tpu.memory_space<vmem_shared>> -> memref<10240x128xf32, #tpu.memory_space<vmem_shared>>
      tpu.wait_indirect_dma semaphore(%run_scoped3A_30 : memref<!tpu.dma_semaphore, #tpu.memory_space<semaphore_mem>>) src(%dma_wait3A_44 : memref<80x128xf32, #tpu.memory_space<vmem>>) dst(%dma_wait3A_50 : memref<10240x128xf32, #tpu.memory_space<vmem_shared>>)
      tpu.yield
    }) : () -> ()
    %barrier3A_29 = arith.constant 0 : index
    tpu.barrier barrier_id(%barrier3A_29)
    "tpu.region"() ({
      %run_scoped3A_30 = tpu.sem_alloc : memref<!tpu.dma_semaphore, #tpu.memory_space<semaphore_mem>>
      %dma_start3A_31 = arith.constant 0 : i32
      %dma_start3A_32 = tpu.memref_slice %arg6[%arg0, %mul3A_2, %dma_start3A_31] : memref<2x10240x128xf32, #tpu.memory_space<hbm>> -> memref<1x640x128xf32, #tpu.memory_space<hbm>>
      %dma_start3A_33 = tpu.memref_squeeze %dma_start3A_32 : memref<1x640x128xf32, #tpu.memory_space<hbm>> -> memref<640x128xf32, #tpu.memory_space<hbm>>
      %dma_start3A_34 = arith.constant 0 : i32
      %dma_start3A_35 = tpu.memref_slice %arg10[%mul3A_2, %dma_start3A_34] : memref<10240x128xf32, #tpu.memory_space<vmem_shared>> -> memref<640x128xf32, #tpu.memory_space<vmem_shared>>
      tpu.enqueue_dma source(%dma_start3A_35 : memref<640x128xf32, #tpu.memory_space<vmem_shared>>) target(%dma_start3A_33 : memref<640x128xf32, #tpu.memory_space<hbm>>) target_semaphore(%run_scoped3A_30 : memref<!tpu.dma_semaphore, #tpu.memory_space<semaphore_mem>>)
      %dma_wait3A_36 = arith.constant 0 : i32
      %dma_wait3A_37 = tpu.memref_slice %arg6[%arg0, %mul3A_2, %dma_wait3A_36] : memref<2x10240x128xf32, #tpu.memory_space<hbm>> -> memref<1x640x128xf32, #tpu.memory_space<hbm>>
      %dma_wait3A_38 = tpu.memref_squeeze %dma_wait3A_37 : memref<1x640x128xf32, #tpu.memory_space<hbm>> -> memref<640x128xf32, #tpu.memory_space<hbm>>
      %dma_wait3A_39 = arith.constant 0 : i32
      %dma_wait3A_40 = tpu.memref_slice %arg10[%mul3A_2, %dma_wait3A_39] : memref<10240x128xf32, #tpu.memory_space<vmem_shared>> -> memref<640x128xf32, #tpu.memory_space<vmem_shared>>
      tpu.wait_dma2 semaphore(%run_scoped3A_30 : memref<!tpu.dma_semaphore, #tpu.memory_space<semaphore_mem>>) src(%dma_wait3A_40 : memref<640x128xf32, #tpu.memory_space<vmem_shared>>) dst(%dma_wait3A_38 : memref<640x128xf32, #tpu.memory_space<hbm>>)
      tpu.yield
    }) : () -> ()
    return
  }
}

#map = affine_map<(d0, d1) -> (0, 0)>
#map1 = affine_map<(d0, d1) -> (0)>
#map2 = affine_map<(d0, d1) -> (0, 0, 0)>
module attributes {stable_mosaic.version = 14 : i64} {
  func.func @agg(%arg0: i32, %arg1: i32, %arg2: memref<10000x128xf32, #tpu.memory_space<hbm>>, %arg3: memref<320000xi32, #tpu.memory_space<hbm>>, %arg4: memref<32x125x80xi32, #tpu.memory_space<hbm>>, %arg5: memref<10240x128xf32, #tpu.memory_space<hbm>>, %arg6: memref<2x10240x128xf32, #tpu.memory_space<hbm>>, %arg7: memref<10000xi32, #tpu.memory_space<vmem>>, %arg8: memref<125x80xi32, #tpu.memory_space<vmem>>, %arg9: memref<2x80x128xf32, #tpu.memory_space<vmem>>, %arg10: memref<10240x128xf32, #tpu.memory_space<vmem_shared>>, %arg11: memref<!tpu.dma_semaphore, #tpu.memory_space<semaphore_mem>>, %arg12: memref<!tpu.dma_semaphore, #tpu.memory_space<semaphore_mem>>) attributes {dimension_semantics = [#tpu.dimension_semantics<core_parallel>, #tpu.dimension_semantics<subcore_parallel>], iteration_bounds = array<i64: 2, 16>, scalar_prefetch = 0 : i64, scratch_operands = 6 : i64, tpu.core_type = #tpu.core_type<sc_vector_subcore>, window_params = [{transform_indices = #map}, {transform_indices = #map1}, {transform_indices = #map2}, {transform_indices = #map}, {transform_indices = #map2}]} {
    %mul3A = arith.constant 2 : i32
    %mul3A_0 = arith.muli %arg1, %mul3A : i32
    %add3A = arith.addi %mul3A_0, %arg0 : i32
    %mul3A_1 = arith.constant 640 : i32
    %mul3A_2 = arith.muli %arg1, %mul3A_1 : i32
    %mul3A_3 = arith.constant 10000 : i32
    %mul3A_4 = arith.muli %add3A, %mul3A_3 : i32
    "tpu.region"() ({
      %run_scoped3A_30 = tpu.sem_alloc : memref<!tpu.dma_semaphore, #tpu.memory_space<semaphore_mem>>
      %dma_start3A_31 = tpu.memref_slice %arg3[%mul3A_4] : memref<320000xi32, #tpu.memory_space<hbm>> -> memref<10000xi32, #tpu.memory_space<hbm>>
      %dma_start3A_32 = tpu.memref_slice %arg3[%mul3A_4] : memref<320000xi32, #tpu.memory_space<hbm>> -> memref<10000xi32, #tpu.memory_space<hbm>>
      tpu.enqueue_dma source(%dma_start3A_32 : memref<10000xi32, #tpu.memory_space<hbm>>) target(%arg7 : memref<10000xi32, #tpu.memory_space<vmem>>) target_semaphore(%run_scoped3A_30 : memref<!tpu.dma_semaphore, #tpu.memory_space<semaphore_mem>>)
      %dma_wait3A_33 = tpu.memref_slice %arg3[%mul3A_4] : memref<320000xi32, #tpu.memory_space<hbm>> -> memref<10000xi32, #tpu.memory_space<hbm>>
      %dma_wait3A_34 = tpu.memref_slice %arg3[%mul3A_4] : memref<320000xi32, #tpu.memory_space<hbm>> -> memref<10000xi32, #tpu.memory_space<hbm>>
      tpu.wait_dma2 semaphore(%run_scoped3A_30 : memref<!tpu.dma_semaphore, #tpu.memory_space<semaphore_mem>>) src(%dma_wait3A_34 : memref<10000xi32, #tpu.memory_space<hbm>>) dst(%arg7 : memref<10000xi32, #tpu.memory_space<vmem>>)
      tpu.yield
    }) : () -> ()
    "tpu.region"() ({
      %run_scoped3A_30 = tpu.sem_alloc : memref<!tpu.dma_semaphore, #tpu.memory_space<semaphore_mem>>
      %dma_start3A_31 = arith.constant 0 : i32
      %dma_start3A_32 = arith.constant 0 : i32
      %dma_start3A_33 = tpu.memref_slice %arg4[%add3A, %dma_start3A_31, %dma_start3A_32] : memref<32x125x80xi32, #tpu.memory_space<hbm>> -> memref<1x125x80xi32, #tpu.memory_space<hbm>>
      %dma_start3A_34 = tpu.memref_squeeze %dma_start3A_33 : memref<1x125x80xi32, #tpu.memory_space<hbm>> -> memref<125x80xi32, #tpu.memory_space<hbm>>
      %dma_start3A_35 = arith.constant 0 : i32
      %dma_start3A_36 = arith.constant 0 : i32
      %dma_start3A_37 = tpu.memref_slice %arg4[%add3A, %dma_start3A_35, %dma_start3A_36] : memref<32x125x80xi32, #tpu.memory_space<hbm>> -> memref<1x125x80xi32, #tpu.memory_space<hbm>>
      %dma_start3A_38 = tpu.memref_squeeze %dma_start3A_37 : memref<1x125x80xi32, #tpu.memory_space<hbm>> -> memref<125x80xi32, #tpu.memory_space<hbm>>
      tpu.enqueue_dma source(%dma_start3A_38 : memref<125x80xi32, #tpu.memory_space<hbm>>) target(%arg8 : memref<125x80xi32, #tpu.memory_space<vmem>>) target_semaphore(%run_scoped3A_30 : memref<!tpu.dma_semaphore, #tpu.memory_space<semaphore_mem>>)
      %dma_wait3A_39 = arith.constant 0 : i32
      %dma_wait3A_40 = arith.constant 0 : i32
      %dma_wait3A_41 = tpu.memref_slice %arg4[%add3A, %dma_wait3A_39, %dma_wait3A_40] : memref<32x125x80xi32, #tpu.memory_space<hbm>> -> memref<1x125x80xi32, #tpu.memory_space<hbm>>
      %dma_wait3A_42 = tpu.memref_squeeze %dma_wait3A_41 : memref<1x125x80xi32, #tpu.memory_space<hbm>> -> memref<125x80xi32, #tpu.memory_space<hbm>>
      %dma_wait3A_43 = arith.constant 0 : i32
      %dma_wait3A_44 = arith.constant 0 : i32
      %dma_wait3A_45 = tpu.memref_slice %arg4[%add3A, %dma_wait3A_43, %dma_wait3A_44] : memref<32x125x80xi32, #tpu.memory_space<hbm>> -> memref<1x125x80xi32, #tpu.memory_space<hbm>>
      %dma_wait3A_46 = tpu.memref_squeeze %dma_wait3A_45 : memref<1x125x80xi32, #tpu.memory_space<hbm>> -> memref<125x80xi32, #tpu.memory_space<hbm>>
      tpu.wait_dma2 semaphore(%run_scoped3A_30 : memref<!tpu.dma_semaphore, #tpu.memory_space<semaphore_mem>>) src(%dma_wait3A_46 : memref<125x80xi32, #tpu.memory_space<hbm>>) dst(%arg8 : memref<125x80xi32, #tpu.memory_space<vmem>>)
      tpu.yield
    }) : () -> ()
    "tpu.region"() ({
      %run_scoped3A_30 = tpu.sem_alloc : memref<!tpu.dma_semaphore, #tpu.memory_space<semaphore_mem>>
      %dma_start3A_31 = arith.constant 0 : i32
      %dma_start3A_32 = tpu.memref_slice %arg10[%mul3A_2, %dma_start3A_31] : memref<10240x128xf32, #tpu.memory_space<vmem_shared>> -> memref<640x128xf32, #tpu.memory_space<vmem_shared>>
      %dma_start3A_33 = arith.constant 0 : i32
      %dma_start3A_34 = tpu.memref_slice %arg5[%mul3A_2, %dma_start3A_33] : memref<10240x128xf32, #tpu.memory_space<hbm>> -> memref<640x128xf32, #tpu.memory_space<hbm>>
      tpu.enqueue_dma source(%dma_start3A_34 : memref<640x128xf32, #tpu.memory_space<hbm>>) target(%dma_start3A_32 : memref<640x128xf32, #tpu.memory_space<vmem_shared>>) target_semaphore(%run_scoped3A_30 : memref<!tpu.dma_semaphore, #tpu.memory_space<semaphore_mem>>)
      %dma_wait3A_35 = arith.constant 0 : i32
      %dma_wait3A_36 = tpu.memref_slice %arg10[%mul3A_2, %dma_wait3A_35] : memref<10240x128xf32, #tpu.memory_space<vmem_shared>> -> memref<640x128xf32, #tpu.memory_space<vmem_shared>>
      %dma_wait3A_37 = arith.constant 0 : i32
      %dma_wait3A_38 = tpu.memref_slice %arg5[%mul3A_2, %dma_wait3A_37] : memref<10240x128xf32, #tpu.memory_space<hbm>> -> memref<640x128xf32, #tpu.memory_space<hbm>>
      tpu.wait_dma2 semaphore(%run_scoped3A_30 : memref<!tpu.dma_semaphore, #tpu.memory_space<semaphore_mem>>) src(%dma_wait3A_38 : memref<640x128xf32, #tpu.memory_space<hbm>>) dst(%dma_wait3A_36 : memref<640x128xf32, #tpu.memory_space<vmem_shared>>)
      tpu.yield
    }) : () -> ()
    %barrier3A = arith.constant 0 : index
    tpu.barrier barrier_id(%barrier3A)
    %scan3A = arith.constant 0 : i32
    %scan3A_5 = arith.constant 0 : i32
    %scan3A_6 = arith.constant 62 : i32
    %scan3A_7 = arith.addi %scan3A_5, %scan3A_6 : i32
    %scan3A_8 = arith.constant 1 : i32
    scf.for %scan3A_30 = %scan3A_5 to %scan3A_7 step %scan3A_8  : i32 {
      %mul3A_31 = arith.constant 2 : i32
      %mul3A_32 = arith.muli %mul3A_31, %scan3A_30 : i32
      %mul3A_33 = arith.constant 80 : i32
      %mul3A_34 = arith.muli %mul3A_32, %mul3A_33 : i32
      %add3A_35 = arith.constant 1 : i32
      %add3A_36 = arith.addi %mul3A_32, %add3A_35 : i32
      %mul3A_37 = arith.constant 80 : i32
      %mul3A_38 = arith.muli %add3A_36, %mul3A_37 : i32
      %dma_start3A_39 = arith.constant 0 : i32
      %dma_start3A_40 = arith.constant 0 : i32
      %dma_start3A_41 = arith.constant 0 : i32
      %dma_start3A_42 = tpu.memref_slice %arg9[%dma_start3A_39, %dma_start3A_40, %dma_start3A_41] : memref<2x80x128xf32, #tpu.memory_space<vmem>> -> memref<1x80x128xf32, #tpu.memory_space<vmem>>
      %dma_start3A_43 = tpu.memref_squeeze %dma_start3A_42 : memref<1x80x128xf32, #tpu.memory_space<vmem>> -> memref<80x128xf32, #tpu.memory_space<vmem>>
      %dma_start3A_44 = tpu.memref_slice %arg7[%mul3A_34] : memref<10000xi32, #tpu.memory_space<vmem>> -> memref<80xi32, #tpu.memory_space<vmem>>
      %dma_start3A_45 = arith.constant 0 : i32
      %dma_start3A_46 = arith.constant 0 : i32
      %dma_start3A_47 = tpu.memref_slice %arg2[%dma_start3A_45, %dma_start3A_46] : memref<10000x128xf32, #tpu.memory_space<hbm>> -> memref<10000x128xf32, #tpu.memory_space<hbm>>
      tpu.enqueue_indirect_dma source(%dma_start3A_47 : memref<10000x128xf32, #tpu.memory_space<hbm>>) target(%dma_start3A_43 : memref<80x128xf32, #tpu.memory_space<vmem>>) offsets(%dma_start3A_44 : memref<80xi32, #tpu.memory_space<vmem>>) semaphore(%arg11 : memref<!tpu.dma_semaphore, #tpu.memory_space<semaphore_mem>>)
      %dma_start3A_48 = arith.constant 1 : i32
      %dma_start3A_49 = arith.constant 0 : i32
      %dma_start3A_50 = arith.constant 0 : i32
      %dma_start3A_51 = tpu.memref_slice %arg9[%dma_start3A_48, %dma_start3A_49, %dma_start3A_50] : memref<2x80x128xf32, #tpu.memory_space<vmem>> -> memref<1x80x128xf32, #tpu.memory_space<vmem>>
      %dma_start3A_52 = tpu.memref_squeeze %dma_start3A_51 : memref<1x80x128xf32, #tpu.memory_space<vmem>> -> memref<80x128xf32, #tpu.memory_space<vmem>>
      %dma_start3A_53 = tpu.memref_slice %arg7[%mul3A_38] : memref<10000xi32, #tpu.memory_space<vmem>> -> memref<80xi32, #tpu.memory_space<vmem>>
      %dma_start3A_54 = arith.constant 0 : i32
      %dma_start3A_55 = arith.constant 0 : i32
      %dma_start3A_56 = tpu.memref_slice %arg2[%dma_start3A_54, %dma_start3A_55] : memref<10000x128xf32, #tpu.memory_space<hbm>> -> memref<10000x128xf32, #tpu.memory_space<hbm>>
      tpu.enqueue_indirect_dma source(%dma_start3A_56 : memref<10000x128xf32, #tpu.memory_space<hbm>>) target(%dma_start3A_52 : memref<80x128xf32, #tpu.memory_space<vmem>>) offsets(%dma_start3A_53 : memref<80xi32, #tpu.memory_space<vmem>>) semaphore(%arg12 : memref<!tpu.dma_semaphore, #tpu.memory_space<semaphore_mem>>)
      %dma_wait3A_57 = arith.constant 0 : i32
      %dma_wait3A_58 = arith.constant 0 : i32
      %dma_wait3A_59 = arith.constant 0 : i32
      %dma_wait3A_60 = tpu.memref_slice %arg9[%dma_wait3A_57, %dma_wait3A_58, %dma_wait3A_59] : memref<2x80x128xf32, #tpu.memory_space<vmem>> -> memref<1x80x128xf32, #tpu.memory_space<vmem>>
      %dma_wait3A_61 = tpu.memref_squeeze %dma_wait3A_60 : memref<1x80x128xf32, #tpu.memory_space<vmem>> -> memref<80x128xf32, #tpu.memory_space<vmem>>
      %dma_wait3A_62 = tpu.memref_slice %arg7[%mul3A_34] : memref<10000xi32, #tpu.memory_space<vmem>> -> memref<80xi32, #tpu.memory_space<vmem>>
      %dma_wait3A_63 = arith.constant 0 : i32
      %dma_wait3A_64 = arith.constant 0 : i32
      %dma_wait3A_65 = tpu.memref_slice %arg2[%dma_wait3A_63, %dma_wait3A_64] : memref<10000x128xf32, #tpu.memory_space<hbm>> -> memref<10000x128xf32, #tpu.memory_space<hbm>>
      tpu.wait_indirect_dma semaphore(%arg11 : memref<!tpu.dma_semaphore, #tpu.memory_space<semaphore_mem>>) src(%dma_wait3A_65 : memref<10000x128xf32, #tpu.memory_space<hbm>>) dst(%dma_wait3A_61 : memref<80x128xf32, #tpu.memory_space<vmem>>)
      %run_scoped3A_66 = arith.constant 0 : i32
      "tpu.region"() ({
        %run_scoped3A_79 = tpu.sem_alloc : memref<!tpu.dma_semaphore, #tpu.memory_space<semaphore_mem>>
        %dma_start3A_80 = arith.constant 0 : i32
        %dma_start3A_81 = arith.constant 0 : i32
        %dma_start3A_82 = tpu.memref_slice %arg9[%run_scoped3A_66, %dma_start3A_80, %dma_start3A_81] : memref<2x80x128xf32, #tpu.memory_space<vmem>> -> memref<1x80x128xf32, #tpu.memory_space<vmem>>
        %dma_start3A_83 = tpu.memref_squeeze %dma_start3A_82 : memref<1x80x128xf32, #tpu.memory_space<vmem>> -> memref<80x128xf32, #tpu.memory_space<vmem>>
        %dma_start3A_84 = arith.constant 0 : i32
        %dma_start3A_85 = tpu.memref_slice %arg8[%mul3A_32, %dma_start3A_84] : memref<125x80xi32, #tpu.memory_space<vmem>> -> memref<1x80xi32, #tpu.memory_space<vmem>>
        %dma_start3A_86 = tpu.memref_squeeze %dma_start3A_85 : memref<1x80xi32, #tpu.memory_space<vmem>> -> memref<80xi32, #tpu.memory_space<vmem>>
        %dma_start3A_87 = arith.constant 0 : i32
        %dma_start3A_88 = arith.constant 0 : i32
        %dma_start3A_89 = tpu.memref_slice %arg10[%dma_start3A_87, %dma_start3A_88] : memref<10240x128xf32, #tpu.memory_space<vmem_shared>> -> memref<10240x128xf32, #tpu.memory_space<vmem_shared>>
        tpu.enqueue_indirect_dma source(%dma_start3A_83 : memref<80x128xf32, #tpu.memory_space<vmem>>) target(%dma_start3A_89 : memref<10240x128xf32, #tpu.memory_space<vmem_shared>>) offsets(%dma_start3A_86 : memref<80xi32, #tpu.memory_space<vmem>>) semaphore(%run_scoped3A_79 : memref<!tpu.dma_semaphore, #tpu.memory_space<semaphore_mem>>) {add = true}
        %dma_wait3A_90 = arith.constant 0 : i32
        %dma_wait3A_91 = arith.constant 0 : i32
        %dma_wait3A_92 = tpu.memref_slice %arg9[%run_scoped3A_66, %dma_wait3A_90, %dma_wait3A_91] : memref<2x80x128xf32, #tpu.memory_space<vmem>> -> memref<1x80x128xf32, #tpu.memory_space<vmem>>
        %dma_wait3A_93 = tpu.memref_squeeze %dma_wait3A_92 : memref<1x80x128xf32, #tpu.memory_space<vmem>> -> memref<80x128xf32, #tpu.memory_space<vmem>>
        %dma_wait3A_94 = arith.constant 0 : i32
        %dma_wait3A_95 = tpu.memref_slice %arg8[%mul3A_32, %dma_wait3A_94] : memref<125x80xi32, #tpu.memory_space<vmem>> -> memref<1x80xi32, #tpu.memory_space<vmem>>
        %dma_wait3A_96 = tpu.memref_squeeze %dma_wait3A_95 : memref<1x80xi32, #tpu.memory_space<vmem>> -> memref<80xi32, #tpu.memory_space<vmem>>
        %dma_wait3A_97 = arith.constant 0 : i32
        %dma_wait3A_98 = arith.constant 0 : i32
        %dma_wait3A_99 = tpu.memref_slice %arg10[%dma_wait3A_97, %dma_wait3A_98] : memref<10240x128xf32, #tpu.memory_space<vmem_shared>> -> memref<10240x128xf32, #tpu.memory_space<vmem_shared>>
        tpu.wait_indirect_dma semaphore(%run_scoped3A_79 : memref<!tpu.dma_semaphore, #tpu.memory_space<semaphore_mem>>) src(%dma_wait3A_93 : memref<80x128xf32, #tpu.memory_space<vmem>>) dst(%dma_wait3A_99 : memref<10240x128xf32, #tpu.memory_space<vmem_shared>>)
        tpu.yield
      }) : () -> ()
      %dma_wait3A_67 = arith.constant 1 : i32
      %dma_wait3A_68 = arith.constant 0 : i32
      %dma_wait3A_69 = arith.constant 0 : i32
      %dma_wait3A_70 = tpu.memref_slice %arg9[%dma_wait3A_67, %dma_wait3A_68, %dma_wait3A_69] : memref<2x80x128xf32, #tpu.memory_space<vmem>> -> memref<1x80x128xf32, #tpu.memory_space<vmem>>
      %dma_wait3A_71 = tpu.memref_squeeze %dma_wait3A_70 : memref<1x80x128xf32, #tpu.memory_space<vmem>> -> memref<80x128xf32, #tpu.memory_space<vmem>>
      %dma_wait3A_72 = tpu.memref_slice %arg7[%mul3A_38] : memref<10000xi32, #tpu.memory_space<vmem>> -> memref<80xi32, #tpu.memory_space<vmem>>
      %dma_wait3A_73 = arith.constant 0 : i32
      %dma_wait3A_74 = arith.constant 0 : i32
      %dma_wait3A_75 = tpu.memref_slice %arg2[%dma_wait3A_73, %dma_wait3A_74] : memref<10000x128xf32, #tpu.memory_space<hbm>> -> memref<10000x128xf32, #tpu.memory_space<hbm>>
      tpu.wait_indirect_dma semaphore(%arg12 : memref<!tpu.dma_semaphore, #tpu.memory_space<semaphore_mem>>) src(%dma_wait3A_75 : memref<10000x128xf32, #tpu.memory_space<hbm>>) dst(%dma_wait3A_71 : memref<80x128xf32, #tpu.memory_space<vmem>>)
      %add3A_76 = arith.constant 1 : i32
      %add3A_77 = arith.addi %mul3A_32, %add3A_76 : i32
      %run_scoped3A_78 = arith.constant 1 : i32
      "tpu.region"() ({
        %run_scoped3A_79 = tpu.sem_alloc : memref<!tpu.dma_semaphore, #tpu.memory_space<semaphore_mem>>
        %dma_start3A_80 = arith.constant 0 : i32
        %dma_start3A_81 = arith.constant 0 : i32
        %dma_start3A_82 = tpu.memref_slice %arg9[%run_scoped3A_78, %dma_start3A_80, %dma_start3A_81] : memref<2x80x128xf32, #tpu.memory_space<vmem>> -> memref<1x80x128xf32, #tpu.memory_space<vmem>>
        %dma_start3A_83 = tpu.memref_squeeze %dma_start3A_82 : memref<1x80x128xf32, #tpu.memory_space<vmem>> -> memref<80x128xf32, #tpu.memory_space<vmem>>
        %dma_start3A_84 = arith.constant 0 : i32
        %dma_start3A_85 = tpu.memref_slice %arg8[%add3A_77, %dma_start3A_84] : memref<125x80xi32, #tpu.memory_space<vmem>> -> memref<1x80xi32, #tpu.memory_space<vmem>>
        %dma_start3A_86 = tpu.memref_squeeze %dma_start3A_85 : memref<1x80xi32, #tpu.memory_space<vmem>> -> memref<80xi32, #tpu.memory_space<vmem>>
        %dma_start3A_87 = arith.constant 0 : i32
        %dma_start3A_88 = arith.constant 0 : i32
        %dma_start3A_89 = tpu.memref_slice %arg10[%dma_start3A_87, %dma_start3A_88] : memref<10240x128xf32, #tpu.memory_space<vmem_shared>> -> memref<10240x128xf32, #tpu.memory_space<vmem_shared>>
        tpu.enqueue_indirect_dma source(%dma_start3A_83 : memref<80x128xf32, #tpu.memory_space<vmem>>) target(%dma_start3A_89 : memref<10240x128xf32, #tpu.memory_space<vmem_shared>>) offsets(%dma_start3A_86 : memref<80xi32, #tpu.memory_space<vmem>>) semaphore(%run_scoped3A_79 : memref<!tpu.dma_semaphore, #tpu.memory_space<semaphore_mem>>) {add = true}
        %dma_wait3A_90 = arith.constant 0 : i32
        %dma_wait3A_91 = arith.constant 0 : i32
        %dma_wait3A_92 = tpu.memref_slice %arg9[%run_scoped3A_78, %dma_wait3A_90, %dma_wait3A_91] : memref<2x80x128xf32, #tpu.memory_space<vmem>> -> memref<1x80x128xf32, #tpu.memory_space<vmem>>
        %dma_wait3A_93 = tpu.memref_squeeze %dma_wait3A_92 : memref<1x80x128xf32, #tpu.memory_space<vmem>> -> memref<80x128xf32, #tpu.memory_space<vmem>>
        %dma_wait3A_94 = arith.constant 0 : i32
        %dma_wait3A_95 = tpu.memref_slice %arg8[%add3A_77, %dma_wait3A_94] : memref<125x80xi32, #tpu.memory_space<vmem>> -> memref<1x80xi32, #tpu.memory_space<vmem>>
        %dma_wait3A_96 = tpu.memref_squeeze %dma_wait3A_95 : memref<1x80xi32, #tpu.memory_space<vmem>> -> memref<80xi32, #tpu.memory_space<vmem>>
        %dma_wait3A_97 = arith.constant 0 : i32
        %dma_wait3A_98 = arith.constant 0 : i32
        %dma_wait3A_99 = tpu.memref_slice %arg10[%dma_wait3A_97, %dma_wait3A_98] : memref<10240x128xf32, #tpu.memory_space<vmem_shared>> -> memref<10240x128xf32, #tpu.memory_space<vmem_shared>>
        tpu.wait_indirect_dma semaphore(%run_scoped3A_79 : memref<!tpu.dma_semaphore, #tpu.memory_space<semaphore_mem>>) src(%dma_wait3A_93 : memref<80x128xf32, #tpu.memory_space<vmem>>) dst(%dma_wait3A_99 : memref<10240x128xf32, #tpu.memory_space<vmem_shared>>)
        tpu.yield
      }) : () -> ()
    }
    %scan3A_9 = arith.constant 62 : i32
    %dma_start3A = arith.constant 0 : i32
    %dma_start3A_10 = arith.constant 0 : i32
    %dma_start3A_11 = arith.constant 0 : i32
    %dma_start3A_12 = tpu.memref_slice %arg9[%dma_start3A, %dma_start3A_10, %dma_start3A_11] : memref<2x80x128xf32, #tpu.memory_space<vmem>> -> memref<1x80x128xf32, #tpu.memory_space<vmem>>
    %dma_start3A_13 = tpu.memref_squeeze %dma_start3A_12 : memref<1x80x128xf32, #tpu.memory_space<vmem>> -> memref<80x128xf32, #tpu.memory_space<vmem>>
    %dma_start3A_14 = arith.constant 9920 : i32
    %dma_start3A_15 = tpu.memref_slice %arg7[%dma_start3A_14] : memref<10000xi32, #tpu.memory_space<vmem>> -> memref<80xi32, #tpu.memory_space<vmem>>
    %dma_start3A_16 = arith.constant 0 : i32
    %dma_start3A_17 = arith.constant 0 : i32
    %dma_start3A_18 = tpu.memref_slice %arg2[%dma_start3A_16, %dma_start3A_17] : memref<10000x128xf32, #tpu.memory_space<hbm>> -> memref<10000x128xf32, #tpu.memory_space<hbm>>
    tpu.enqueue_indirect_dma source(%dma_start3A_18 : memref<10000x128xf32, #tpu.memory_space<hbm>>) target(%dma_start3A_13 : memref<80x128xf32, #tpu.memory_space<vmem>>) offsets(%dma_start3A_15 : memref<80xi32, #tpu.memory_space<vmem>>) semaphore(%arg11 : memref<!tpu.dma_semaphore, #tpu.memory_space<semaphore_mem>>)
    %dma_wait3A = arith.constant 0 : i32
    %dma_wait3A_19 = arith.constant 0 : i32
    %dma_wait3A_20 = arith.constant 0 : i32
    %dma_wait3A_21 = tpu.memref_slice %arg9[%dma_wait3A, %dma_wait3A_19, %dma_wait3A_20] : memref<2x80x128xf32, #tpu.memory_space<vmem>> -> memref<1x80x128xf32, #tpu.memory_space<vmem>>
    %dma_wait3A_22 = tpu.memref_squeeze %dma_wait3A_21 : memref<1x80x128xf32, #tpu.memory_space<vmem>> -> memref<80x128xf32, #tpu.memory_space<vmem>>
    %dma_wait3A_23 = arith.constant 9920 : i32
    %dma_wait3A_24 = tpu.memref_slice %arg7[%dma_wait3A_23] : memref<10000xi32, #tpu.memory_space<vmem>> -> memref<80xi32, #tpu.memory_space<vmem>>
    %dma_wait3A_25 = arith.constant 0 : i32
    %dma_wait3A_26 = arith.constant 0 : i32
    %dma_wait3A_27 = tpu.memref_slice %arg2[%dma_wait3A_25, %dma_wait3A_26] : memref<10000x128xf32, #tpu.memory_space<hbm>> -> memref<10000x128xf32, #tpu.memory_space<hbm>>
    tpu.wait_indirect_dma semaphore(%arg11 : memref<!tpu.dma_semaphore, #tpu.memory_space<semaphore_mem>>) src(%dma_wait3A_27 : memref<10000x128xf32, #tpu.memory_space<hbm>>) dst(%dma_wait3A_22 : memref<80x128xf32, #tpu.memory_space<vmem>>)
    %run_scoped3A = arith.constant 0 : i32
    %run_scoped3A_28 = arith.constant 124 : i32
    "tpu.region"() ({
      %run_scoped3A_30 = tpu.sem_alloc : memref<!tpu.dma_semaphore, #tpu.memory_space<semaphore_mem>>
      %dma_start3A_31 = arith.constant 0 : i32
      %dma_start3A_32 = arith.constant 0 : i32
      %dma_start3A_33 = tpu.memref_slice %arg9[%run_scoped3A, %dma_start3A_31, %dma_start3A_32] : memref<2x80x128xf32, #tpu.memory_space<vmem>> -> memref<1x80x128xf32, #tpu.memory_space<vmem>>
      %dma_start3A_34 = tpu.memref_squeeze %dma_start3A_33 : memref<1x80x128xf32, #tpu.memory_space<vmem>> -> memref<80x128xf32, #tpu.memory_space<vmem>>
      %dma_start3A_35 = arith.constant 0 : i32
      %dma_start3A_36 = tpu.memref_slice %arg8[%run_scoped3A_28, %dma_start3A_35] : memref<125x80xi32, #tpu.memory_space<vmem>> -> memref<1x80xi32, #tpu.memory_space<vmem>>
      %dma_start3A_37 = tpu.memref_squeeze %dma_start3A_36 : memref<1x80xi32, #tpu.memory_space<vmem>> -> memref<80xi32, #tpu.memory_space<vmem>>
      %dma_start3A_38 = arith.constant 0 : i32
      %dma_start3A_39 = arith.constant 0 : i32
      %dma_start3A_40 = tpu.memref_slice %arg10[%dma_start3A_38, %dma_start3A_39] : memref<10240x128xf32, #tpu.memory_space<vmem_shared>> -> memref<10240x128xf32, #tpu.memory_space<vmem_shared>>
      tpu.enqueue_indirect_dma source(%dma_start3A_34 : memref<80x128xf32, #tpu.memory_space<vmem>>) target(%dma_start3A_40 : memref<10240x128xf32, #tpu.memory_space<vmem_shared>>) offsets(%dma_start3A_37 : memref<80xi32, #tpu.memory_space<vmem>>) semaphore(%run_scoped3A_30 : memref<!tpu.dma_semaphore, #tpu.memory_space<semaphore_mem>>) {add = true}
      %dma_wait3A_41 = arith.constant 0 : i32
      %dma_wait3A_42 = arith.constant 0 : i32
      %dma_wait3A_43 = tpu.memref_slice %arg9[%run_scoped3A, %dma_wait3A_41, %dma_wait3A_42] : memref<2x80x128xf32, #tpu.memory_space<vmem>> -> memref<1x80x128xf32, #tpu.memory_space<vmem>>
      %dma_wait3A_44 = tpu.memref_squeeze %dma_wait3A_43 : memref<1x80x128xf32, #tpu.memory_space<vmem>> -> memref<80x128xf32, #tpu.memory_space<vmem>>
      %dma_wait3A_45 = arith.constant 0 : i32
      %dma_wait3A_46 = tpu.memref_slice %arg8[%run_scoped3A_28, %dma_wait3A_45] : memref<125x80xi32, #tpu.memory_space<vmem>> -> memref<1x80xi32, #tpu.memory_space<vmem>>
      %dma_wait3A_47 = tpu.memref_squeeze %dma_wait3A_46 : memref<1x80xi32, #tpu.memory_space<vmem>> -> memref<80xi32, #tpu.memory_space<vmem>>
      %dma_wait3A_48 = arith.constant 0 : i32
      %dma_wait3A_49 = arith.constant 0 : i32
      %dma_wait3A_50 = tpu.memref_slice %arg10[%dma_wait3A_48, %dma_wait3A_49] : memref<10240x128xf32, #tpu.memory_space<vmem_shared>> -> memref<10240x128xf32, #tpu.memory_space<vmem_shared>>
      tpu.wait_indirect_dma semaphore(%run_scoped3A_30 : memref<!tpu.dma_semaphore, #tpu.memory_space<semaphore_mem>>) src(%dma_wait3A_44 : memref<80x128xf32, #tpu.memory_space<vmem>>) dst(%dma_wait3A_50 : memref<10240x128xf32, #tpu.memory_space<vmem_shared>>)
      tpu.yield
    }) : () -> ()
    %barrier3A_29 = arith.constant 0 : index
    tpu.barrier barrier_id(%barrier3A_29)
    "tpu.region"() ({
      %run_scoped3A_30 = tpu.sem_alloc : memref<!tpu.dma_semaphore, #tpu.memory_space<semaphore_mem>>
      %dma_start3A_31 = arith.constant 0 : i32
      %dma_start3A_32 = tpu.memref_slice %arg6[%arg0, %mul3A_2, %dma_start3A_31] : memref<2x10240x128xf32, #tpu.memory_space<hbm>> -> memref<1x640x128xf32, #tpu.memory_space<hbm>>
      %dma_start3A_33 = tpu.memref_squeeze %dma_start3A_32 : memref<1x640x128xf32, #tpu.memory_space<hbm>> -> memref<640x128xf32, #tpu.memory_space<hbm>>
      %dma_start3A_34 = arith.constant 0 : i32
      %dma_start3A_35 = tpu.memref_slice %arg10[%mul3A_2, %dma_start3A_34] : memref<10240x128xf32, #tpu.memory_space<vmem_shared>> -> memref<640x128xf32, #tpu.memory_space<vmem_shared>>
      tpu.enqueue_dma source(%dma_start3A_35 : memref<640x128xf32, #tpu.memory_space<vmem_shared>>) target(%dma_start3A_33 : memref<640x128xf32, #tpu.memory_space<hbm>>) target_semaphore(%run_scoped3A_30 : memref<!tpu.dma_semaphore, #tpu.memory_space<semaphore_mem>>)
      %dma_wait3A_36 = arith.constant 0 : i32
      %dma_wait3A_37 = tpu.memref_slice %arg6[%arg0, %mul3A_2, %dma_wait3A_36] : memref<2x10240x128xf32, #tpu.memory_space<hbm>> -> memref<1x640x128xf32, #tpu.memory_space<hbm>>
      %dma_wait3A_38 = tpu.memref_squeeze %dma_wait3A_37 : memref<1x640x128xf32, #tpu.memory_space<hbm>> -> memref<640x128xf32, #tpu.memory_space<hbm>>
      %dma_wait3A_39 = arith.constant 0 : i32
      %dma_wait3A_40 = tpu.memref_slice %arg10[%mul3A_2, %dma_wait3A_39] : memref<10240x128xf32, #tpu.memory_space<vmem_shared>> -> memref<640x128xf32, #tpu.memory_space<vmem_shared>>
      tpu.wait_dma2 semaphore(%run_scoped3A_30 : memref<!tpu.dma_semaphore, #tpu.memory_space<semaphore_mem>>) src(%dma_wait3A_40 : memref<640x128xf32, #tpu.memory_space<vmem_shared>>) dst(%dma_wait3A_38 : memref<640x128xf32, #tpu.memory_space<hbm>>)
      tpu.yield
    }) : () -> ()
    return
  }
}

module attributes {stable_mosaic.version = 14 : i64} {
  func.func @_moe_body(%arg0: i32, %arg1: memref<2x1000x128xf32, #tpu.memory_space<vmem>>, %arg2: memref<2x1000x128xf32, #tpu.memory_space<vmem>>, %arg3: memref<1000x128xf32, #tpu.memory_space<vmem>>, %arg4: memref<128x8xf32, #tpu.memory_space<vmem>>, %arg5: memref<8x128x128xf32, #tpu.memory_space<vmem>>, %arg6: memref<8x128xf32, #tpu.memory_space<vmem>>, %arg7: memref<8x128x128xf32, #tpu.memory_space<vmem>>, %arg8: memref<1000x128xf32, #tpu.memory_space<vmem>>) attributes {dimension_semantics = [#tpu.dimension_semantics<arbitrary>], iteration_bounds = array<i64: 10>, scalar_prefetch = 0 : i64, scratch_operands = 0 : i64, tpu.core_type = #tpu.core_type<tc>, window_params = [{transform_indices = @transform_0, window_bounds = array<i64: 2, 1000, 128>}, {transform_indices = @transform_1, window_bounds = array<i64: 2, 1000, 128>}, {transform_indices = @transform_2, window_bounds = array<i64: 1000, 128>}, {pipeline_mode = #tpu.pipeline_mode<synchronous>, transform_indices = @transform_3, window_bounds = array<i64: 128, 8>}, {pipeline_mode = #tpu.pipeline_mode<synchronous>, transform_indices = @transform_4, window_bounds = array<i64: 8, 128, 128>}, {pipeline_mode = #tpu.pipeline_mode<synchronous>, transform_indices = @transform_5, window_bounds = array<i64: 8, 128>}, {pipeline_mode = #tpu.pipeline_mode<synchronous>, transform_indices = @transform_6, window_bounds = array<i64: 8, 128, 128>}, {transform_indices = @transform_7, window_bounds = array<i64: 1000, 128>}]} {
    %get3A = arith.constant 0 : index
    %get3A_0 = arith.constant 0 : index
    %get3A_1 = arith.constant 0 : index
    %get3A_2 = vector.load %arg1[%get3A, %get3A_0, %get3A_1] : memref<2x1000x128xf32, #tpu.memory_space<vmem>>, vector<1x1000x128xf32>
    %get3A_3 = vector.shape_cast %get3A_2 : vector<1x1000x128xf32> to vector<1000x128xf32>
    %get3A_4 = arith.constant 1 : index
    %get3A_5 = arith.constant 0 : index
    %get3A_6 = arith.constant 0 : index
    %get3A_7 = vector.load %arg1[%get3A_4, %get3A_5, %get3A_6] : memref<2x1000x128xf32, #tpu.memory_space<vmem>>, vector<1x1000x128xf32>
    %get3A_8 = vector.shape_cast %get3A_7 : vector<1x1000x128xf32> to vector<1000x128xf32>
    %add3A = arith.addf %get3A_3, %get3A_8 : vector<1000x128xf32>
    %get3A_9 = arith.constant 0 : index
    %get3A_10 = arith.constant 0 : index
    %get3A_11 = arith.constant 0 : index
    %get3A_12 = vector.load %arg2[%get3A_9, %get3A_10, %get3A_11] : memref<2x1000x128xf32, #tpu.memory_space<vmem>>, vector<1x1000x1xf32>
    %get3A_13 = vector.shape_cast %get3A_12 : vector<1x1000x1xf32> to vector<1000x1xf32>
    %get3A_14 = arith.constant 1 : index
    %get3A_15 = arith.constant 0 : index
    %get3A_16 = arith.constant 0 : index
    %get3A_17 = vector.load %arg2[%get3A_14, %get3A_15, %get3A_16] : memref<2x1000x128xf32, #tpu.memory_space<vmem>>, vector<1x1000x1xf32>
    %get3A_18 = vector.shape_cast %get3A_17 : vector<1x1000x1xf32> to vector<1000x1xf32>
    %add3A_19 = arith.addf %get3A_13, %get3A_18 : vector<1000x1xf32>
    %max3A = arith.constant 1.000000e+00 : f32
    %max3A_20 = vector.broadcast %max3A : f32 to vector<1000x1xf32>
    %max3A_21 = arith.maximumf %add3A_19, %max3A_20 : vector<1000x1xf32>
    %div3A = arith.constant 1.000000e+00 : f32
    %div3A_22 = vector.broadcast %div3A : f32 to vector<1000x1xf32>
    %div3A_23 = arith.divf %div3A_22, %max3A_21 : vector<1000x1xf32>
    %mul3A = vector.broadcast %div3A_23 : vector<1000x1xf32> to vector<1000x128xf32>
    %mul3A_24 = arith.mulf %add3A, %mul3A : vector<1000x128xf32>
    %get3A_25 = arith.constant 0 : index
    %get3A_26 = arith.constant 0 : index
    %get3A_27 = vector.load %arg3[%get3A_25, %get3A_26] : memref<1000x128xf32, #tpu.memory_space<vmem>>, vector<1000x128xf32>
    %get3A_28 = arith.constant 0 : index
    %get3A_29 = arith.constant 0 : index
    %get3A_30 = vector.load %arg4[%get3A_28, %get3A_29] : memref<128x8xf32, #tpu.memory_space<vmem>>, vector<128x8xf32>
    %dot_general3A = arith.constant dense<0.000000e+00> : vector<1000x8xf32>
    %dot_general3A_31 = tpu.matmul %get3A_27, %get3A_30, %dot_general3A {dimension_numbers = #tpu.dot_dimension_numbers<[1], [0], [0], [1], [0, 0, 1, 1], [], []>, transpose_lhs_hint = false} : vector<1000x128xf32>, vector<128x8xf32>, vector<1000x8xf32> -> vector<1000x8xf32>
    %iota3A = tpu.iota {dimensions = array<i32: 1>} : vector<1000x8xi32>
    %reduce_max3A = arith.constant dense<0xFF800000> : vector<1000xf32>
    %reduce_max3A_32 = vector.multi_reduction <maximumf>, %dot_general3A_31, %reduce_max3A [1] : vector<1000x8xf32> to vector<1000xf32>
    %broadcast_in_dim3A = vector.shape_cast %reduce_max3A_32 : vector<1000xf32> to vector<1000x1xf32>
    %eq3A = vector.broadcast %broadcast_in_dim3A : vector<1000x1xf32> to vector<1000x8xf32>
    %eq3A_33 = arith.cmpf oeq, %dot_general3A_31, %eq3A : vector<1000x8xf32>
    %jit3A = arith.constant 8 : i32
    %broadcast_in_dim3A_34 = vector.broadcast %jit3A : i32 to vector<1000x8xi32>
    %select_n3A = arith.select %eq3A_33, %iota3A, %broadcast_in_dim3A_34 : vector<1000x8xi1>, vector<1000x8xi32>
    %reduce_min3A = arith.constant dense<2147483647> : vector<1000xi32>
    %reduce_min3A_35 = vector.multi_reduction <minsi>, %select_n3A, %reduce_min3A [1] : vector<1000x8xi32> to vector<1000xi32>
    %broadcast_in_dim3A_36 = vector.shape_cast %reduce_min3A_35 : vector<1000xi32> to vector<1000x1xi32>
    %eq3A_37 = vector.broadcast %broadcast_in_dim3A_36 : vector<1000x1xi32> to vector<1000x8xi32>
    %eq3A_38 = arith.cmpi eq, %iota3A, %eq3A_37 : vector<1000x8xi32>
    %jit3A_39 = arith.constant 0xFF800000 : f32
    %broadcast_in_dim3A_40 = vector.broadcast %jit3A_39 : f32 to vector<1000x8xf32>
    %select_n3A_41 = arith.select %eq3A_38, %broadcast_in_dim3A_40, %dot_general3A_31 : vector<1000x8xi1>, vector<1000x8xf32>
    %reduce_max3A_42 = arith.constant dense<0xFF800000> : vector<1000xf32>
    %reduce_max3A_43 = vector.multi_reduction <maximumf>, %select_n3A_41, %reduce_max3A_42 [1] : vector<1000x8xf32> to vector<1000xf32>
    %broadcast_in_dim3A_44 = vector.shape_cast %reduce_max3A_43 : vector<1000xf32> to vector<1000x1xf32>
    %eq3A_45 = vector.broadcast %broadcast_in_dim3A_44 : vector<1000x1xf32> to vector<1000x8xf32>
    %eq3A_46 = arith.cmpf oeq, %select_n3A_41, %eq3A_45 : vector<1000x8xf32>
    %jit3A_47 = arith.constant 8 : i32
    %broadcast_in_dim3A_48 = vector.broadcast %jit3A_47 : i32 to vector<1000x8xi32>
    %select_n3A_49 = arith.select %eq3A_46, %iota3A, %broadcast_in_dim3A_48 : vector<1000x8xi1>, vector<1000x8xi32>
    %reduce_min3A_50 = arith.constant dense<2147483647> : vector<1000xi32>
    %reduce_min3A_51 = vector.multi_reduction <minsi>, %select_n3A_49, %reduce_min3A_50 [1] : vector<1000x8xi32> to vector<1000xi32>
    %broadcast_in_dim3A_52 = vector.shape_cast %reduce_min3A_51 : vector<1000xi32> to vector<1000x1xi32>
    %eq3A_53 = vector.broadcast %broadcast_in_dim3A_52 : vector<1000x1xi32> to vector<1000x8xi32>
    %eq3A_54 = arith.cmpi eq, %iota3A, %eq3A_53 : vector<1000x8xi32>
    %sub3A = arith.subf %broadcast_in_dim3A_44, %broadcast_in_dim3A : vector<1000x1xf32>
    %exp3A = math.exp %sub3A : vector<1000x1xf32>
    %add3A_55 = arith.constant 1.000000e+00 : f32
    %add3A_56 = vector.broadcast %add3A_55 : f32 to vector<1000x1xf32>
    %add3A_57 = arith.addf %add3A_56, %exp3A : vector<1000x1xf32>
    %div3A_58 = arith.constant 1.000000e+00 : f32
    %div3A_59 = vector.broadcast %div3A_58 : f32 to vector<1000x1xf32>
    %div3A_60 = arith.divf %div3A_59, %add3A_57 : vector<1000x1xf32>
    %convert_element_type3A = arith.extui %eq3A_38 : vector<1000x8xi1> to vector<1000x8xi32>
    %convert_element_type3A_61 = arith.sitofp %convert_element_type3A : vector<1000x8xi32> to vector<1000x8xf32>
    %mul3A_62 = vector.broadcast %div3A_60 : vector<1000x1xf32> to vector<1000x8xf32>
    %mul3A_63 = arith.mulf %mul3A_62, %convert_element_type3A_61 : vector<1000x8xf32>
    %sub3A_64 = arith.constant 1.000000e+00 : f32
    %sub3A_65 = vector.broadcast %sub3A_64 : f32 to vector<1000x1xf32>
    %sub3A_66 = arith.subf %sub3A_65, %div3A_60 : vector<1000x1xf32>
    %convert_element_type3A_67 = arith.extui %eq3A_54 : vector<1000x8xi1> to vector<1000x8xi32>
    %convert_element_type3A_68 = arith.sitofp %convert_element_type3A_67 : vector<1000x8xi32> to vector<1000x8xf32>
    %mul3A_69 = vector.broadcast %sub3A_66 : vector<1000x1xf32> to vector<1000x8xf32>
    %mul3A_70 = arith.mulf %mul3A_69, %convert_element_type3A_68 : vector<1000x8xf32>
    %add3A_71 = arith.addf %mul3A_63, %mul3A_70 : vector<1000x8xf32>
    %get3A_72 = arith.constant 0 : index
    %get3A_73 = arith.constant 0 : index
    %get3A_74 = vector.load %arg6[%get3A_72, %get3A_73] : memref<8x128xf32, #tpu.memory_space<vmem>>, vector<8x128xf32>
    %dot_general3A_75 = arith.constant dense<0.000000e+00> : vector<1000x128xf32>
    %dot_general3A_76 = tpu.matmul %add3A_71, %get3A_74, %dot_general3A_75 {dimension_numbers = #tpu.dot_dimension_numbers<[1], [0], [0], [1], [0, 0, 1, 1], [], []>, transpose_lhs_hint = false} : vector<1000x8xf32>, vector<8x128xf32>, vector<1000x128xf32> -> vector<1000x128xf32>
    %slice3A = vector.extract_strided_slice %add3A_71 {offsets = [0, 0], sizes = [1000, 1], strides = [1, 1]} : vector<1000x8xf32> to vector<1000x1xf32>
    %get3A_77 = arith.constant 0 : index
    %get3A_78 = arith.constant 0 : index
    %get3A_79 = arith.constant 0 : index
    %get3A_80 = vector.load %arg5[%get3A_77, %get3A_78, %get3A_79] : memref<8x128x128xf32, #tpu.memory_space<vmem>>, vector<1x128x128xf32>
    %get3A_81 = vector.shape_cast %get3A_80 : vector<1x128x128xf32> to vector<128x128xf32>
    %dot_general3A_82 = arith.constant dense<0.000000e+00> : vector<1000x128xf32>
    %dot_general3A_83 = tpu.matmul %mul3A_24, %get3A_81, %dot_general3A_82 {dimension_numbers = #tpu.dot_dimension_numbers<[1], [1], [0], [0], [0, 0, 1, 0], [], []>, transpose_lhs_hint = false} : vector<1000x128xf32>, vector<128x128xf32>, vector<1000x128xf32> -> vector<1000x128xf32>
    %get3A_84 = arith.constant 0 : index
    %get3A_85 = arith.constant 0 : index
    %get3A_86 = arith.constant 0 : index
    %get3A_87 = vector.load %arg7[%get3A_84, %get3A_85, %get3A_86] : memref<8x128x128xf32, #tpu.memory_space<vmem>>, vector<1x128x128xf32>
    %get3A_88 = vector.shape_cast %get3A_87 : vector<1x128x128xf32> to vector<128x128xf32>
    %dot_general3A_89 = arith.constant dense<0.000000e+00> : vector<1000x128xf32>
    %dot_general3A_90 = tpu.matmul %get3A_27, %get3A_88, %dot_general3A_89 {dimension_numbers = #tpu.dot_dimension_numbers<[1], [1], [0], [0], [0, 0, 1, 0], [], []>, transpose_lhs_hint = false} : vector<1000x128xf32>, vector<128x128xf32>, vector<1000x128xf32> -> vector<1000x128xf32>
    %add3A_91 = arith.addf %dot_general3A_83, %dot_general3A_90 : vector<1000x128xf32>
    %mul3A_92 = vector.broadcast %slice3A : vector<1000x1xf32> to vector<1000x128xf32>
    %mul3A_93 = arith.mulf %mul3A_92, %add3A_91 : vector<1000x128xf32>
    %add3A_94 = arith.addf %dot_general3A_76, %mul3A_93 : vector<1000x128xf32>
    %slice3A_95 = vector.extract_strided_slice %add3A_71 {offsets = [0, 1], sizes = [1000, 1], strides = [1, 1]} : vector<1000x8xf32> to vector<1000x1xf32>
    %get3A_96 = arith.constant 1 : index
    %get3A_97 = arith.constant 0 : index
    %get3A_98 = arith.constant 0 : index
    %get3A_99 = vector.load %arg5[%get3A_96, %get3A_97, %get3A_98] : memref<8x128x128xf32, #tpu.memory_space<vmem>>, vector<1x128x128xf32>
    %get3A_100 = vector.shape_cast %get3A_99 : vector<1x128x128xf32> to vector<128x128xf32>
    %dot_general3A_101 = arith.constant dense<0.000000e+00> : vector<1000x128xf32>
    %dot_general3A_102 = tpu.matmul %mul3A_24, %get3A_100, %dot_general3A_101 {dimension_numbers = #tpu.dot_dimension_numbers<[1], [1], [0], [0], [0, 0, 1, 0], [], []>, transpose_lhs_hint = false} : vector<1000x128xf32>, vector<128x128xf32>, vector<1000x128xf32> -> vector<1000x128xf32>
    %get3A_103 = arith.constant 1 : index
    %get3A_104 = arith.constant 0 : index
    %get3A_105 = arith.constant 0 : index
    %get3A_106 = vector.load %arg7[%get3A_103, %get3A_104, %get3A_105] : memref<8x128x128xf32, #tpu.memory_space<vmem>>, vector<1x128x128xf32>
    %get3A_107 = vector.shape_cast %get3A_106 : vector<1x128x128xf32> to vector<128x128xf32>
    %dot_general3A_108 = arith.constant dense<0.000000e+00> : vector<1000x128xf32>
    %dot_general3A_109 = tpu.matmul %get3A_27, %get3A_107, %dot_general3A_108 {dimension_numbers = #tpu.dot_dimension_numbers<[1], [1], [0], [0], [0, 0, 1, 0], [], []>, transpose_lhs_hint = false} : vector<1000x128xf32>, vector<128x128xf32>, vector<1000x128xf32> -> vector<1000x128xf32>
    %add3A_110 = arith.addf %dot_general3A_102, %dot_general3A_109 : vector<1000x128xf32>
    %mul3A_111 = vector.broadcast %slice3A_95 : vector<1000x1xf32> to vector<1000x128xf32>
    %mul3A_112 = arith.mulf %mul3A_111, %add3A_110 : vector<1000x128xf32>
    %add3A_113 = arith.addf %add3A_94, %mul3A_112 : vector<1000x128xf32>
    %slice3A_114 = vector.extract_strided_slice %add3A_71 {offsets = [0, 2], sizes = [1000, 1], strides = [1, 1]} : vector<1000x8xf32> to vector<1000x1xf32>
    %get3A_115 = arith.constant 2 : index
    %get3A_116 = arith.constant 0 : index
    %get3A_117 = arith.constant 0 : index
    %get3A_118 = vector.load %arg5[%get3A_115, %get3A_116, %get3A_117] : memref<8x128x128xf32, #tpu.memory_space<vmem>>, vector<1x128x128xf32>
    %get3A_119 = vector.shape_cast %get3A_118 : vector<1x128x128xf32> to vector<128x128xf32>
    %dot_general3A_120 = arith.constant dense<0.000000e+00> : vector<1000x128xf32>
    %dot_general3A_121 = tpu.matmul %mul3A_24, %get3A_119, %dot_general3A_120 {dimension_numbers = #tpu.dot_dimension_numbers<[1], [1], [0], [0], [0, 0, 1, 0], [], []>, transpose_lhs_hint = false} : vector<1000x128xf32>, vector<128x128xf32>, vector<1000x128xf32> -> vector<1000x128xf32>
    %get3A_122 = arith.constant 2 : index
    %get3A_123 = arith.constant 0 : index
    %get3A_124 = arith.constant 0 : index
    %get3A_125 = vector.load %arg7[%get3A_122, %get3A_123, %get3A_124] : memref<8x128x128xf32, #tpu.memory_space<vmem>>, vector<1x128x128xf32>
    %get3A_126 = vector.shape_cast %get3A_125 : vector<1x128x128xf32> to vector<128x128xf32>
    %dot_general3A_127 = arith.constant dense<0.000000e+00> : vector<1000x128xf32>
    %dot_general3A_128 = tpu.matmul %get3A_27, %get3A_126, %dot_general3A_127 {dimension_numbers = #tpu.dot_dimension_numbers<[1], [1], [0], [0], [0, 0, 1, 0], [], []>, transpose_lhs_hint = false} : vector<1000x128xf32>, vector<128x128xf32>, vector<1000x128xf32> -> vector<1000x128xf32>
    %add3A_129 = arith.addf %dot_general3A_121, %dot_general3A_128 : vector<1000x128xf32>
    %mul3A_130 = vector.broadcast %slice3A_114 : vector<1000x1xf32> to vector<1000x128xf32>
    %mul3A_131 = arith.mulf %mul3A_130, %add3A_129 : vector<1000x128xf32>
    %add3A_132 = arith.addf %add3A_113, %mul3A_131 : vector<1000x128xf32>
    %slice3A_133 = vector.extract_strided_slice %add3A_71 {offsets = [0, 3], sizes = [1000, 1], strides = [1, 1]} : vector<1000x8xf32> to vector<1000x1xf32>
    %get3A_134 = arith.constant 3 : index
    %get3A_135 = arith.constant 0 : index
    %get3A_136 = arith.constant 0 : index
    %get3A_137 = vector.load %arg5[%get3A_134, %get3A_135, %get3A_136] : memref<8x128x128xf32, #tpu.memory_space<vmem>>, vector<1x128x128xf32>
    %get3A_138 = vector.shape_cast %get3A_137 : vector<1x128x128xf32> to vector<128x128xf32>
    %dot_general3A_139 = arith.constant dense<0.000000e+00> : vector<1000x128xf32>
    %dot_general3A_140 = tpu.matmul %mul3A_24, %get3A_138, %dot_general3A_139 {dimension_numbers = #tpu.dot_dimension_numbers<[1], [1], [0], [0], [0, 0, 1, 0], [], []>, transpose_lhs_hint = false} : vector<1000x128xf32>, vector<128x128xf32>, vector<1000x128xf32> -> vector<1000x128xf32>
    %get3A_141 = arith.constant 3 : index
    %get3A_142 = arith.constant 0 : index
    %get3A_143 = arith.constant 0 : index
    %get3A_144 = vector.load %arg7[%get3A_141, %get3A_142, %get3A_143] : memref<8x128x128xf32, #tpu.memory_space<vmem>>, vector<1x128x128xf32>
    %get3A_145 = vector.shape_cast %get3A_144 : vector<1x128x128xf32> to vector<128x128xf32>
    %dot_general3A_146 = arith.constant dense<0.000000e+00> : vector<1000x128xf32>
    %dot_general3A_147 = tpu.matmul %get3A_27, %get3A_145, %dot_general3A_146 {dimension_numbers = #tpu.dot_dimension_numbers<[1], [1], [0], [0], [0, 0, 1, 0], [], []>, transpose_lhs_hint = false} : vector<1000x128xf32>, vector<128x128xf32>, vector<1000x128xf32> -> vector<1000x128xf32>
    %add3A_148 = arith.addf %dot_general3A_140, %dot_general3A_147 : vector<1000x128xf32>
    %mul3A_149 = vector.broadcast %slice3A_133 : vector<1000x1xf32> to vector<1000x128xf32>
    %mul3A_150 = arith.mulf %mul3A_149, %add3A_148 : vector<1000x128xf32>
    %add3A_151 = arith.addf %add3A_132, %mul3A_150 : vector<1000x128xf32>
    %slice3A_152 = vector.extract_strided_slice %add3A_71 {offsets = [0, 4], sizes = [1000, 1], strides = [1, 1]} : vector<1000x8xf32> to vector<1000x1xf32>
    %get3A_153 = arith.constant 4 : index
    %get3A_154 = arith.constant 0 : index
    %get3A_155 = arith.constant 0 : index
    %get3A_156 = vector.load %arg5[%get3A_153, %get3A_154, %get3A_155] : memref<8x128x128xf32, #tpu.memory_space<vmem>>, vector<1x128x128xf32>
    %get3A_157 = vector.shape_cast %get3A_156 : vector<1x128x128xf32> to vector<128x128xf32>
    %dot_general3A_158 = arith.constant dense<0.000000e+00> : vector<1000x128xf32>
    %dot_general3A_159 = tpu.matmul %mul3A_24, %get3A_157, %dot_general3A_158 {dimension_numbers = #tpu.dot_dimension_numbers<[1], [1], [0], [0], [0, 0, 1, 0], [], []>, transpose_lhs_hint = false} : vector<1000x128xf32>, vector<128x128xf32>, vector<1000x128xf32> -> vector<1000x128xf32>
    %get3A_160 = arith.constant 4 : index
    %get3A_161 = arith.constant 0 : index
    %get3A_162 = arith.constant 0 : index
    %get3A_163 = vector.load %arg7[%get3A_160, %get3A_161, %get3A_162] : memref<8x128x128xf32, #tpu.memory_space<vmem>>, vector<1x128x128xf32>
    %get3A_164 = vector.shape_cast %get3A_163 : vector<1x128x128xf32> to vector<128x128xf32>
    %dot_general3A_165 = arith.constant dense<0.000000e+00> : vector<1000x128xf32>
    %dot_general3A_166 = tpu.matmul %get3A_27, %get3A_164, %dot_general3A_165 {dimension_numbers = #tpu.dot_dimension_numbers<[1], [1], [0], [0], [0, 0, 1, 0], [], []>, transpose_lhs_hint = false} : vector<1000x128xf32>, vector<128x128xf32>, vector<1000x128xf32> -> vector<1000x128xf32>
    %add3A_167 = arith.addf %dot_general3A_159, %dot_general3A_166 : vector<1000x128xf32>
    %mul3A_168 = vector.broadcast %slice3A_152 : vector<1000x1xf32> to vector<1000x128xf32>
    %mul3A_169 = arith.mulf %mul3A_168, %add3A_167 : vector<1000x128xf32>
    %add3A_170 = arith.addf %add3A_151, %mul3A_169 : vector<1000x128xf32>
    %slice3A_171 = vector.extract_strided_slice %add3A_71 {offsets = [0, 5], sizes = [1000, 1], strides = [1, 1]} : vector<1000x8xf32> to vector<1000x1xf32>
    %get3A_172 = arith.constant 5 : index
    %get3A_173 = arith.constant 0 : index
    %get3A_174 = arith.constant 0 : index
    %get3A_175 = vector.load %arg5[%get3A_172, %get3A_173, %get3A_174] : memref<8x128x128xf32, #tpu.memory_space<vmem>>, vector<1x128x128xf32>
    %get3A_176 = vector.shape_cast %get3A_175 : vector<1x128x128xf32> to vector<128x128xf32>
    %dot_general3A_177 = arith.constant dense<0.000000e+00> : vector<1000x128xf32>
    %dot_general3A_178 = tpu.matmul %mul3A_24, %get3A_176, %dot_general3A_177 {dimension_numbers = #tpu.dot_dimension_numbers<[1], [1], [0], [0], [0, 0, 1, 0], [], []>, transpose_lhs_hint = false} : vector<1000x128xf32>, vector<128x128xf32>, vector<1000x128xf32> -> vector<1000x128xf32>
    %get3A_179 = arith.constant 5 : index
    %get3A_180 = arith.constant 0 : index
    %get3A_181 = arith.constant 0 : index
    %get3A_182 = vector.load %arg7[%get3A_179, %get3A_180, %get3A_181] : memref<8x128x128xf32, #tpu.memory_space<vmem>>, vector<1x128x128xf32>
    %get3A_183 = vector.shape_cast %get3A_182 : vector<1x128x128xf32> to vector<128x128xf32>
    %dot_general3A_184 = arith.constant dense<0.000000e+00> : vector<1000x128xf32>
    %dot_general3A_185 = tpu.matmul %get3A_27, %get3A_183, %dot_general3A_184 {dimension_numbers = #tpu.dot_dimension_numbers<[1], [1], [0], [0], [0, 0, 1, 0], [], []>, transpose_lhs_hint = false} : vector<1000x128xf32>, vector<128x128xf32>, vector<1000x128xf32> -> vector<1000x128xf32>
    %add3A_186 = arith.addf %dot_general3A_178, %dot_general3A_185 : vector<1000x128xf32>
    %mul3A_187 = vector.broadcast %slice3A_171 : vector<1000x1xf32> to vector<1000x128xf32>
    %mul3A_188 = arith.mulf %mul3A_187, %add3A_186 : vector<1000x128xf32>
    %add3A_189 = arith.addf %add3A_170, %mul3A_188 : vector<1000x128xf32>
    %slice3A_190 = vector.extract_strided_slice %add3A_71 {offsets = [0, 6], sizes = [1000, 1], strides = [1, 1]} : vector<1000x8xf32> to vector<1000x1xf32>
    %get3A_191 = arith.constant 6 : index
    %get3A_192 = arith.constant 0 : index
    %get3A_193 = arith.constant 0 : index
    %get3A_194 = vector.load %arg5[%get3A_191, %get3A_192, %get3A_193] : memref<8x128x128xf32, #tpu.memory_space<vmem>>, vector<1x128x128xf32>
    %get3A_195 = vector.shape_cast %get3A_194 : vector<1x128x128xf32> to vector<128x128xf32>
    %dot_general3A_196 = arith.constant dense<0.000000e+00> : vector<1000x128xf32>
    %dot_general3A_197 = tpu.matmul %mul3A_24, %get3A_195, %dot_general3A_196 {dimension_numbers = #tpu.dot_dimension_numbers<[1], [1], [0], [0], [0, 0, 1, 0], [], []>, transpose_lhs_hint = false} : vector<1000x128xf32>, vector<128x128xf32>, vector<1000x128xf32> -> vector<1000x128xf32>
    %get3A_198 = arith.constant 6 : index
    %get3A_199 = arith.constant 0 : index
    %get3A_200 = arith.constant 0 : index
    %get3A_201 = vector.load %arg7[%get3A_198, %get3A_199, %get3A_200] : memref<8x128x128xf32, #tpu.memory_space<vmem>>, vector<1x128x128xf32>
    %get3A_202 = vector.shape_cast %get3A_201 : vector<1x128x128xf32> to vector<128x128xf32>
    %dot_general3A_203 = arith.constant dense<0.000000e+00> : vector<1000x128xf32>
    %dot_general3A_204 = tpu.matmul %get3A_27, %get3A_202, %dot_general3A_203 {dimension_numbers = #tpu.dot_dimension_numbers<[1], [1], [0], [0], [0, 0, 1, 0], [], []>, transpose_lhs_hint = false} : vector<1000x128xf32>, vector<128x128xf32>, vector<1000x128xf32> -> vector<1000x128xf32>
    %add3A_205 = arith.addf %dot_general3A_197, %dot_general3A_204 : vector<1000x128xf32>
    %mul3A_206 = vector.broadcast %slice3A_190 : vector<1000x1xf32> to vector<1000x128xf32>
    %mul3A_207 = arith.mulf %mul3A_206, %add3A_205 : vector<1000x128xf32>
    %add3A_208 = arith.addf %add3A_189, %mul3A_207 : vector<1000x128xf32>
    %slice3A_209 = vector.extract_strided_slice %add3A_71 {offsets = [0, 7], sizes = [1000, 1], strides = [1, 1]} : vector<1000x8xf32> to vector<1000x1xf32>
    %get3A_210 = arith.constant 7 : index
    %get3A_211 = arith.constant 0 : index
    %get3A_212 = arith.constant 0 : index
    %get3A_213 = vector.load %arg5[%get3A_210, %get3A_211, %get3A_212] : memref<8x128x128xf32, #tpu.memory_space<vmem>>, vector<1x128x128xf32>
    %get3A_214 = vector.shape_cast %get3A_213 : vector<1x128x128xf32> to vector<128x128xf32>
    %dot_general3A_215 = arith.constant dense<0.000000e+00> : vector<1000x128xf32>
    %dot_general3A_216 = tpu.matmul %mul3A_24, %get3A_214, %dot_general3A_215 {dimension_numbers = #tpu.dot_dimension_numbers<[1], [1], [0], [0], [0, 0, 1, 0], [], []>, transpose_lhs_hint = false} : vector<1000x128xf32>, vector<128x128xf32>, vector<1000x128xf32> -> vector<1000x128xf32>
    %get3A_217 = arith.constant 7 : index
    %get3A_218 = arith.constant 0 : index
    %get3A_219 = arith.constant 0 : index
    %get3A_220 = vector.load %arg7[%get3A_217, %get3A_218, %get3A_219] : memref<8x128x128xf32, #tpu.memory_space<vmem>>, vector<1x128x128xf32>
    %get3A_221 = vector.shape_cast %get3A_220 : vector<1x128x128xf32> to vector<128x128xf32>
    %dot_general3A_222 = arith.constant dense<0.000000e+00> : vector<1000x128xf32>
    %dot_general3A_223 = tpu.matmul %get3A_27, %get3A_221, %dot_general3A_222 {dimension_numbers = #tpu.dot_dimension_numbers<[1], [1], [0], [0], [0, 0, 1, 0], [], []>, transpose_lhs_hint = false} : vector<1000x128xf32>, vector<128x128xf32>, vector<1000x128xf32> -> vector<1000x128xf32>
    %add3A_224 = arith.addf %dot_general3A_216, %dot_general3A_223 : vector<1000x128xf32>
    %mul3A_225 = vector.broadcast %slice3A_209 : vector<1000x1xf32> to vector<1000x128xf32>
    %mul3A_226 = arith.mulf %mul3A_225, %add3A_224 : vector<1000x128xf32>
    %add3A_227 = arith.addf %add3A_208, %mul3A_226 : vector<1000x128xf32>
    %max3A_228 = arith.constant 0.000000e+00 : f32
    %max3A_229 = vector.broadcast %max3A_228 : f32 to vector<1000x128xf32>
    %max3A_230 = arith.maximumf %add3A_227, %max3A_229 : vector<1000x128xf32>
    %swap3A = arith.constant 0 : index
    %swap3A_231 = arith.constant 0 : index
    %swap3A_232 = vector.load %arg8[%swap3A, %swap3A_231] : memref<1000x128xf32, #tpu.memory_space<vmem>>, vector<1000x128xf32>
    tpu.vector_store %arg8[%swap3A, %swap3A_231], %max3A_230 {strides = array<i32>} : memref<1000x128xf32, #tpu.memory_space<vmem>>, vector<1000x128xf32>,
    return
  }
  func.func @transform_0(%arg0: i32) -> (i32, i32, i32) {
    %c0_i32 = arith.constant 0 : i32
    %c0_i32_0 = arith.constant 0 : i32
    %c0_i32_1 = arith.constant 0 : i32
    return %c0_i32, %arg0, %c0_i32_0 : i32, i32, i32
  }
  func.func @transform_1(%arg0: i32) -> (i32, i32, i32) {
    %c0_i32 = arith.constant 0 : i32
    %c0_i32_0 = arith.constant 0 : i32
    %c0_i32_1 = arith.constant 0 : i32
    return %c0_i32, %arg0, %c0_i32_0 : i32, i32, i32
  }
  func.func @transform_2(%arg0: i32) -> (i32, i32) {
    %c0_i32 = arith.constant 0 : i32
    %c0_i32_0 = arith.constant 0 : i32
    return %arg0, %c0_i32 : i32, i32
  }
  func.func @transform_3(%arg0: i32) -> (i32, i32) {
    %c0_i32 = arith.constant 0 : i32
    %c0_i32_0 = arith.constant 0 : i32
    %c0_i32_1 = arith.constant 0 : i32
    return %c0_i32, %c0_i32_0 : i32, i32
  }
  func.func @transform_4(%arg0: i32) -> (i32, i32, i32) {
    %c0_i32 = arith.constant 0 : i32
    %c0_i32_0 = arith.constant 0 : i32
    %c0_i32_1 = arith.constant 0 : i32
    %c0_i32_2 = arith.constant 0 : i32
    return %c0_i32, %c0_i32_0, %c0_i32_1 : i32, i32, i32
  }
  func.func @transform_5(%arg0: i32) -> (i32, i32) {
    %c0_i32 = arith.constant 0 : i32
    %c0_i32_0 = arith.constant 0 : i32
    %c0_i32_1 = arith.constant 0 : i32
    return %c0_i32, %c0_i32_0 : i32, i32
  }
  func.func @transform_6(%arg0: i32) -> (i32, i32, i32) {
    %c0_i32 = arith.constant 0 : i32
    %c0_i32_0 = arith.constant 0 : i32
    %c0_i32_1 = arith.constant 0 : i32
    %c0_i32_2 = arith.constant 0 : i32
    return %c0_i32, %c0_i32_0, %c0_i32_1 : i32, i32, i32
  }
  func.func @transform_7(%arg0: i32) -> (i32, i32) {
    %c0_i32 = arith.constant 0 : i32
    %c0_i32_0 = arith.constant 0 : i32
    return %arg0, %c0_i32 : i32, i32
  }
}

module attributes {stable_mosaic.version = 14 : i64} {
  func.func @_layer_body(%arg0: i32, %arg1: memref<2x1000x128xf32, #tpu.memory_space<vmem>>, %arg2: memref<2x1000x128xf32, #tpu.memory_space<vmem>>, %arg3: memref<1000x128xf32, #tpu.memory_space<vmem>>, %arg4: memref<128x128xf32, #tpu.memory_space<vmem>>, %arg5: memref<1x128xf32, #tpu.memory_space<vmem>>, %arg6: memref<128x128xf32, #tpu.memory_space<vmem>>, %arg7: memref<1000x128xf32, #tpu.memory_space<vmem>>) attributes {dimension_semantics = [#tpu.dimension_semantics<arbitrary>], iteration_bounds = array<i64: 10>, scalar_prefetch = 0 : i64, scratch_operands = 0 : i64, tpu.core_type = #tpu.core_type<tc>, window_params = [{transform_indices = @transform_0, window_bounds = array<i64: 2, 1000, 128>}, {transform_indices = @transform_1, window_bounds = array<i64: 2, 1000, 128>}, {transform_indices = @transform_2, window_bounds = array<i64: 1000, 128>}, {pipeline_mode = #tpu.pipeline_mode<synchronous>, transform_indices = @transform_3, window_bounds = array<i64: 128, 128>}, {pipeline_mode = #tpu.pipeline_mode<synchronous>, transform_indices = @transform_4, window_bounds = array<i64: 1, 128>}, {pipeline_mode = #tpu.pipeline_mode<synchronous>, transform_indices = @transform_5, window_bounds = array<i64: 128, 128>}, {transform_indices = @transform_6, window_bounds = array<i64: 1000, 128>}]} {
    %get3A = arith.constant 0 : index
    %get3A_0 = arith.constant 0 : index
    %get3A_1 = arith.constant 0 : index
    %get3A_2 = vector.load %arg1[%get3A, %get3A_0, %get3A_1] : memref<2x1000x128xf32, #tpu.memory_space<vmem>>, vector<1x1000x128xf32>
    %get3A_3 = vector.shape_cast %get3A_2 : vector<1x1000x128xf32> to vector<1000x128xf32>
    %get3A_4 = arith.constant 1 : index
    %get3A_5 = arith.constant 0 : index
    %get3A_6 = arith.constant 0 : index
    %get3A_7 = vector.load %arg1[%get3A_4, %get3A_5, %get3A_6] : memref<2x1000x128xf32, #tpu.memory_space<vmem>>, vector<1x1000x128xf32>
    %get3A_8 = vector.shape_cast %get3A_7 : vector<1x1000x128xf32> to vector<1000x128xf32>
    %add3A = arith.addf %get3A_3, %get3A_8 : vector<1000x128xf32>
    %get3A_9 = arith.constant 0 : index
    %get3A_10 = arith.constant 0 : index
    %get3A_11 = arith.constant 0 : index
    %get3A_12 = vector.load %arg2[%get3A_9, %get3A_10, %get3A_11] : memref<2x1000x128xf32, #tpu.memory_space<vmem>>, vector<1x1000x1xf32>
    %get3A_13 = vector.shape_cast %get3A_12 : vector<1x1000x1xf32> to vector<1000x1xf32>
    %get3A_14 = arith.constant 1 : index
    %get3A_15 = arith.constant 0 : index
    %get3A_16 = arith.constant 0 : index
    %get3A_17 = vector.load %arg2[%get3A_14, %get3A_15, %get3A_16] : memref<2x1000x128xf32, #tpu.memory_space<vmem>>, vector<1x1000x1xf32>
    %get3A_18 = vector.shape_cast %get3A_17 : vector<1x1000x1xf32> to vector<1000x1xf32>
    %add3A_19 = arith.addf %get3A_13, %get3A_18 : vector<1000x1xf32>
    %max3A = arith.constant 1.000000e+00 : f32
    %max3A_20 = vector.broadcast %max3A : f32 to vector<1000x1xf32>
    %max3A_21 = arith.maximumf %add3A_19, %max3A_20 : vector<1000x1xf32>
    %div3A = arith.constant 1.000000e+00 : f32
    %div3A_22 = vector.broadcast %div3A : f32 to vector<1000x1xf32>
    %div3A_23 = arith.divf %div3A_22, %max3A_21 : vector<1000x1xf32>
    %mul3A = vector.broadcast %div3A_23 : vector<1000x1xf32> to vector<1000x128xf32>
    %mul3A_24 = arith.mulf %add3A, %mul3A : vector<1000x128xf32>
    %get3A_25 = arith.constant 0 : index
    %get3A_26 = arith.constant 0 : index
    %get3A_27 = vector.load %arg4[%get3A_25, %get3A_26] : memref<128x128xf32, #tpu.memory_space<vmem>>, vector<128x128xf32>
    %dot_general3A = arith.constant dense<0.000000e+00> : vector<1000x128xf32>
    %dot_general3A_28 = tpu.matmul %mul3A_24, %get3A_27, %dot_general3A {dimension_numbers = #tpu.dot_dimension_numbers<[1], [1], [0], [0], [0, 0, 1, 0], [], []>, transpose_lhs_hint = false} : vector<1000x128xf32>, vector<128x128xf32>, vector<1000x128xf32> -> vector<1000x128xf32>
    %get3A_29 = arith.constant 0 : index
    %get3A_30 = arith.constant 0 : index
    %get3A_31 = vector.load %arg5[%get3A_29, %get3A_30] : memref<1x128xf32, #tpu.memory_space<vmem>>, vector<1x128xf32>
    %add3A_32 = vector.broadcast %get3A_31 : vector<1x128xf32> to vector<1000x128xf32>
    %add3A_33 = arith.addf %dot_general3A_28, %add3A_32 : vector<1000x128xf32>
    %get3A_34 = arith.constant 0 : index
    %get3A_35 = arith.constant 0 : index
    %get3A_36 = vector.load %arg3[%get3A_34, %get3A_35] : memref<1000x128xf32, #tpu.memory_space<vmem>>, vector<1000x128xf32>
    %get3A_37 = arith.constant 0 : index
    %get3A_38 = arith.constant 0 : index
    %get3A_39 = vector.load %arg6[%get3A_37, %get3A_38] : memref<128x128xf32, #tpu.memory_space<vmem>>, vector<128x128xf32>
    %dot_general3A_40 = arith.constant dense<0.000000e+00> : vector<1000x128xf32>
    %dot_general3A_41 = tpu.matmul %get3A_36, %get3A_39, %dot_general3A_40 {dimension_numbers = #tpu.dot_dimension_numbers<[1], [1], [0], [0], [0, 0, 1, 0], [], []>, transpose_lhs_hint = false} : vector<1000x128xf32>, vector<128x128xf32>, vector<1000x128xf32> -> vector<1000x128xf32>
    %add3A_42 = arith.addf %add3A_33, %dot_general3A_41 : vector<1000x128xf32>
    %max3A_43 = arith.constant 0.000000e+00 : f32
    %max3A_44 = vector.broadcast %max3A_43 : f32 to vector<1000x128xf32>
    %max3A_45 = arith.maximumf %add3A_42, %max3A_44 : vector<1000x128xf32>
    %swap3A = arith.constant 0 : index
    %swap3A_46 = arith.constant 0 : index
    %swap3A_47 = vector.load %arg7[%swap3A, %swap3A_46] : memref<1000x128xf32, #tpu.memory_space<vmem>>, vector<1000x128xf32>
    tpu.vector_store %arg7[%swap3A, %swap3A_46], %max3A_45 {strides = array<i32>} : memref<1000x128xf32, #tpu.memory_space<vmem>>, vector<1000x128xf32>,
    return
  }
  func.func @transform_0(%arg0: i32) -> (i32, i32, i32) {
    %c0_i32 = arith.constant 0 : i32
    %c0_i32_0 = arith.constant 0 : i32
    %c0_i32_1 = arith.constant 0 : i32
    return %c0_i32, %arg0, %c0_i32_0 : i32, i32, i32
  }
  func.func @transform_1(%arg0: i32) -> (i32, i32, i32) {
    %c0_i32 = arith.constant 0 : i32
    %c0_i32_0 = arith.constant 0 : i32
    %c0_i32_1 = arith.constant 0 : i32
    return %c0_i32, %arg0, %c0_i32_0 : i32, i32, i32
  }
  func.func @transform_2(%arg0: i32) -> (i32, i32) {
    %c0_i32 = arith.constant 0 : i32
    %c0_i32_0 = arith.constant 0 : i32
    return %arg0, %c0_i32 : i32, i32
  }
  func.func @transform_3(%arg0: i32) -> (i32, i32) {
    %c0_i32 = arith.constant 0 : i32
    %c0_i32_0 = arith.constant 0 : i32
    %c0_i32_1 = arith.constant 0 : i32
    return %c0_i32, %c0_i32_0 : i32, i32
  }
  func.func @transform_4(%arg0: i32) -> (i32, i32) {
    %c0_i32 = arith.constant 0 : i32
    %c0_i32_0 = arith.constant 0 : i32
    %c0_i32_1 = arith.constant 0 : i32
    return %c0_i32, %c0_i32_0 : i32, i32
  }
  func.func @transform_5(%arg0: i32) -> (i32, i32) {
    %c0_i32 = arith.constant 0 : i32
    %c0_i32_0 = arith.constant 0 : i32
    %c0_i32_1 = arith.constant 0 : i32
    return %c0_i32, %c0_i32_0 : i32, i32
  }
  func.func @transform_6(%arg0: i32) -> (i32, i32) {
    %c0_i32 = arith.constant 0 : i32
    %c0_i32_0 = arith.constant 0 : i32
    return %arg0, %c0_i32 : i32, i32
  }
}

module attributes {stable_mosaic.version = 14 : i64} {
  func.func @_layer_body(%arg0: i32, %arg1: memref<2x1000x128xf32, #tpu.memory_space<vmem>>, %arg2: memref<2x1000x128xf32, #tpu.memory_space<vmem>>, %arg3: memref<1000x128xf32, #tpu.memory_space<vmem>>, %arg4: memref<128x128xf32, #tpu.memory_space<vmem>>, %arg5: memref<1x128xf32, #tpu.memory_space<vmem>>, %arg6: memref<128x128xf32, #tpu.memory_space<vmem>>, %arg7: memref<1000x128xf32, #tpu.memory_space<vmem>>) attributes {dimension_semantics = [#tpu.dimension_semantics<arbitrary>], iteration_bounds = array<i64: 10>, scalar_prefetch = 0 : i64, scratch_operands = 0 : i64, tpu.core_type = #tpu.core_type<tc>, window_params = [{transform_indices = @transform_0, window_bounds = array<i64: 2, 1000, 128>}, {transform_indices = @transform_1, window_bounds = array<i64: 2, 1000, 128>}, {transform_indices = @transform_2, window_bounds = array<i64: 1000, 128>}, {pipeline_mode = #tpu.pipeline_mode<synchronous>, transform_indices = @transform_3, window_bounds = array<i64: 128, 128>}, {pipeline_mode = #tpu.pipeline_mode<synchronous>, transform_indices = @transform_4, window_bounds = array<i64: 1, 128>}, {pipeline_mode = #tpu.pipeline_mode<synchronous>, transform_indices = @transform_5, window_bounds = array<i64: 128, 128>}, {transform_indices = @transform_6, window_bounds = array<i64: 1000, 128>}]} {
    %get3A = arith.constant 0 : index
    %get3A_0 = arith.constant 0 : index
    %get3A_1 = arith.constant 0 : index
    %get3A_2 = vector.load %arg1[%get3A, %get3A_0, %get3A_1] : memref<2x1000x128xf32, #tpu.memory_space<vmem>>, vector<1x1000x128xf32>
    %get3A_3 = vector.shape_cast %get3A_2 : vector<1x1000x128xf32> to vector<1000x128xf32>
    %get3A_4 = arith.constant 1 : index
    %get3A_5 = arith.constant 0 : index
    %get3A_6 = arith.constant 0 : index
    %get3A_7 = vector.load %arg1[%get3A_4, %get3A_5, %get3A_6] : memref<2x1000x128xf32, #tpu.memory_space<vmem>>, vector<1x1000x128xf32>
    %get3A_8 = vector.shape_cast %get3A_7 : vector<1x1000x128xf32> to vector<1000x128xf32>
    %add3A = arith.addf %get3A_3, %get3A_8 : vector<1000x128xf32>
    %get3A_9 = arith.constant 0 : index
    %get3A_10 = arith.constant 0 : index
    %get3A_11 = arith.constant 0 : index
    %get3A_12 = vector.load %arg2[%get3A_9, %get3A_10, %get3A_11] : memref<2x1000x128xf32, #tpu.memory_space<vmem>>, vector<1x1000x1xf32>
    %get3A_13 = vector.shape_cast %get3A_12 : vector<1x1000x1xf32> to vector<1000x1xf32>
    %get3A_14 = arith.constant 1 : index
    %get3A_15 = arith.constant 0 : index
    %get3A_16 = arith.constant 0 : index
    %get3A_17 = vector.load %arg2[%get3A_14, %get3A_15, %get3A_16] : memref<2x1000x128xf32, #tpu.memory_space<vmem>>, vector<1x1000x1xf32>
    %get3A_18 = vector.shape_cast %get3A_17 : vector<1x1000x1xf32> to vector<1000x1xf32>
    %add3A_19 = arith.addf %get3A_13, %get3A_18 : vector<1000x1xf32>
    %max3A = arith.constant 1.000000e+00 : f32
    %max3A_20 = vector.broadcast %max3A : f32 to vector<1000x1xf32>
    %max3A_21 = arith.maximumf %add3A_19, %max3A_20 : vector<1000x1xf32>
    %div3A = arith.constant 1.000000e+00 : f32
    %div3A_22 = vector.broadcast %div3A : f32 to vector<1000x1xf32>
    %div3A_23 = arith.divf %div3A_22, %max3A_21 : vector<1000x1xf32>
    %mul3A = vector.broadcast %div3A_23 : vector<1000x1xf32> to vector<1000x128xf32>
    %mul3A_24 = arith.mulf %add3A, %mul3A : vector<1000x128xf32>
    %get3A_25 = arith.constant 0 : index
    %get3A_26 = arith.constant 0 : index
    %get3A_27 = vector.load %arg4[%get3A_25, %get3A_26] : memref<128x128xf32, #tpu.memory_space<vmem>>, vector<128x128xf32>
    %dot_general3A = arith.constant dense<0.000000e+00> : vector<1000x128xf32>
    %dot_general3A_28 = tpu.matmul %mul3A_24, %get3A_27, %dot_general3A {dimension_numbers = #tpu.dot_dimension_numbers<[1], [1], [0], [0], [0, 0, 1, 0], [], []>, transpose_lhs_hint = false} : vector<1000x128xf32>, vector<128x128xf32>, vector<1000x128xf32> -> vector<1000x128xf32>
    %get3A_29 = arith.constant 0 : index
    %get3A_30 = arith.constant 0 : index
    %get3A_31 = vector.load %arg5[%get3A_29, %get3A_30] : memref<1x128xf32, #tpu.memory_space<vmem>>, vector<1x128xf32>
    %add3A_32 = vector.broadcast %get3A_31 : vector<1x128xf32> to vector<1000x128xf32>
    %add3A_33 = arith.addf %dot_general3A_28, %add3A_32 : vector<1000x128xf32>
    %get3A_34 = arith.constant 0 : index
    %get3A_35 = arith.constant 0 : index
    %get3A_36 = vector.load %arg3[%get3A_34, %get3A_35] : memref<1000x128xf32, #tpu.memory_space<vmem>>, vector<1000x128xf32>
    %get3A_37 = arith.constant 0 : index
    %get3A_38 = arith.constant 0 : index
    %get3A_39 = vector.load %arg6[%get3A_37, %get3A_38] : memref<128x128xf32, #tpu.memory_space<vmem>>, vector<128x128xf32>
    %dot_general3A_40 = arith.constant dense<0.000000e+00> : vector<1000x128xf32>
    %dot_general3A_41 = tpu.matmul %get3A_36, %get3A_39, %dot_general3A_40 {dimension_numbers = #tpu.dot_dimension_numbers<[1], [1], [0], [0], [0, 0, 1, 0], [], []>, transpose_lhs_hint = false} : vector<1000x128xf32>, vector<128x128xf32>, vector<1000x128xf32> -> vector<1000x128xf32>
    %add3A_42 = arith.addf %add3A_33, %dot_general3A_41 : vector<1000x128xf32>
    %swap3A = arith.constant 0 : index
    %swap3A_43 = arith.constant 0 : index
    %swap3A_44 = vector.load %arg7[%swap3A, %swap3A_43] : memref<1000x128xf32, #tpu.memory_space<vmem>>, vector<1000x128xf32>
    tpu.vector_store %arg7[%swap3A, %swap3A_43], %add3A_42 {strides = array<i32>} : memref<1000x128xf32, #tpu.memory_space<vmem>>, vector<1000x128xf32>,
    return
  }
  func.func @transform_0(%arg0: i32) -> (i32, i32, i32) {
    %c0_i32 = arith.constant 0 : i32
    %c0_i32_0 = arith.constant 0 : i32
    %c0_i32_1 = arith.constant 0 : i32
    return %c0_i32, %arg0, %c0_i32_0 : i32, i32, i32
  }
  func.func @transform_1(%arg0: i32) -> (i32, i32, i32) {
    %c0_i32 = arith.constant 0 : i32
    %c0_i32_0 = arith.constant 0 : i32
    %c0_i32_1 = arith.constant 0 : i32
    return %c0_i32, %arg0, %c0_i32_0 : i32, i32, i32
  }
  func.func @transform_2(%arg0: i32) -> (i32, i32) {
    %c0_i32 = arith.constant 0 : i32
    %c0_i32_0 = arith.constant 0 : i32
    return %arg0, %c0_i32 : i32, i32
  }
  func.func @transform_3(%arg0: i32) -> (i32, i32) {
    %c0_i32 = arith.constant 0 : i32
    %c0_i32_0 = arith.constant 0 : i32
    %c0_i32_1 = arith.constant 0 : i32
    return %c0_i32, %c0_i32_0 : i32, i32
  }
  func.func @transform_4(%arg0: i32) -> (i32, i32) {
    %c0_i32 = arith.constant 0 : i32
    %c0_i32_0 = arith.constant 0 : i32
    %c0_i32_1 = arith.constant 0 : i32
    return %c0_i32, %c0_i32_0 : i32, i32
  }
  func.func @transform_5(%arg0: i32) -> (i32, i32) {
    %c0_i32 = arith.constant 0 : i32
    %c0_i32_0 = arith.constant 0 : i32
    %c0_i32_1 = arith.constant 0 : i32
    return %c0_i32, %c0_i32_0 : i32, i32
  }
  func.func @transform_6(%arg0: i32) -> (i32, i32) {
    %c0_i32 = arith.constant 0 : i32
    %c0_i32_0 = arith.constant 0 : i32
    return %arg0, %c0_i32 : i32, i32
  }
}

</mosaic_0001>

<sc_bundles>
// kernel: kernel.11.cloned.1.call-start
scs
__scs_entry_jumppad:
0x0: {  	(pc) =	sbr.rel $0x88, $3  }
0x1: {  	(tag) =	ssettag $0x0;
	lr =	simm.s32 $0x1  }
0x2: {  	[smem:$0x3F92] =	sst lr;
	_ =	strace $0xD0000000  }
0x3: {  	_ = 	snop  }
0x4: {  	_ = 	snop  }
0x5: {  	_ = 	snop  }
0x6: {  	_ = 	snop  }
0x7: {  	_ = 	snop  }
__scs_overlays_trampoline_lowered:
0x8: {  	[smem:$0x3FA1] =	sst s0  }
0x9: {  	[smem:$0x3FA2] =	sst s1  }
0xa: {  	[smem:$0x3FA3] =	sst s2  }
0xb: {  	[smem:$0x3FA4] =	sst s3  }
0xc: {  	[smem:$0x3FA5] =	sst s4  }
0xd: {  	[smem:$0x3FA6] =	sst s5  }
0xe: {  	[smem:$0x3FA7] =	sst s6  }
0xf: {  	[smem:$0x3FA8] =	sst s7  }
0x10: {  	[smem:$0x3FA9] =	sst s8  }
0x11: {  	[smem:$0x3FAA] =	sst s9;
	s0 =	simm.s32 @!p0 $0x0  }
0x12: {  	s1 =	sld [smem:$0x3F90];
	s0 =	simm.s32 @p0 $0x1  }
0x13: {  	[smem:$0x3FAB] =	sst s0;
	s0 =	simm.s32 @!p1 $0x0  }
0x14: {  	s2 =	sld [smem:$0x3F8F];
	s0 =	simm.s32 @p1 $0x1  }
0x15: {  	[smem:$0x3FAC] =	sst s0;
	s0 =	simm.s32 @!p2 $0x0  }
0x16: {  	s3 =	sld [smem:$0x3FDB];
	s0 =	simm.s32 @p2 $0x1  }
0x17: {  	s4 =	simm.s32 $0x1BF5;
	[smem:$0x3FAE] =	sst s0  }
0x18: {  	s0 =	sld [smem:$0x3F91];
	_ =	swait.ge [sflag:s4], $0x0  }
0x19: {  	s7 =	sld [smem:$0x3F92]  }
0x1a: {  	s8 =	sadd.s32 $0xFFFFE003, lr  }
0x1b: {  	s9 =	sadd.s32 $0xFFFFFEF7, lr;
	s5 =	simm.s32 $0xFFFFFFFF;
	p2 =	slt.u32 s8, $0xFFFFF086  }
0x1c: {  	p1 =	slt.u32 s9, $0xF7A;
	s5 =	simm.s32 @!p2 $0x0  }
0x1d: {  	s5 =	simm.s32 @p1 $0x1;
	p0 =	seq.s32 s7, s2  }
0x1e: {  	s7 =	smul.u32 @!p0 $0xF7A, s2;
	p2 =	seq.s32 @!p0 s5, $0x0  }
0x1f: {  	s9 =	smul.u32 $0xF7A, s1;
	s8 =	simm.s32 @!p0 $0x1BF5;
	p2 =	por !p2, p0  }
0x20: {  	[sflag:s8] =	ssyncset.s32 @!p0 $0xFFFFF086;
	s6 =	sadd.s32 @!p0 s3, s7;
	s7 =	simm.s32 @!p0 $0x108  }
0x21: {  	s3 =	sadd.s32 s3, s9;
	s6 =	sadd.s32 @!p0 $0x88, s6;
	s7 =	simm.s32 @p2 $0x1082  }
0x22: {  	[simem:s7], [sflag:s8] =	dma.local @!p0 [hbm:s6], $0xF7A  }
0x23: {  	s9 =	sor.u32 $0xD0000000, s2;
	s6 =	simm.s32 $0x108;
	_ =	swait.ge @!p0 [sflag:s8], $0x0  }
0x24: {  	s3 =	sadd.s32 $0x88, s3;
	s6 =	simm.s32 @!p1 $0x1082;
	[sflag:s4] =	ssyncset.s32 $0xFFFFF086  }
0x25: {  	[simem:s6], [sflag:s4] =	dma.local [hbm:s3], $0xF7A  }
0x26: {  	[smem:$0x3F92] =	sst s1;
	(tag) =	ssettag s2;
	_ =	strace s9  }
0x27: {  	s1 =	sld [smem:$0x3FA2]  }
0x28: {  	s2 =	sld [smem:$0x3FA3]  }
0x29: {  	s4 =	sld [smem:$0x3FA5]  }
0x2a: {  	p0 =	seq.s32 s5, $0x0;
	s5 =	sld [smem:$0x3FA6]  }
0x2b: {  	s6 =	sld [smem:$0x3FA7]  }
0x2c: {  	s7 =	sld [smem:$0x3FA8]  }
0x2d: {  	s3 =	simm.s32 $0x108;
	s8 =	sld [smem:$0x3FA9]  }
0x2e: {  	s3 =	simm.s32 @!p0 $0x1082;
	s9 =	sld [smem:$0x3FAA]  }
0x2f: {  	lr =	sadd.s32 s0, s3;
	s0 =	sld [smem:$0x3FA1]  }
0x30: {  	s3 =	sld [smem:$0x3FA4]  }
0x31: {  	[smem:$0x3FAD] =	sst s10  }
0x32: {  	s10 =	sld [smem:$0x3FAB];
	_ =	sdelay $0x3  }
0x33: {  	p0 =	seq.s32 s10, $0x1;
	s10 =	sld [smem:$0x3FAD];
	_ =	sdelay $0x3  }
0x34: {  	[smem:$0x3FAD] =	sst s10  }
0x35: {  	s10 =	sld [smem:$0x3FAC];
	_ =	sdelay $0x3  }
0x36: {  	p1 =	seq.s32 s10, $0x1;
	s10 =	sld [smem:$0x3FAD];
	_ =	sdelay $0x3  }
0x37: {  	[smem:$0x3FAD] =	sst s10  }
0x38: {  	s10 =	sld [smem:$0x3FAE]  }
0x39: {  	_ = 	snop;
	(pc) =	sbr.ind lr, $3  }
0x3a: {  	_ = 	snop  }
0x3b: {  	_ = 	snop  }
0x3c: {  	p2 =	seq.s32 s10, $0x1;
	s10 =	sld [smem:$0x3FAD]  }
0x3d: {  	_ =	shalt  }
0x3e: {  	_ =	shalt  }
0x3f: {  	_ =	shalt  }
0x40: {  	_ =	shalt  }
0x41: {  	_ =	shalt  }
0x42: {  	_ =	shalt  }
0x43: {  	_ =	shalt  }
0x44: {  	_ =	shalt  }
0x45: {  	_ =	shalt  }
0x46: {  	_ =	shalt  }
0x47: {  	_ =	shalt  }
0x48: {  	_ =	shalt  }
0x49: {  	_ =	shalt  }
0x4a: {  	_ =	shalt  }
0x4b: {  	_ =	shalt  }
0x4c: {  	_ =	shalt  }
0x4d: {  	_ =	shalt  }
0x4e: {  	_ =	shalt  }
0x4f: {  	_ =	shalt  }
0x50: {  	_ =	shalt  }
0x51: {  	_ =	shalt  }
0x52: {  	_ =	shalt  }
0x53: {  	_ =	shalt  }
0x54: {  	_ =	shalt  }
0x55: {  	_ =	shalt  }
0x56: {  	_ =	shalt  }
0x57: {  	_ =	shalt  }
0x58: {  	_ =	shalt  }
0x59: {  	_ =	shalt  }
0x5a: {  	_ =	shalt  }
0x5b: {  	_ =	shalt  }
0x5c: {  	_ =	shalt  }
0x5d: {  	_ =	shalt  }
0x5e: {  	_ =	shalt  }
0x5f: {  	_ =	shalt  }
0x60: {  	_ =	shalt  }
0x61: {  	_ =	shalt  }
0x62: {  	_ =	shalt  }
0x63: {  	_ =	shalt  }
0x64: {  	_ =	shalt  }
0x65: {  	_ =	shalt  }
0x66: {  	_ =	shalt  }
0x67: {  	_ =	shalt  }
0x68: {  	_ =	shalt  }
0x69: {  	_ =	shalt  }
0x6a: {  	_ =	shalt  }
0x6b: {  	_ =	shalt  }
0x6c: {  	_ =	shalt  }
0x6d: {  	_ =	shalt  }
0x6e: {  	_ =	shalt  }
0x6f: {  	_ =	shalt  }
0x70: {  	_ =	shalt  }
0x71: {  	_ =	shalt  }
0x72: {  	_ =	shalt  }
0x73: {  	_ =	shalt  }
0x74: {  	_ =	shalt  }
0x75: {  	_ =	shalt  }
0x76: {  	_ =	shalt  }
0x77: {  	_ =	shalt  }
0x78: {  	_ =	shalt  }
0x79: {  	_ =	shalt  }
0x7a: {  	_ =	shalt  }
0x7b: {  	_ =	shalt  }
0x7c: {  	_ =	shalt  }
0x7d: {  	_ =	shalt  }
0x7e: {  	_ =	shalt  }
0x7f: {  	_ =	shalt  }
0x80: {  	_ =	shalt  }
0x81: {  	_ =	shalt  }
0x82: {  	_ =	shalt  }
0x83: {  	_ =	shalt  }
0x84: {  	_ =	shalt  }
0x85: {  	_ =	shalt  }
0x86: {  	_ =	shalt  }
0x87: {  	_ =	shalt  }
.Lfunc_end0:
.L_simem_size_0:
called_computation_lowered:
.L_overlay_start_0:
0x88: {  	s2 =	sld [smem:$0x3FD9]  }
0x89: {  	s3 =	sld [smem:$0x3FFE];
	_ =	sdelay $0x1  }
0x8a: {  	s1 =	srdreg.scid  }
0x8b: {  	s0 =	sand.u32 $0x1, s1  }
0x8c: {  	s17 =	sshll.u32 s0, $0xA;
	s2 =	sadd.s32 s3, s2  }
0x8d: {  	s2 =	sadd.s32 s2, s17  }
0x8e: {  	[smem:$0x3FB9] =	sst s2  }
0x8f: {  	_ = 	snop  }
0x90: {  	s2 =	sld [smem:$0x3FD0];
	(tm) =	ssettm $0x1  }
0x91: {  	s18 =	sld [smem:$0x3FFB];
	_ =	sdelay $0x3  }
0x92: {  	_ =	strace s18  }
0x93: {  	s3 =	sld [smem:$0x3FFC];
	_ =	sdelay $0x3  }
0x94: {  	_ =	strace s3  }
0x95: {  	s3 =	sld [smem:$0x3FFD];
	_ =	sdelay $0x3  }
0x96: {  	_ =	strace s3  }
0x97: {  	_ =	strace $0x8FFFFFFF  }
0x98: {  	s19 =	sld [smem:$0x3FDB];
	_ =	sdelay $0x1  }
0x99: {  	s4 =	simm.s32 $_scs_section_size  }
0x9a: {  	s5 =	simm.s32 $_size__tile_overlayer_lowered;
	s6 =	simm.s32 $_tile_overlayer_lowered  }
0x9b: {  	s22 =	simm.s32 $0x1BFF;
	s21 =	sshll.u32 s6, $0x1;
	s3 =	sadd.s32 s4, s19  }
0x9c: {  	s7 =	simm.s32 $0x0;
	s20 =	sshll.u32 s5, $0x1;
	s5 =	sadd.s32 s21, s3  }
0x9d: {  	[timem:s7], [sflag:s22] =	dma.local [hbm:s5], s20  }
0x9e: {  	_ =	swait.ge [sflag:s22], s20  }
0x9f: {  	s4 =	ssub.s32 $0x0, s20;
	[sflag:s22] =	ssyncset.done $0x0  }
0xa0: {  	[sflag:s22] =	ssyncadd.s32 s4;
	_ =	sdelay $0x1  }
0xa1: {  	s23 =	simm.s32 $0x1B8B  }
0xa2: {  	_ =	swait.ge [sflag:s23], $0x1  }
0xa3: {  	[sflag:s23] =	ssyncset.done $0x0  }
0xa4: {  	s25 =	simm.s32 $0x1B8E;
	s24 =	sld [smem:$0x3FFE];
	[sflag:s23] =	ssyncadd.s32 $0xFFFFFFFF  }
0xa5: {  	s26 =	simm.s32 $execute0_lowered;
	[smem:$0x3FD2] =	sst s25  }
0xa6: {  	s5 =	sshll.u32 s26, $0x1;
	_ =	strace $0x80000046;
	[dreg:$0x1] =	wrdreg $0xFFFFFFFF  }
0xa7: {  	s28 =	simm.s32 $_size_execute0_lowered;
	s3 =	sadd.s32 s3, s5;
	[dreg:$0x0] =	wrdreg $0x0  }
0xa8: {  	s5 =	sshll.u32 s28, $0x1;
	[dreg:$0x2] =	wrdreg s3  }
0xa9: {  	[dreg:$0x3] =	wrdreg s5  }
0xaa: {  	[dreg:$0x4] =	wrdreg $0xC0  }
0xab: {  	_ =	task [dreg:s7], $0x5FFFF  }
0xac: {  	[dreg:$0x1] =	wrdreg $0xFFFFFFFF  }
0xad: {  	[dreg:$0x0] =	wrdreg $0x60  }
0xae: {  	[dreg:$0x2] =	wrdreg s24  }
0xaf: {  	[dreg:$0x3] =	wrdreg s2  }
0xb0: {  	[dreg:$0x4] =	wrdreg $0x68000  }
0xb1: {  	[dreg:$0x5] =	wrdreg $0x9  }
0xb2: {  	_ =	task.clear_ibuf [dreg:s7], $0x6FFFF;
	_ =	strace $0x90000046  }
0xb3: {  	s29 =	simm.s32 $0x9;
	_ =	strace $0x80000048  }
0xb4: {  	_ =	swait.ge [sflag:s29], $0x1  }
0xb5: {  	[sflag:s29] =	ssyncadd.s32 $0xFFFFFFFF  }
0xb6: {  	_ =	strace $0x90000048  }
0xb7: {  	_ =	sfence  }
0xb8: {  	s30 =	sld [smem:$0x0];
	_ =	sdelay $0x2  }
0xb9: {  	s31 =	sshll.u32 s1, $0xD;
	s1 =	sshrl.u32 s1, $0x2  }
0xba: {  	s3 =	sand.u32 $0x4000, s31;
	s1 =	sadd.s32 s1, s30  }
0xbb: {  	s0 =	sor.u32 s3, s0;
	s1 =	sshll.u32 s1, $0x11  }
0xbc: {  	s0 =	sor.u32 s1, s0  }
0xbd: {  	s0 =	sadd.s32 $0x8F2B, s0  }
0xbe: {  	[sflag:s0] =	ssyncadd.remote.s32 $0x1  }
0xbf: {  	_ =	sfence.sel $0xFFFF  }
0xc0: {  	[dreg:$0x0] =	wrdreg $0xFFFFFFFF;
	(pc) =	sbr.abs _section_cstart, $3  }
0xc1: {  	[dreg:$0x1] =	wrdreg $0xFFFFFFFF  }
0xc2: {  	_ =	task.clear_ibuf [dreg:s7], $0x2FFFF;
	_ =	strace $0x9FFFFFFF  }
0xc3: {  	(tm) =	ssettm $0x7FFFFFFF  }
tec
execute0_lowered:
.L_overlay_start_1:
0x0: {  	(tag) =	ssettag $0x1  }
0x1: {  	s5 =	rddreg [dreg:$0x0]  }
0x2: {  	s2 =	rddreg [dreg:$0x1]  }
0x3: {  	s3 =	rddreg [dreg:$0x2]  }
0x4: {  	s0 =	rddreg [dreg:$0x3]  }
0x5: {  	s6 =	srdreg.scid;
	s1 =	stileid.u32  }
0x6: {  	s4 =	simm.s32 $0x0;
	s13 =	simm.s32 $0x50;
	s14 =	simm.s32 $0x80  }
0x7: {  	s15 =	simm.s32 $0x100;
	s16 =	simm.s32 $0x180;
	s17 =	simm.s32 $0x1  }
0x8: {  	s18 =	simm.s32 $0x0;
	s6 =	sand.u32 $0x1, s6;
	s7 =	smul.u32 $0x14000, s1  }
0x9: {  	[smem:$0x7FF] =	sst s4;
	s26 =	sshll.u32 s1, $0xC;
	s11 =	smul.u32 $0x50000, s1  }
0xa: {  	s31 =	sshll.u32 s1, $0x6;
	s8 =	smul.u32 $0x140000, s6;
	_ =	strace $0x80000047  }
0xb: {  	s9 =	sshll.u32 s6, $0xB;
	s6 =	ssub.s32 $0x2, s6;
	s10 =	sshrl.u32 s7, $0x3  }
0xc: {  	s24 =	sadd.s32 s9, s5;
	s28 =	sshrl.u32 s6, $0x1;
	s30 =	sshrl.u32 s11, $0x2  }
0xd: {  	s9 =	simm.s32 $0x2;
	s11 =	sor.u32 $0x1C02, s31;
	s7 =	sadd.s32 s7, s8  }
0xe: {  	s25 =	sadd.s32 s10, s5;
	s8 =	sadd.s32 s26, s24;
	s29 =	ssub.s32 s6, s28  }
0xf: {  	s12 =	sadd.s32 s30, s3;
	s10 =	simm.s32 $0x4000;
	s7 =	sshrl.u32 s7, $0x3  }
0x10: {  	s6 =	sadd.s32 $0x1E000, s25;
	s12 =	sshrl.u32 s12, $0x3;
	s7 =	sadd.s32 s7, s5  }
0x11: {  	s5 =	sadd.s32 $0xE000, s8;
	s8 =	smax.u32 s29, $0x1;
	s7 =	sadd.s32 $0x46000, s7  }
.LBB2_1:
0x12: {  	[tilespmem:s4], [sflag:$0x2] =	stream.linear.gather [hbm4b:s5+s4], $0x3E80, $0x38;
	[tilespmem:$0x1A800] =	vst v63  }
0x13: {  	_ =	swait.ge [sflag:s9], $0x3E80  }
0x14: {  	[sflag:s9] =	ssyncset.done $0x0  }
0x15: {  	[sflag:s9] =	ssyncadd.s32 $0xFFFFC180  }
0x16: {  	[tilespmem:s10], [sflag:$0x2] =	stream.linear.gather [hbm4b:s2+s4], $0x2800, $0x38;
	[tilespmem:$0x1A800] =	vst v63  }
0x17: {  	_ =	swait.ge [sflag:s9], $0x2800  }
0x18: {  	[sflag:s9] =	ssyncset.done $0x0  }
0x19: {  	[sflag:s9] =	ssyncadd.s32 $0xFFFFD800  }
0x1a: {  	[spmem:s12], [sflag:s11] =	dma.local [hbm:s6], $0x2800  }
0x1b: {  	_ =	swait.ge [sflag:s9], $0x2800  }
0x1c: {  	[sflag:s9] =	ssyncset.done $0x0  }
0x1d: {  	[sflag:s9] =	ssyncadd.s32 $0xFFFFD800  }
0x1e: {  	[bflag:$0x0] =	sbarrier.arrive $0xFFFF  }
0x1f: {  	[spmem:s3] =	stream.indirect.scatter.add.f32 [tilespmem:s10], [sflag:$0x1], $0x80, s4, s13, $0xb8;
	[tilespmem:$0x1A800] =	vst v63  }
0x20: {  	_ = 	snop  }
0x21: {  	[spmem:s3] =	stream.indirect.scatter.add.f32 [tilespmem:s10], [sflag:$0x1], $0x80, s14, s13, $0xb8;
	[tilespmem:$0x1A800] =	vst v63  }
0x22: {  	_ = 	snop  }
0x23: {  	[spmem:s3] =	stream.indirect.scatter.add.f32 [tilespmem:s10], [sflag:$0x1], $0x80, s15, s13, $0xb8;
	[tilespmem:$0x1A800] =	vst v63  }
0x24: {  	_ = 	snop  }
0x25: {  	[spmem:s3] =	stream.indirect.scatter.add.f32 [tilespmem:s10], [sflag:$0x1], $0x80, s16, s13, $0xb8;
	[tilespmem:$0x1A800] =	vst v63  }
0x26: {  	s19 =	simm.s32 $0x200  }
0x27: {  	[spmem:s3] =	stream.indirect.scatter.add.f32 [tilespmem:s10], [sflag:$0x1], $0x80, s19, s13, $0xb8;
	[tilespmem:$0x1A800] =	vst v63  }
0x28: {  	_ =	swait.ge [sflag:s17], $0x2800  }
0x29: {  	s19 =	simm.s32 $0xA00;
	[sflag:s17] =	ssyncset.done $0x0  }
.LBB2_2:
0x2a: {  	s20 =	sshra.s32 s19, $0x2;
	[sflag:s17] =	ssyncadd.s32 $0xFFFFD800;
	p0 =	sne.s32 s19, $0xF800  }
0x2b: {  	[spmem:s3] =	stream.indirect.scatter.add.f32 [tilespmem:s10], [sflag:$0x1], $0x80, s20, s13, $0xb8;
	[tilespmem:$0x1A800] =	vst v63  }
.Ltmp0:
0x2c: {  	_ = 	snop;
	(pc) =	sbr.rel @p0 .LBB2_2-.Ltmp0, $4  }
0x2d: {  	_ = 	snop  }
0x2e: {  	s19 =	sadd.s32 $0x200, s19  }
0x2f: {  	_ =	swait.ge [sflag:s17], $0x2800  }
0x30: {  	[sflag:s17] =	ssyncset.done $0x0  }
0x31: {  	[sflag:s17] =	ssyncadd.s32 $0xFFFFD800  }
0x32: {  	_ =	swait.ge [sflag:s17], $0x2800  }
0x33: {  	[sflag:s17] =	ssyncset.done $0x0  }
0x34: {  	[sflag:s17] =	ssyncadd.s32 $0xFFFFD800  }
0x35: {  	_ =	swait.ge [sflag:s17], $0x2800  }
0x36: {  	[sflag:s17] =	ssyncset.done $0x0  }
0x37: {  	[sflag:s17] =	ssyncadd.s32 $0xFFFFD800  }
0x38: {  	_ =	swait.ge [sflag:s17], $0x2800  }
0x39: {  	[sflag:s17] =	ssyncset.done $0x0  }
0x3a: {  	[sflag:s17] =	ssyncadd.s32 $0xFFFFD800  }
0x3b: {  	_ =	swait.ge [sflag:s17], $0x2800  }
0x3c: {  	s18 =	sadd.s32 $0x1, s18;
	[sflag:s17] =	ssyncset.done $0x0  }
0x3d: {  	p0 =	sne.s32 s18, s8;
	[sflag:s17] =	ssyncadd.s32 $0xFFFFD800  }
.Ltmp1:
0x3e: {  	[bflag:$0x0] =	sbarrier.arrive $0xFFFF;
	(pc) =	sbr.rel @p0 .LBB2_1-.Ltmp1, $4  }
0x3f: {  	[hbm:s7], [sflag:s11] =	dma.local [spmem:s12], $0x2800  }
0x40: {  	_ =	swait.ge [sflag:s9], $0x2800  }
0x41: {  	[sflag:s9] =	ssyncset.done $0x0  }
0x42: {  	[sflag:s9] =	ssyncadd.s32 $0xFFFFD800  }
0x43: {  	_ =	sfence.sel $0x180000  }
0x44: {  	[bflag:$0x0] =	sbarrier.arrive $0xFFFF  }
0x45: {  	p0 =	sne.s32 s1, $0x0;
	_ =	strace $0x90000047  }
0x46: {  	s0 =	sadd.s32 @!p0 $0x100000, s0;
	[bflag:$0x2] =	sbarrier.arrive $0xFFFF  }
0x47: {  	[sflag:s0] =	ssyncadd.tile.s32 @!p0 $0x1;
	_ =	shalt  }
.Lfunc_end2:
_tile_overlayer_lowered:
.L_overlay_start_2:
0x48: {  	(tag) =	ssettag $0x2  }
0x49: {  	s0 =	rddreg [dreg:$0x0];
	s2 =	stileid.u32  }
0x4a: {  	s1 =	rddreg [dreg:$0x1];
	p0 =	sne.s32 s2, $0x0  }
0x4b: {  	s3 =	rddreg [dreg:$0x2];
	[bflag:$0x3] =	sbarrier.arrive $0xFFFF;
	s2 =	simm.s32 @!p0 $0x1C02  }
0x4c: {  	[timem:s3], [sflag:s2] =	dma.local @!p0 [hbm:s0], s1  }
0x4d: {  	s0 =	simm.s32 @!p0 $0x2  }
0x4e: {  	_ =	swait.ge @!p0 [sflag:s0], s1  }
0x4f: {  	s1 =	ssub.s32 @!p0 $0x0, s1;
	[sflag:s0] =	ssyncset.done @!p0 $0x0  }
0x50: {  	[sflag:s0] =	ssyncadd.s32 @!p0 s1  }
0x51: {  	[bflag:$0x3] =	sbarrier.arrive $0xFFFF  }
0x52: {  	_ =	shalt  }

// kernel: kernel.14.cloned.1.call-start
scs
__scs_entry_jumppad:
0x0: {  	(pc) =	sbr.rel $0x88, $3  }
0x1: {  	(tag) =	ssettag $0x0;
	lr =	simm.s32 $0x1  }
0x2: {  	[smem:$0x3F92] =	sst lr;
	_ =	strace $0xD0000000  }
0x3: {  	_ = 	snop  }
0x4: {  	_ = 	snop  }
0x5: {  	_ = 	snop  }
0x6: {  	_ = 	snop  }
0x7: {  	_ = 	snop  }
__scs_overlays_trampoline_lowered:
0x8: {  	[smem:$0x3FA1] =	sst s0  }
0x9: {  	[smem:$0x3FA2] =	sst s1  }
0xa: {  	[smem:$0x3FA3] =	sst s2  }
0xb: {  	[smem:$0x3FA4] =	sst s3  }
0xc: {  	[smem:$0x3FA5] =	sst s4  }
0xd: {  	[smem:$0x3FA6] =	sst s5  }
0xe: {  	[smem:$0x3FA7] =	sst s6  }
0xf: {  	[smem:$0x3FA8] =	sst s7  }
0x10: {  	[smem:$0x3FA9] =	sst s8  }
0x11: {  	[smem:$0x3FAA] =	sst s9;
	s0 =	simm.s32 @!p0 $0x0  }
0x12: {  	s1 =	sld [smem:$0x3F90];
	s0 =	simm.s32 @p0 $0x1  }
0x13: {  	[smem:$0x3FAB] =	sst s0;
	s0 =	simm.s32 @!p1 $0x0  }
0x14: {  	s2 =	sld [smem:$0x3F8F];
	s0 =	simm.s32 @p1 $0x1  }
0x15: {  	[smem:$0x3FAC] =	sst s0;
	s0 =	simm.s32 @!p2 $0x0  }
0x16: {  	s3 =	sld [smem:$0x3FDB];
	s0 =	simm.s32 @p2 $0x1  }
0x17: {  	s4 =	simm.s32 $0x1BF5;
	[smem:$0x3FAE] =	sst s0  }
0x18: {  	s0 =	sld [smem:$0x3F91];
	_ =	swait.ge [sflag:s4], $0x0  }
0x19: {  	s7 =	sld [smem:$0x3F92]  }
0x1a: {  	s8 =	sadd.s32 $0xFFFFE003, lr  }
0x1b: {  	s9 =	sadd.s32 $0xFFFFFEF7, lr;
	s5 =	simm.s32 $0xFFFFFFFF;
	p2 =	slt.u32 s8, $0xFFFFF086  }
0x1c: {  	p1 =	slt.u32 s9, $0xF7A;
	s5 =	simm.s32 @!p2 $0x0  }
0x1d: {  	s5 =	simm.s32 @p1 $0x1;
	p0 =	seq.s32 s7, s2  }
0x1e: {  	s7 =	smul.u32 @!p0 $0xF7A, s2;
	p2 =	seq.s32 @!p0 s5, $0x0  }
0x1f: {  	s9 =	smul.u32 $0xF7A, s1;
	s8 =	simm.s32 @!p0 $0x1BF5;
	p2 =	por !p2, p0  }
0x20: {  	[sflag:s8] =	ssyncset.s32 @!p0 $0xFFFFF086;
	s6 =	sadd.s32 @!p0 s3, s7;
	s7 =	simm.s32 @!p0 $0x108  }
0x21: {  	s3 =	sadd.s32 s3, s9;
	s6 =	sadd.s32 @!p0 $0x88, s6;
	s7 =	simm.s32 @p2 $0x1082  }
0x22: {  	[simem:s7], [sflag:s8] =	dma.local @!p0 [hbm:s6], $0xF7A  }
0x23: {  	s9 =	sor.u32 $0xD0000000, s2;
	s6 =	simm.s32 $0x108;
	_ =	swait.ge @!p0 [sflag:s8], $0x0  }
0x24: {  	s3 =	sadd.s32 $0x88, s3;
	s6 =	simm.s32 @!p1 $0x1082;
	[sflag:s4] =	ssyncset.s32 $0xFFFFF086  }
0x25: {  	[simem:s6], [sflag:s4] =	dma.local [hbm:s3], $0xF7A  }
0x26: {  	[smem:$0x3F92] =	sst s1;
	(tag) =	ssettag s2;
	_ =	strace s9  }
0x27: {  	s1 =	sld [smem:$0x3FA2]  }
0x28: {  	s2 =	sld [smem:$0x3FA3]  }
0x29: {  	s4 =	sld [smem:$0x3FA5]  }
0x2a: {  	p0 =	seq.s32 s5, $0x0;
	s5 =	sld [smem:$0x3FA6]  }
0x2b: {  	s6 =	sld [smem:$0x3FA7]  }
0x2c: {  	s7 =	sld [smem:$0x3FA8]  }
0x2d: {  	s3 =	simm.s32 $0x108;
	s8 =	sld [smem:$0x3FA9]  }
0x2e: {  	s3 =	simm.s32 @!p0 $0x1082;
	s9 =	sld [smem:$0x3FAA]  }
0x2f: {  	lr =	sadd.s32 s0, s3;
	s0 =	sld [smem:$0x3FA1]  }
0x30: {  	s3 =	sld [smem:$0x3FA4]  }
0x31: {  	[smem:$0x3FAD] =	sst s10  }
0x32: {  	s10 =	sld [smem:$0x3FAB];
	_ =	sdelay $0x3  }
0x33: {  	p0 =	seq.s32 s10, $0x1;
	s10 =	sld [smem:$0x3FAD];
	_ =	sdelay $0x3  }
0x34: {  	[smem:$0x3FAD] =	sst s10  }
0x35: {  	s10 =	sld [smem:$0x3FAC];
	_ =	sdelay $0x3  }
0x36: {  	p1 =	seq.s32 s10, $0x1;
	s10 =	sld [smem:$0x3FAD];
	_ =	sdelay $0x3  }
0x37: {  	[smem:$0x3FAD] =	sst s10  }
0x38: {  	s10 =	sld [smem:$0x3FAE]  }
0x39: {  	_ = 	snop;
	(pc) =	sbr.ind lr, $3  }
0x3a: {  	_ = 	snop  }
0x3b: {  	_ = 	snop  }
0x3c: {  	p2 =	seq.s32 s10, $0x1;
	s10 =	sld [smem:$0x3FAD]  }
0x3d: {  	_ =	shalt  }
0x3e: {  	_ =	shalt  }
0x3f: {  	_ =	shalt  }
0x40: {  	_ =	shalt  }
0x41: {  	_ =	shalt  }
0x42: {  	_ =	shalt  }
0x43: {  	_ =	shalt  }
0x44: {  	_ =	shalt  }
0x45: {  	_ =	shalt  }
0x46: {  	_ =	shalt  }
0x47: {  	_ =	shalt  }
0x48: {  	_ =	shalt  }
0x49: {  	_ =	shalt  }
0x4a: {  	_ =	shalt  }
0x4b: {  	_ =	shalt  }
0x4c: {  	_ =	shalt  }
0x4d: {  	_ =	shalt  }
0x4e: {  	_ =	shalt  }
0x4f: {  	_ =	shalt  }
0x50: {  	_ =	shalt  }
0x51: {  	_ =	shalt  }
0x52: {  	_ =	shalt  }
0x53: {  	_ =	shalt  }
0x54: {  	_ =	shalt  }
0x55: {  	_ =	shalt  }
0x56: {  	_ =	shalt  }
0x57: {  	_ =	shalt  }
0x58: {  	_ =	shalt  }
0x59: {  	_ =	shalt  }
0x5a: {  	_ =	shalt  }
0x5b: {  	_ =	shalt  }
0x5c: {  	_ =	shalt  }
0x5d: {  	_ =	shalt  }
0x5e: {  	_ =	shalt  }
0x5f: {  	_ =	shalt  }
0x60: {  	_ =	shalt  }
0x61: {  	_ =	shalt  }
0x62: {  	_ =	shalt  }
0x63: {  	_ =	shalt  }
0x64: {  	_ =	shalt  }
0x65: {  	_ =	shalt  }
0x66: {  	_ =	shalt  }
0x67: {  	_ =	shalt  }
0x68: {  	_ =	shalt  }
0x69: {  	_ =	shalt  }
0x6a: {  	_ =	shalt  }
0x6b: {  	_ =	shalt  }
0x6c: {  	_ =	shalt  }
0x6d: {  	_ =	shalt  }
0x6e: {  	_ =	shalt  }
0x6f: {  	_ =	shalt  }
0x70: {  	_ =	shalt  }
0x71: {  	_ =	shalt  }
0x72: {  	_ =	shalt  }
0x73: {  	_ =	shalt  }
0x74: {  	_ =	shalt  }
0x75: {  	_ =	shalt  }
0x76: {  	_ =	shalt  }
0x77: {  	_ =	shalt  }
0x78: {  	_ =	shalt  }
0x79: {  	_ =	shalt  }
0x7a: {  	_ =	shalt  }
0x7b: {  	_ =	shalt  }
0x7c: {  	_ =	shalt  }
0x7d: {  	_ =	shalt  }
0x7e: {  	_ =	shalt  }
0x7f: {  	_ =	shalt  }
0x80: {  	_ =	shalt  }
0x81: {  	_ =	shalt  }
0x82: {  	_ =	shalt  }
0x83: {  	_ =	shalt  }
0x84: {  	_ =	shalt  }
0x85: {  	_ =	shalt  }
0x86: {  	_ =	shalt  }
0x87: {  	_ =	shalt  }
.Lfunc_end0:
.L_simem_size_0:
called_computation.1_lowered:
.L_overlay_start_0:
0x88: {  	s2 =	sld [smem:$0x3FD9]  }
0x89: {  	s3 =	sld [smem:$0x3FFE];
	_ =	sdelay $0x1  }
0x8a: {  	s1 =	srdreg.scid  }
0x8b: {  	s0 =	sand.u32 $0x1, s1  }
0x8c: {  	s17 =	sshll.u32 s0, $0xA;
	s2 =	sadd.s32 s3, s2  }
0x8d: {  	s2 =	sadd.s32 s2, s17  }
0x8e: {  	[smem:$0x3FB9] =	sst s2  }
0x8f: {  	_ = 	snop  }
0x90: {  	s18 =	sld [smem:$0x3FC9];
	(tm) =	ssettm $0x1  }
0x91: {  	s19 =	sld [smem:$0x3FFB];
	_ =	sdelay $0x3  }
0x92: {  	_ =	strace s19  }
0x93: {  	s2 =	sld [smem:$0x3FFC];
	_ =	sdelay $0x3  }
0x94: {  	_ =	strace s2  }
0x95: {  	s2 =	sld [smem:$0x3FFD];
	_ =	sdelay $0x3  }
0x96: {  	_ =	strace s2  }
0x97: {  	_ =	strace $0x8FFFFFFF  }
0x98: {  	s20 =	sld [smem:$0x3FDB];
	_ =	sdelay $0x1  }
0x99: {  	s4 =	simm.s32 $_scs_section_size  }
0x9a: {  	s5 =	simm.s32 $_size__tile_overlayer_lowered;
	s6 =	simm.s32 $_tile_overlayer_lowered  }
0x9b: {  	s7 =	simm.s32 $0x1BFF;
	s21 =	sshll.u32 s6, $0x1;
	s4 =	sadd.s32 s4, s20  }
0x9c: {  	s22 =	simm.s32 $0x0;
	s5 =	sshll.u32 s5, $0x1;
	s6 =	sadd.s32 s21, s4  }
0x9d: {  	[timem:s22], [sflag:s7] =	dma.local [hbm:s6], s5  }
0x9e: {  	_ =	swait.ge [sflag:s7], s5  }
0x9f: {  	s5 =	ssub.s32 $0x0, s5;
	[sflag:s7] =	ssyncset.done $0x0  }
0xa0: {  	[sflag:s7] =	ssyncadd.s32 s5;
	_ =	sdelay $0x1  }
0xa1: {  	s23 =	simm.s32 $0x1B8B  }
0xa2: {  	_ =	swait.ge [sflag:s23], $0x1  }
0xa3: {  	[sflag:s23] =	ssyncset.done $0x0  }
0xa4: {  	[sflag:s23] =	ssyncadd.s32 $0xFFFFFFFF  }
0xa5: {  	s5 =	sld [smem:$0x0]  }
0xa6: {  	s6 =	sand.u32 $0xFFFFFFFE, s1  }
0xa7: {  	p0 =	sne.s32 s1, s6  }
0xa8: {  	s6 =	sshll.u32 @p0 s6, $0xE  }
0xa9: {  	s6 =	sadd.s32 @p0 $0x11B8D, s6;
	s7 =	sshll.u32 @p0 s5, $0x11  }
0xaa: {  	s6 =	sor.u32 @p0 s7, s6  }
0xab: {  	[sflag:s6] =	ssyncadd.remote.s32 @p0 $0x1;
	_ =	sdelay $0x1  }
0xac: {  	s6 =	simm.s32 @p0 $0x1B8D  }
0xad: {  	_ =	swait.eq @p0 [sflag:s6], $0x1  }
0xae: {  	[sflag:s6] =	ssyncadd.s32 @p0 $0xFFFFFFFF  }
0xaf: {  	s7 =	sshll.u32 @!p0 s1, $0xE  }
0xb0: {  	s7 =	sor.u32 @!p0 $0x4000, s7;
	s6 =	simm.s32 @!p0 $0x1B8D  }
0xb1: {  	s5 =	sshll.u32 @!p0 s5, $0x11;
	s7 =	sadd.s32 @!p0 $0x11B8D, s7;
	_ =	swait.eq @!p0 [sflag:s6], $0x1  }
0xb2: {  	s5 =	sor.u32 @!p0 s5, s7;
	[sflag:s6] =	ssyncadd.s32 @!p0 $0xFFFFFFFF  }
0xb3: {  	s25 =	simm.s32 $0x1B8E;
	s24 =	sld [smem:$0x3FFE];
	[sflag:s5] =	ssyncadd.remote.s32 @!p0 $0x1  }
0xb4: {  	s26 =	simm.s32 $execute0_lowered;
	[smem:$0x3FD2] =	sst s25  }
0xb5: {  	s6 =	sshll.u32 s26, $0x1;
	_ =	strace $0x80000049;
	[dreg:$0x1] =	wrdreg $0xFFFFFFFF  }
0xb6: {  	s28 =	simm.s32 $_size_execute0_lowered;
	s4 =	sadd.s32 s4, s6;
	[dreg:$0x0] =	wrdreg $0x0  }
0xb7: {  	s6 =	sshll.u32 s28, $0x1;
	[dreg:$0x2] =	wrdreg s4  }
0xb8: {  	[dreg:$0x3] =	wrdreg s6  }
0xb9: {  	[dreg:$0x4] =	wrdreg $0xC0  }
0xba: {  	_ =	task [dreg:s22], $0x5FFFF  }
0xbb: {  	[dreg:$0x1] =	wrdreg $0xFFFFFFFF  }
0xbc: {  	[dreg:$0x0] =	wrdreg $0x60  }
0xbd: {  	[dreg:$0x2] =	wrdreg s18  }
0xbe: {  	[dreg:$0x3] =	wrdreg s24  }
0xbf: {  	[dreg:$0x4] =	wrdreg $0xB7800  }
0xc0: {  	[dreg:$0x5] =	wrdreg $0xA  }
0xc1: {  	_ =	task.clear_ibuf [dreg:s22], $0x6FFFF;
	_ =	strace $0x90000049  }
0xc2: {  	s29 =	simm.s32 $0xA;
	_ =	strace $0x8000004B  }
0xc3: {  	_ =	swait.ge [sflag:s29], $0x1  }
0xc4: {  	[sflag:s29] =	ssyncadd.s32 $0xFFFFFFFF  }
0xc5: {  	_ =	strace $0x9000004B  }
0xc6: {  	_ =	sfence  }
0xc7: {  	s30 =	sld [smem:$0x0];
	_ =	sdelay $0x2  }
0xc8: {  	s31 =	sshll.u32 s1, $0xD;
	s1 =	sshrl.u32 s1, $0x2  }
0xc9: {  	s4 =	sand.u32 $0x4000, s31;
	s1 =	sadd.s32 s1, s30  }
0xca: {  	s0 =	sor.u32 s4, s0;
	s1 =	sshll.u32 s1, $0x11  }
0xcb: {  	s0 =	sor.u32 s1, s0  }
0xcc: {  	s0 =	sadd.s32 $0x8F2B, s0  }
0xcd: {  	[sflag:s0] =	ssyncadd.remote.s32 $0x1  }
0xce: {  	_ =	sfence.sel $0xFFFF  }
0xcf: {  	[dreg:$0x0] =	wrdreg $0xFFFFFFFF;
	(pc) =	sbr.abs _section_cstart, $3  }
0xd0: {  	[dreg:$0x1] =	wrdreg $0xFFFFFFFF  }
0xd1: {  	_ =	task.clear_ibuf [dreg:s22], $0x2FFFF;
	_ =	strace $0x9FFFFFFF  }
0xd2: {  	(tm) =	ssettm $0x7FFFFFFF  }
0xd3: {  	_ =	shalt  }
tec
execute0_lowered:
.L_overlay_start_1:
0x0: {  	(tag) =	ssettag $0x1  }
0x1: {  	s1 =	rddreg [dreg:$0x0];
	s2 =	srdreg.scid  }
0x2: {  	s0 =	stileid.u32;
	s5 =	rddreg [dreg:$0x1]  }
0x3: {  	s3 =	rddreg [dreg:$0x2];
	s4 =	simm.s32 $0x0;
	s14 =	simm.s32 $0x6780  }
0x4: {  	s15 =	simm.s32 $0x8F80;
	s16 =	simm.s32 $0x1;
	s17 =	simm.s32 $0x2  }
0x5: {  	s18 =	simm.s32 $0x26C0;
	s19 =	simm.s32 $0x6580;
	s20 =	simm.s32 $0x0  }
0x6: {  	s6 =	sand.u32 $0x1, s2;
	s2 =	rddreg [dreg:$0x3];
	s9 =	smul.u32 $0x14000, s0  }
0x7: {  	s29 =	sshll.u32 s0, $0x1;
	[smem:$0x7FF] =	sst s4;
	s30 =	smul.u32 $0x50000, s0  }
0x8: {  	s31 =	sshll.u32 s0, $0x6;
	s7 =	sor.u32 s6, s29;
	s10 =	smul.u32 $0x140000, s6  }
0x9: {  	_ =	strace $0x8000004A;
	s6 =	ssub.s32 $0x2, s6;
	s8 =	smul.u32 $0x4E2, s7  }
0xa: {  	s7 =	sshll.u32 s7, $0xB;
	s11 =	sshrl.u32 s9, $0x3;
	s12 =	sshrl.u32 s6, $0x1  }
0xb: {  	s7 =	sadd.s32 s7, s5;
	s9 =	sadd.s32 s9, s10;
	s11 =	sadd.s32 s11, s5  }
0xc: {  	s12 =	ssub.s32 s6, s12;
	s10 =	sshrl.u32 s30, $0x2;
	s8 =	sadd.s32 s8, s5  }
0xd: {  	s9 =	sshrl.u32 s9, $0x3;
	s6 =	sadd.s32 $0xE000, s7;
	s13 =	sadd.s32 s10, s3  }
0xe: {  	s7 =	sadd.s32 $0x1E000, s11;
	s10 =	simm.s32 $0x3;
	s9 =	sadd.s32 s9, s5  }
0xf: {  	s11 =	sor.u32 $0x1C03, s31;
	s5 =	sadd.s32 $0x4200, s8;
	s8 =	sadd.s32 $0x96000, s9  }
0x10: {  	s9 =	smax.u32 s12, $0x1;
	s12 =	sshrl.u32 s13, $0x3;
	s13 =	simm.s32 $0x50  }
.LBB2_1:
0x11: {  	[tilespmem:s4], [sflag:$0x3] =	stream.linear.gather [hbm4b:s5+s4], $0x2710, $0x38;
	[tilespmem:$0x1F780] =	vst v63  }
0x12: {  	_ =	swait.ge [sflag:s10], $0x2710  }
0x13: {  	[sflag:s10] =	ssyncset.done $0x0  }
0x14: {  	s21 =	simm.s32 $0x2780;
	[sflag:s10] =	ssyncadd.s32 $0xFFFFD8F0  }
0x15: {  	[tilespmem:s21], [sflag:$0x3] =	stream.linear.gather [hbm4b:s6+s4], $0x3E80, $0x38;
	[tilespmem:$0x1F780] =	vst v63  }
0x16: {  	_ =	swait.ge [sflag:s10], $0x3E80  }
0x17: {  	[sflag:s10] =	ssyncset.done $0x0  }
0x18: {  	[sflag:s10] =	ssyncadd.s32 $0xFFFFC180  }
0x19: {  	[spmem:s12], [sflag:s11] =	dma.local [hbm:s7], $0x2800  }
0x1a: {  	_ =	swait.ge [sflag:s10], $0x2800  }
0x1b: {  	[sflag:s10] =	ssyncset.done $0x0  }
0x1c: {  	[sflag:s10] =	ssyncadd.s32 $0xFFFFD800  }
0x1d: {  	s22 =	simm.s32 $0x0;
	[bflag:$0x0] =	sbarrier.arrive $0xFFFF  }
0x1e: {  	[tilespmem:s14], [sflag:$0x1] =	stream.indirect.gather [hbm4b:s1+s13], $0x80, s22, s13, $0xb8;
	[tilespmem:$0x1F780] =	vst v63  }
0x1f: {  	s30 =	simm.s32 $0x50  }
0x20: {  	[tilespmem:s15], [sflag:$0x2] =	stream.indirect.gather [hbm4b:s1+s13], $0x80, s30, s13, $0xb8;
	[tilespmem:$0x1F780] =	vst v63  }
0x21: {  	_ =	swait.ge [sflag:s16], $0x2800  }
0x22: {  	[sflag:s16] =	ssyncset.done $0x0  }
0x23: {  	[sflag:s16] =	ssyncadd.s32 $0xFFFFD800  }
0x24: {  	[spmem:s3] =	stream.indirect.scatter.add.f32 [tilespmem:s14], [sflag:$0x3], $0x80, s21, s13, $0xb8;
	[tilespmem:$0x1F780] =	vst v63  }
0x25: {  	_ =	swait.ge [sflag:s10], $0x2800  }
0x26: {  	[sflag:s10] =	ssyncset.done $0x0  }
0x27: {  	[sflag:s10] =	ssyncadd.s32 $0xFFFFD800  }
0x28: {  	_ =	swait.ge [sflag:s17], $0x2800  }
0x29: {  	[sflag:s17] =	ssyncset.done $0x0  }
0x2a: {  	s31 =	simm.s32 $0x2800;
	[sflag:s17] =	ssyncadd.s32 $0xFFFFD800  }
0x2b: {  	[spmem:s3] =	stream.indirect.scatter.add.f32 [tilespmem:s15], [sflag:$0x3], $0x80, s31, s13, $0xb8;
	[tilespmem:$0x1F780] =	vst v63  }
0x2c: {  	s23 =	simm.s32 $0x500;
	_ =	swait.ge [sflag:s10], $0x2800  }
0x2d: {  	s22 =	simm.s32 $0x280;
	s21 =	simm.s32 $0x2880;
	[sflag:s10] =	ssyncset.done $0x0  }
.LBB2_2:
0x2e: {  	s24 =	sshra.s32 s22, $0x2  }
0x2f: {  	[sflag:s10] =	ssyncadd.s32 $0xFFFFD800;
	s22 =	smov.u32 s23;
	s25 =	sadd.s32 $0x280, s23  }
0x30: {  	[tilespmem:s14], [sflag:$0x1] =	stream.indirect.gather [hbm4b:s1+s13], $0x80, s24, s13, $0xb8;
	[tilespmem:$0x1F780] =	vst v63  }
0x31: {  	p0 =	sne.s32 s23, $0x9880;
	s23 =	sadd.s32 $0x50, s24  }
0x32: {  	[tilespmem:s15], [sflag:$0x2] =	stream.indirect.gather [hbm4b:s1+s13], $0x80, s23, s13, $0xb8;
	[tilespmem:$0x1F780] =	vst v63  }
0x33: {  	_ =	swait.ge [sflag:s16], $0x2800  }
0x34: {  	[sflag:s16] =	ssyncset.done $0x0  }
0x35: {  	[sflag:s16] =	ssyncadd.s32 $0xFFFFD800  }
0x36: {  	[spmem:s3] =	stream.indirect.scatter.add.f32 [tilespmem:s14], [sflag:$0x3], $0x80, s21, s13, $0xb8;
	[tilespmem:$0x1F780] =	vst v63  }
0x37: {  	_ =	swait.ge [sflag:s10], $0x2800  }
0x38: {  	[sflag:s10] =	ssyncset.done $0x0  }
0x39: {  	[sflag:s10] =	ssyncadd.s32 $0xFFFFD800  }
0x3a: {  	_ =	swait.ge [sflag:s17], $0x2800  }
.Ltmp0:
0x3b: {  	[sflag:s17] =	ssyncset.done $0x0;
	(pc) =	sbr.rel @p0 .LBB2_2-.Ltmp0, $4  }
0x3c: {  	s23 =	sadd.s32 $0x80, s21;
	[sflag:s17] =	ssyncadd.s32 $0xFFFFD800  }
0x3d: {  	[spmem:s3] =	stream.indirect.scatter.add.f32 [tilespmem:s15], [sflag:$0x3], $0x80, s23, s13, $0xb8;
	[tilespmem:$0x1F780] =	vst v63  }
0x3e: {  	_ =	swait.ge [sflag:s10], $0x2800  }
0x3f: {  	s21 =	sadd.s32 $0x100, s21;
	s23 =	smov.u32 s25;
	[sflag:s10] =	ssyncset.done $0x0  }
0x40: {  	s22 =	sshra.s32 s22, $0x2;
	[sflag:s10] =	ssyncadd.s32 $0xFFFFD800  }
0x41: {  	[tilespmem:s14], [sflag:$0x1] =	stream.indirect.gather [hbm4b:s1+s13], $0x80, s22, s13, $0xb8;
	[tilespmem:$0x1F780] =	vst v63  }
0x42: {  	s22 =	sadd.s32 $0x50, s22  }
0x43: {  	[tilespmem:s15], [sflag:$0x2] =	stream.indirect.gather [hbm4b:s1+s13], $0x80, s22, s13, $0xb8;
	[tilespmem:$0x1F780] =	vst v63  }
0x44: {  	_ =	swait.ge [sflag:s16], $0x2800  }
0x45: {  	[sflag:s16] =	ssyncset.done $0x0  }
0x46: {  	[sflag:s16] =	ssyncadd.s32 $0xFFFFD800  }
0x47: {  	[spmem:s3] =	stream.indirect.scatter.add.f32 [tilespmem:s14], [sflag:$0x3], $0x80, s21, s13, $0xb8;
	[tilespmem:$0x1F780] =	vst v63  }
0x48: {  	_ =	swait.ge [sflag:s10], $0x2800  }
0x49: {  	[sflag:s10] =	ssyncset.done $0x0  }
0x4a: {  	[sflag:s10] =	ssyncadd.s32 $0xFFFFD800  }
0x4b: {  	_ =	swait.ge [sflag:s17], $0x2800  }
0x4c: {  	[sflag:s17] =	ssyncset.done $0x0  }
0x4d: {  	s31 =	sadd.s32 $0x80, s21;
	[sflag:s17] =	ssyncadd.s32 $0xFFFFD800  }
0x4e: {  	[spmem:s3] =	stream.indirect.scatter.add.f32 [tilespmem:s15], [sflag:$0x3], $0x80, s31, s13, $0xb8;
	[tilespmem:$0x1F780] =	vst v63  }
0x4f: {  	_ =	swait.ge [sflag:s10], $0x2800  }
0x50: {  	[sflag:s10] =	ssyncset.done $0x0  }
0x51: {  	[sflag:s10] =	ssyncadd.s32 $0xFFFFD800  }
0x52: {  	[tilespmem:s14], [sflag:$0x1] =	stream.indirect.gather [hbm4b:s1+s13], $0x80, s18, s13, $0xb8;
	[tilespmem:$0x1F780] =	vst v63  }
0x53: {  	_ =	swait.ge [sflag:s16], $0x2800  }
0x54: {  	[sflag:s16] =	ssyncset.done $0x0  }
0x55: {  	[sflag:s16] =	ssyncadd.s32 $0xFFFFD800  }
0x56: {  	[spmem:s3] =	stream.indirect.scatter.add.f32 [tilespmem:s14], [sflag:$0x3], $0x80, s19, s13, $0xb8;
	[tilespmem:$0x1F780] =	vst v63  }
0x57: {  	_ =	swait.ge [sflag:s10], $0x2800  }
0x58: {  	s20 =	sadd.s32 $0x1, s20;
	[sflag:s10] =	ssyncset.done $0x0  }
0x59: {  	p0 =	sne.s32 s20, s9;
	[sflag:s10] =	ssyncadd.s32 $0xFFFFD800  }
.Ltmp1:
0x5a: {  	[bflag:$0x0] =	sbarrier.arrive $0xFFFF;
	(pc) =	sbr.rel @p0 .LBB2_1-.Ltmp1, $4  }
0x5b: {  	[hbm:s8], [sflag:s11] =	dma.local [spmem:s12], $0x2800  }
0x5c: {  	_ =	swait.ge [sflag:s10], $0x2800  }
0x5d: {  	[sflag:s10] =	ssyncset.done $0x0  }
0x5e: {  	[sflag:s10] =	ssyncadd.s32 $0xFFFFD800  }
0x5f: {  	_ =	sfence.sel $0x180000  }
0x60: {  	[bflag:$0x0] =	sbarrier.arrive $0xFFFF  }
0x61: {  	p0 =	sne.s32 s0, $0x0;
	_ =	strace $0x9000004A  }
0x62: {  	s0 =	sadd.s32 @!p0 $0x100000, s2;
	[bflag:$0x2] =	sbarrier.arrive $0xFFFF  }
0x63: {  	[sflag:s0] =	ssyncadd.tile.s32 @!p0 $0x1;
	_ =	shalt  }
.Lfunc_end2:
_tile_overlayer_lowered:
.L_overlay_start_2:
0x64: {  	(tag) =	ssettag $0x2  }
0x65: {  	s0 =	rddreg [dreg:$0x0];
	s2 =	stileid.u32  }
0x66: {  	s1 =	rddreg [dreg:$0x1];
	p0 =	sne.s32 s2, $0x0  }
0x67: {  	s3 =	rddreg [dreg:$0x2];
	[bflag:$0x3] =	sbarrier.arrive $0xFFFF;
	s2 =	simm.s32 @!p0 $0x1C03  }
0x68: {  	[timem:s3], [sflag:s2] =	dma.local @!p0 [hbm:s0], s1  }
0x69: {  	s0 =	simm.s32 @!p0 $0x3  }
0x6a: {  	_ =	swait.ge @!p0 [sflag:s0], s1  }
0x6b: {  	s1 =	ssub.s32 @!p0 $0x0, s1;
	[sflag:s0] =	ssyncset.done @!p0 $0x0  }
0x6c: {  	[sflag:s0] =	ssyncadd.s32 @!p0 s1  }
0x6d: {  	[bflag:$0x3] =	sbarrier.arrive $0xFFFF  }
0x6e: {  	_ =	shalt  }

// kernel: kernel.17.cloned.1.call-start
scs
__scs_entry_jumppad:
0x0: {  	(pc) =	sbr.rel $0x88, $3  }
0x1: {  	(tag) =	ssettag $0x0;
	lr =	simm.s32 $0x1  }
0x2: {  	[smem:$0x3F92] =	sst lr;
	_ =	strace $0xD0000000  }
0x3: {  	_ = 	snop  }
0x4: {  	_ = 	snop  }
0x5: {  	_ = 	snop  }
0x6: {  	_ = 	snop  }
0x7: {  	_ = 	snop  }
__scs_overlays_trampoline_lowered:
0x8: {  	[smem:$0x3FA1] =	sst s0  }
0x9: {  	[smem:$0x3FA2] =	sst s1  }
0xa: {  	[smem:$0x3FA3] =	sst s2  }
0xb: {  	[smem:$0x3FA4] =	sst s3  }
0xc: {  	[smem:$0x3FA5] =	sst s4  }
0xd: {  	[smem:$0x3FA6] =	sst s5  }
0xe: {  	[smem:$0x3FA7] =	sst s6  }
0xf: {  	[smem:$0x3FA8] =	sst s7  }
0x10: {  	[smem:$0x3FA9] =	sst s8  }
0x11: {  	[smem:$0x3FAA] =	sst s9;
	s0 =	simm.s32 @!p0 $0x0  }
0x12: {  	s1 =	sld [smem:$0x3F90];
	s0 =	simm.s32 @p0 $0x1  }
0x13: {  	[smem:$0x3FAB] =	sst s0;
	s0 =	simm.s32 @!p1 $0x0  }
0x14: {  	s2 =	sld [smem:$0x3F8F];
	s0 =	simm.s32 @p1 $0x1  }
0x15: {  	[smem:$0x3FAC] =	sst s0;
	s0 =	simm.s32 @!p2 $0x0  }
0x16: {  	s3 =	sld [smem:$0x3FDB];
	s0 =	simm.s32 @p2 $0x1  }
0x17: {  	s4 =	simm.s32 $0x1BF5;
	[smem:$0x3FAE] =	sst s0  }
0x18: {  	s0 =	sld [smem:$0x3F91];
	_ =	swait.ge [sflag:s4], $0x0  }
0x19: {  	s7 =	sld [smem:$0x3F92]  }
0x1a: {  	s8 =	sadd.s32 $0xFFFFE003, lr  }
0x1b: {  	s9 =	sadd.s32 $0xFFFFFEF7, lr;
	s5 =	simm.s32 $0xFFFFFFFF;
	p2 =	slt.u32 s8, $0xFFFFF086  }
0x1c: {  	p1 =	slt.u32 s9, $0xF7A;
	s5 =	simm.s32 @!p2 $0x0  }
0x1d: {  	s5 =	simm.s32 @p1 $0x1;
	p0 =	seq.s32 s7, s2  }
0x1e: {  	s7 =	smul.u32 @!p0 $0xF7A, s2;
	p2 =	seq.s32 @!p0 s5, $0x0  }
0x1f: {  	s9 =	smul.u32 $0xF7A, s1;
	s8 =	simm.s32 @!p0 $0x1BF5;
	p2 =	por !p2, p0  }
0x20: {  	[sflag:s8] =	ssyncset.s32 @!p0 $0xFFFFF086;
	s6 =	sadd.s32 @!p0 s3, s7;
	s7 =	simm.s32 @!p0 $0x108  }
0x21: {  	s3 =	sadd.s32 s3, s9;
	s6 =	sadd.s32 @!p0 $0x88, s6;
	s7 =	simm.s32 @p2 $0x1082  }
0x22: {  	[simem:s7], [sflag:s8] =	dma.local @!p0 [hbm:s6], $0xF7A  }
0x23: {  	s9 =	sor.u32 $0xD0000000, s2;
	s6 =	simm.s32 $0x108;
	_ =	swait.ge @!p0 [sflag:s8], $0x0  }
0x24: {  	s3 =	sadd.s32 $0x88, s3;
	s6 =	simm.s32 @!p1 $0x1082;
	[sflag:s4] =	ssyncset.s32 $0xFFFFF086  }
0x25: {  	[simem:s6], [sflag:s4] =	dma.local [hbm:s3], $0xF7A  }
0x26: {  	[smem:$0x3F92] =	sst s1;
	(tag) =	ssettag s2;
	_ =	strace s9  }
0x27: {  	s1 =	sld [smem:$0x3FA2]  }
0x28: {  	s2 =	sld [smem:$0x3FA3]  }
0x29: {  	s4 =	sld [smem:$0x3FA5]  }
0x2a: {  	p0 =	seq.s32 s5, $0x0;
	s5 =	sld [smem:$0x3FA6]  }
0x2b: {  	s6 =	sld [smem:$0x3FA7]  }
0x2c: {  	s7 =	sld [smem:$0x3FA8]  }
0x2d: {  	s3 =	simm.s32 $0x108;
	s8 =	sld [smem:$0x3FA9]  }
0x2e: {  	s3 =	simm.s32 @!p0 $0x1082;
	s9 =	sld [smem:$0x3FAA]  }
0x2f: {  	lr =	sadd.s32 s0, s3;
	s0 =	sld [smem:$0x3FA1]  }
0x30: {  	s3 =	sld [smem:$0x3FA4]  }
0x31: {  	[smem:$0x3FAD] =	sst s10  }
0x32: {  	s10 =	sld [smem:$0x3FAB];
	_ =	sdelay $0x3  }
0x33: {  	p0 =	seq.s32 s10, $0x1;
	s10 =	sld [smem:$0x3FAD];
	_ =	sdelay $0x3  }
0x34: {  	[smem:$0x3FAD] =	sst s10  }
0x35: {  	s10 =	sld [smem:$0x3FAC];
	_ =	sdelay $0x3  }
0x36: {  	p1 =	seq.s32 s10, $0x1;
	s10 =	sld [smem:$0x3FAD];
	_ =	sdelay $0x3  }
0x37: {  	[smem:$0x3FAD] =	sst s10  }
0x38: {  	s10 =	sld [smem:$0x3FAE]  }
0x39: {  	_ = 	snop;
	(pc) =	sbr.ind lr, $3  }
0x3a: {  	_ = 	snop  }
0x3b: {  	_ = 	snop  }
0x3c: {  	p2 =	seq.s32 s10, $0x1;
	s10 =	sld [smem:$0x3FAD]  }
0x3d: {  	_ =	shalt  }
0x3e: {  	_ =	shalt  }
0x3f: {  	_ =	shalt  }
0x40: {  	_ =	shalt  }
0x41: {  	_ =	shalt  }
0x42: {  	_ =	shalt  }
0x43: {  	_ =	shalt  }
0x44: {  	_ =	shalt  }
0x45: {  	_ =	shalt  }
0x46: {  	_ =	shalt  }
0x47: {  	_ =	shalt  }
0x48: {  	_ =	shalt  }
0x49: {  	_ =	shalt  }
0x4a: {  	_ =	shalt  }
0x4b: {  	_ =	shalt  }
0x4c: {  	_ =	shalt  }
0x4d: {  	_ =	shalt  }
0x4e: {  	_ =	shalt  }
0x4f: {  	_ =	shalt  }
0x50: {  	_ =	shalt  }
0x51: {  	_ =	shalt  }
0x52: {  	_ =	shalt  }
0x53: {  	_ =	shalt  }
0x54: {  	_ =	shalt  }
0x55: {  	_ =	shalt  }
0x56: {  	_ =	shalt  }
0x57: {  	_ =	shalt  }
0x58: {  	_ =	shalt  }
0x59: {  	_ =	shalt  }
0x5a: {  	_ =	shalt  }
0x5b: {  	_ =	shalt  }
0x5c: {  	_ =	shalt  }
0x5d: {  	_ =	shalt  }
0x5e: {  	_ =	shalt  }
0x5f: {  	_ =	shalt  }
0x60: {  	_ =	shalt  }
0x61: {  	_ =	shalt  }
0x62: {  	_ =	shalt  }
0x63: {  	_ =	shalt  }
0x64: {  	_ =	shalt  }
0x65: {  	_ =	shalt  }
0x66: {  	_ =	shalt  }
0x67: {  	_ =	shalt  }
0x68: {  	_ =	shalt  }
0x69: {  	_ =	shalt  }
0x6a: {  	_ =	shalt  }
0x6b: {  	_ =	shalt  }
0x6c: {  	_ =	shalt  }
0x6d: {  	_ =	shalt  }
0x6e: {  	_ =	shalt  }
0x6f: {  	_ =	shalt  }
0x70: {  	_ =	shalt  }
0x71: {  	_ =	shalt  }
0x72: {  	_ =	shalt  }
0x73: {  	_ =	shalt  }
0x74: {  	_ =	shalt  }
0x75: {  	_ =	shalt  }
0x76: {  	_ =	shalt  }
0x77: {  	_ =	shalt  }
0x78: {  	_ =	shalt  }
0x79: {  	_ =	shalt  }
0x7a: {  	_ =	shalt  }
0x7b: {  	_ =	shalt  }
0x7c: {  	_ =	shalt  }
0x7d: {  	_ =	shalt  }
0x7e: {  	_ =	shalt  }
0x7f: {  	_ =	shalt  }
0x80: {  	_ =	shalt  }
0x81: {  	_ =	shalt  }
0x82: {  	_ =	shalt  }
0x83: {  	_ =	shalt  }
0x84: {  	_ =	shalt  }
0x85: {  	_ =	shalt  }
0x86: {  	_ =	shalt  }
0x87: {  	_ =	shalt  }
.Lfunc_end0:
.L_simem_size_0:
called_computation.2_lowered:
.L_overlay_start_0:
0x88: {  	s2 =	sld [smem:$0x3FD9]  }
0x89: {  	s3 =	sld [smem:$0x3FFE];
	_ =	sdelay $0x1  }
0x8a: {  	s1 =	srdreg.scid  }
0x8b: {  	s0 =	sand.u32 $0x1, s1  }
0x8c: {  	s17 =	sshll.u32 s0, $0xA;
	s2 =	sadd.s32 s3, s2  }
0x8d: {  	s2 =	sadd.s32 s2, s17  }
0x8e: {  	[smem:$0x3FB9] =	sst s2  }
0x8f: {  	_ = 	snop  }
0x90: {  	s2 =	sld [smem:$0x3FD0];
	(tm) =	ssettm $0x1  }
0x91: {  	s18 =	sld [smem:$0x3FFB];
	_ =	sdelay $0x3  }
0x92: {  	_ =	strace s18  }
0x93: {  	s3 =	sld [smem:$0x3FFC];
	_ =	sdelay $0x3  }
0x94: {  	_ =	strace s3  }
0x95: {  	s3 =	sld [smem:$0x3FFD];
	_ =	sdelay $0x3  }
0x96: {  	_ =	strace s3  }
0x97: {  	_ =	strace $0x8FFFFFFF  }
0x98: {  	s19 =	sld [smem:$0x3FDB];
	_ =	sdelay $0x1  }
0x99: {  	s4 =	simm.s32 $_scs_section_size  }
0x9a: {  	s5 =	simm.s32 $_size__tile_overlayer_lowered;
	s6 =	simm.s32 $_tile_overlayer_lowered  }
0x9b: {  	s22 =	simm.s32 $0x1BFF;
	s21 =	sshll.u32 s6, $0x1;
	s3 =	sadd.s32 s4, s19  }
0x9c: {  	s7 =	simm.s32 $0x0;
	s20 =	sshll.u32 s5, $0x1;
	s5 =	sadd.s32 s21, s3  }
0x9d: {  	[timem:s7], [sflag:s22] =	dma.local [hbm:s5], s20  }
0x9e: {  	_ =	swait.ge [sflag:s22], s20  }
0x9f: {  	s4 =	ssub.s32 $0x0, s20;
	[sflag:s22] =	ssyncset.done $0x0  }
0xa0: {  	[sflag:s22] =	ssyncadd.s32 s4;
	_ =	sdelay $0x1  }
0xa1: {  	s23 =	simm.s32 $0x1B8B  }
0xa2: {  	_ =	swait.ge [sflag:s23], $0x1  }
0xa3: {  	[sflag:s23] =	ssyncset.done $0x0  }
0xa4: {  	s25 =	simm.s32 $0x1B8E;
	s24 =	sld [smem:$0x3FFE];
	[sflag:s23] =	ssyncadd.s32 $0xFFFFFFFF  }
0xa5: {  	s26 =	simm.s32 $execute0_lowered;
	[smem:$0x3FD2] =	sst s25  }
0xa6: {  	s5 =	sshll.u32 s26, $0x1;
	_ =	strace $0x8000004C;
	[dreg:$0x1] =	wrdreg $0xFFFFFFFF  }
0xa7: {  	s28 =	simm.s32 $_size_execute0_lowered;
	s3 =	sadd.s32 s3, s5;
	[dreg:$0x0] =	wrdreg $0x0  }
0xa8: {  	s5 =	sshll.u32 s28, $0x1;
	[dreg:$0x2] =	wrdreg s3  }
0xa9: {  	[dreg:$0x3] =	wrdreg s5  }
0xaa: {  	[dreg:$0x4] =	wrdreg $0xC0  }
0xab: {  	_ =	task [dreg:s7], $0x5FFFF  }
0xac: {  	[dreg:$0x1] =	wrdreg $0xFFFFFFFF  }
0xad: {  	[dreg:$0x0] =	wrdreg $0x60  }
0xae: {  	[dreg:$0x2] =	wrdreg s2  }
0xaf: {  	[dreg:$0x3] =	wrdreg s24  }
0xb0: {  	[dreg:$0x4] =	wrdreg $0xB7800  }
0xb1: {  	[dreg:$0x5] =	wrdreg $0x9  }
0xb2: {  	_ =	task.clear_ibuf [dreg:s7], $0x6FFFF;
	_ =	strace $0x9000004C  }
0xb3: {  	s29 =	simm.s32 $0x9;
	_ =	strace $0x8000004E  }
0xb4: {  	_ =	swait.ge [sflag:s29], $0x1  }
0xb5: {  	[sflag:s29] =	ssyncadd.s32 $0xFFFFFFFF  }
0xb6: {  	_ =	strace $0x9000004E  }
0xb7: {  	_ =	sfence  }
0xb8: {  	s30 =	sld [smem:$0x0];
	_ =	sdelay $0x2  }
0xb9: {  	s31 =	sshll.u32 s1, $0xD;
	s1 =	sshrl.u32 s1, $0x2  }
0xba: {  	s3 =	sand.u32 $0x4000, s31;
	s1 =	sadd.s32 s1, s30  }
0xbb: {  	s0 =	sor.u32 s3, s0;
	s1 =	sshll.u32 s1, $0x11  }
0xbc: {  	s0 =	sor.u32 s1, s0  }
0xbd: {  	s0 =	sadd.s32 $0x8F2B, s0  }
0xbe: {  	[sflag:s0] =	ssyncadd.remote.s32 $0x1  }
0xbf: {  	_ =	sfence.sel $0xFFFF  }
0xc0: {  	[dreg:$0x0] =	wrdreg $0xFFFFFFFF;
	(pc) =	sbr.abs _section_cstart, $3  }
0xc1: {  	[dreg:$0x1] =	wrdreg $0xFFFFFFFF  }
0xc2: {  	_ =	task.clear_ibuf [dreg:s7], $0x2FFFF;
	_ =	strace $0x9FFFFFFF  }
0xc3: {  	(tm) =	ssettm $0x7FFFFFFF  }
tec
execute0_lowered:
.L_overlay_start_1:
0x0: {  	(tag) =	ssettag $0x1  }
0x1: {  	s1 =	rddreg [dreg:$0x0];
	s2 =	srdreg.scid  }
0x2: {  	s0 =	stileid.u32;
	s5 =	rddreg [dreg:$0x1]  }
0x3: {  	s3 =	rddreg [dreg:$0x2];
	s4 =	simm.s32 $0x0;
	s14 =	simm.s32 $0x6780  }
0x4: {  	s15 =	simm.s32 $0x8F80;
	s16 =	simm.s32 $0x1;
	s17 =	simm.s32 $0x2  }
0x5: {  	s18 =	simm.s32 $0x26C0;
	s19 =	simm.s32 $0x6580;
	s20 =	simm.s32 $0x0  }
0x6: {  	s6 =	sand.u32 $0x1, s2;
	s2 =	rddreg [dreg:$0x3];
	s9 =	smul.u32 $0x14000, s0  }
0x7: {  	s29 =	sshll.u32 s0, $0x1;
	[smem:$0x7FF] =	sst s4;
	s30 =	smul.u32 $0x50000, s0  }
0x8: {  	s31 =	sshll.u32 s0, $0x6;
	s7 =	sor.u32 s6, s29;
	s10 =	smul.u32 $0x140000, s6  }
0x9: {  	_ =	strace $0x8000004D;
	s6 =	ssub.s32 $0x2, s6;
	s8 =	smul.u32 $0x4E2, s7  }
0xa: {  	s7 =	sshll.u32 s7, $0xB;
	s11 =	sshrl.u32 s9, $0x3;
	s12 =	sshrl.u32 s6, $0x1  }
0xb: {  	s7 =	sadd.s32 s7, s5;
	s9 =	sadd.s32 s9, s10;
	s11 =	sadd.s32 s11, s5  }
0xc: {  	s12 =	ssub.s32 s6, s12;
	s10 =	sshrl.u32 s30, $0x2;
	s8 =	sadd.s32 s8, s5  }
0xd: {  	s9 =	sshrl.u32 s9, $0x3;
	s6 =	sadd.s32 $0xE000, s7;
	s13 =	sadd.s32 s10, s3  }
0xe: {  	s7 =	sadd.s32 $0x1E000, s11;
	s10 =	simm.s32 $0x3;
	s9 =	sadd.s32 s9, s5  }
0xf: {  	s11 =	sor.u32 $0x1C03, s31;
	s5 =	sadd.s32 $0x4200, s8;
	s8 =	sadd.s32 $0x96000, s9  }
0x10: {  	s9 =	smax.u32 s12, $0x1;
	s12 =	sshrl.u32 s13, $0x3;
	s13 =	simm.s32 $0x50  }
.LBB2_1:
0x11: {  	[tilespmem:s4], [sflag:$0x3] =	stream.linear.gather [hbm4b:s5+s4], $0x2710, $0x38;
	[tilespmem:$0x1F780] =	vst v63  }
0x12: {  	_ =	swait.ge [sflag:s10], $0x2710  }
0x13: {  	[sflag:s10] =	ssyncset.done $0x0  }
0x14: {  	s21 =	simm.s32 $0x2780;
	[sflag:s10] =	ssyncadd.s32 $0xFFFFD8F0  }
0x15: {  	[tilespmem:s21], [sflag:$0x3] =	stream.linear.gather [hbm4b:s6+s4], $0x3E80, $0x38;
	[tilespmem:$0x1F780] =	vst v63  }
0x16: {  	_ =	swait.ge [sflag:s10], $0x3E80  }
0x17: {  	[sflag:s10] =	ssyncset.done $0x0  }
0x18: {  	[sflag:s10] =	ssyncadd.s32 $0xFFFFC180  }
0x19: {  	[spmem:s12], [sflag:s11] =	dma.local [hbm:s7], $0x2800  }
0x1a: {  	_ =	swait.ge [sflag:s10], $0x2800  }
0x1b: {  	[sflag:s10] =	ssyncset.done $0x0  }
0x1c: {  	[sflag:s10] =	ssyncadd.s32 $0xFFFFD800  }
0x1d: {  	s22 =	simm.s32 $0x0;
	[bflag:$0x0] =	sbarrier.arrive $0xFFFF  }
0x1e: {  	[tilespmem:s14], [sflag:$0x1] =	stream.indirect.gather [hbm4b:s1+s13], $0x80, s22, s13, $0xb8;
	[tilespmem:$0x1F780] =	vst v63  }
0x1f: {  	s30 =	simm.s32 $0x50  }
0x20: {  	[tilespmem:s15], [sflag:$0x2] =	stream.indirect.gather [hbm4b:s1+s13], $0x80, s30, s13, $0xb8;
	[tilespmem:$0x1F780] =	vst v63  }
0x21: {  	_ =	swait.ge [sflag:s16], $0x2800  }
0x22: {  	[sflag:s16] =	ssyncset.done $0x0  }
0x23: {  	[sflag:s16] =	ssyncadd.s32 $0xFFFFD800  }
0x24: {  	[spmem:s3] =	stream.indirect.scatter.add.f32 [tilespmem:s14], [sflag:$0x3], $0x80, s21, s13, $0xb8;
	[tilespmem:$0x1F780] =	vst v63  }
0x25: {  	_ =	swait.ge [sflag:s10], $0x2800  }
0x26: {  	[sflag:s10] =	ssyncset.done $0x0  }
0x27: {  	[sflag:s10] =	ssyncadd.s32 $0xFFFFD800  }
0x28: {  	_ =	swait.ge [sflag:s17], $0x2800  }
0x29: {  	[sflag:s17] =	ssyncset.done $0x0  }
0x2a: {  	s31 =	simm.s32 $0x2800;
	[sflag:s17] =	ssyncadd.s32 $0xFFFFD800  }
0x2b: {  	[spmem:s3] =	stream.indirect.scatter.add.f32 [tilespmem:s15], [sflag:$0x3], $0x80, s31, s13, $0xb8;
	[tilespmem:$0x1F780] =	vst v63  }
0x2c: {  	s23 =	simm.s32 $0x500;
	_ =	swait.ge [sflag:s10], $0x2800  }
0x2d: {  	s22 =	simm.s32 $0x280;
	s21 =	simm.s32 $0x2880;
	[sflag:s10] =	ssyncset.done $0x0  }
.LBB2_2:
0x2e: {  	s24 =	sshra.s32 s22, $0x2  }
0x2f: {  	[sflag:s10] =	ssyncadd.s32 $0xFFFFD800;
	s22 =	smov.u32 s23;
	s25 =	sadd.s32 $0x280, s23  }
0x30: {  	[tilespmem:s14], [sflag:$0x1] =	stream.indirect.gather [hbm4b:s1+s13], $0x80, s24, s13, $0xb8;
	[tilespmem:$0x1F780] =	vst v63  }
0x31: {  	p0 =	sne.s32 s23, $0x9880;
	s23 =	sadd.s32 $0x50, s24  }
0x32: {  	[tilespmem:s15], [sflag:$0x2] =	stream.indirect.gather [hbm4b:s1+s13], $0x80, s23, s13, $0xb8;
	[tilespmem:$0x1F780] =	vst v63  }
0x33: {  	_ =	swait.ge [sflag:s16], $0x2800  }
0x34: {  	[sflag:s16] =	ssyncset.done $0x0  }
0x35: {  	[sflag:s16] =	ssyncadd.s32 $0xFFFFD800  }
0x36: {  	[spmem:s3] =	stream.indirect.scatter.add.f32 [tilespmem:s14], [sflag:$0x3], $0x80, s21, s13, $0xb8;
	[tilespmem:$0x1F780] =	vst v63  }
0x37: {  	_ =	swait.ge [sflag:s10], $0x2800  }
0x38: {  	[sflag:s10] =	ssyncset.done $0x0  }
0x39: {  	[sflag:s10] =	ssyncadd.s32 $0xFFFFD800  }
0x3a: {  	_ =	swait.ge [sflag:s17], $0x2800  }
.Ltmp0:
0x3b: {  	[sflag:s17] =	ssyncset.done $0x0;
	(pc) =	sbr.rel @p0 .LBB2_2-.Ltmp0, $4  }
0x3c: {  	s23 =	sadd.s32 $0x80, s21;
	[sflag:s17] =	ssyncadd.s32 $0xFFFFD800  }
0x3d: {  	[spmem:s3] =	stream.indirect.scatter.add.f32 [tilespmem:s15], [sflag:$0x3], $0x80, s23, s13, $0xb8;
	[tilespmem:$0x1F780] =	vst v63  }
0x3e: {  	_ =	swait.ge [sflag:s10], $0x2800  }
0x3f: {  	s21 =	sadd.s32 $0x100, s21;
	s23 =	smov.u32 s25;
	[sflag:s10] =	ssyncset.done $0x0  }
0x40: {  	s22 =	sshra.s32 s22, $0x2;
	[sflag:s10] =	ssyncadd.s32 $0xFFFFD800  }
0x41: {  	[tilespmem:s14], [sflag:$0x1] =	stream.indirect.gather [hbm4b:s1+s13], $0x80, s22, s13, $0xb8;
	[tilespmem:$0x1F780] =	vst v63  }
0x42: {  	s22 =	sadd.s32 $0x50, s22  }
0x43: {  	[tilespmem:s15], [sflag:$0x2] =	stream.indirect.gather [hbm4b:s1+s13], $0x80, s22, s13, $0xb8;
	[tilespmem:$0x1F780] =	vst v63  }
0x44: {  	_ =	swait.ge [sflag:s16], $0x2800  }
0x45: {  	[sflag:s16] =	ssyncset.done $0x0  }
0x46: {  	[sflag:s16] =	ssyncadd.s32 $0xFFFFD800  }
0x47: {  	[spmem:s3] =	stream.indirect.scatter.add.f32 [tilespmem:s14], [sflag:$0x3], $0x80, s21, s13, $0xb8;
	[tilespmem:$0x1F780] =	vst v63  }
0x48: {  	_ =	swait.ge [sflag:s10], $0x2800  }
0x49: {  	[sflag:s10] =	ssyncset.done $0x0  }
0x4a: {  	[sflag:s10] =	ssyncadd.s32 $0xFFFFD800  }
0x4b: {  	_ =	swait.ge [sflag:s17], $0x2800  }
0x4c: {  	[sflag:s17] =	ssyncset.done $0x0  }
0x4d: {  	s31 =	sadd.s32 $0x80, s21;
	[sflag:s17] =	ssyncadd.s32 $0xFFFFD800  }
0x4e: {  	[spmem:s3] =	stream.indirect.scatter.add.f32 [tilespmem:s15], [sflag:$0x3], $0x80, s31, s13, $0xb8;
	[tilespmem:$0x1F780] =	vst v63  }
0x4f: {  	_ =	swait.ge [sflag:s10], $0x2800  }
0x50: {  	[sflag:s10] =	ssyncset.done $0x0  }
0x51: {  	[sflag:s10] =	ssyncadd.s32 $0xFFFFD800  }
0x52: {  	[tilespmem:s14], [sflag:$0x1] =	stream.indirect.gather [hbm4b:s1+s13], $0x80, s18, s13, $0xb8;
	[tilespmem:$0x1F780] =	vst v63  }
0x53: {  	_ =	swait.ge [sflag:s16], $0x2800  }
0x54: {  	[sflag:s16] =	ssyncset.done $0x0  }
0x55: {  	[sflag:s16] =	ssyncadd.s32 $0xFFFFD800  }
0x56: {  	[spmem:s3] =	stream.indirect.scatter.add.f32 [tilespmem:s14], [sflag:$0x3], $0x80, s19, s13, $0xb8;
	[tilespmem:$0x1F780] =	vst v63  }
0x57: {  	_ =	swait.ge [sflag:s10], $0x2800  }
0x58: {  	s20 =	sadd.s32 $0x1, s20;
	[sflag:s10] =	ssyncset.done $0x0  }
0x59: {  	p0 =	sne.s32 s20, s9;
	[sflag:s10] =	ssyncadd.s32 $0xFFFFD800  }
.Ltmp1:
0x5a: {  	[bflag:$0x0] =	sbarrier.arrive $0xFFFF;
	(pc) =	sbr.rel @p0 .LBB2_1-.Ltmp1, $4  }
0x5b: {  	[hbm:s8], [sflag:s11] =	dma.local [spmem:s12], $0x2800  }
0x5c: {  	_ =	swait.ge [sflag:s10], $0x2800  }
0x5d: {  	[sflag:s10] =	ssyncset.done $0x0  }
0x5e: {  	[sflag:s10] =	ssyncadd.s32 $0xFFFFD800  }
0x5f: {  	_ =	sfence.sel $0x180000  }
0x60: {  	[bflag:$0x0] =	sbarrier.arrive $0xFFFF  }
0x61: {  	p0 =	sne.s32 s0, $0x0;
	_ =	strace $0x9000004D  }
0x62: {  	s0 =	sadd.s32 @!p0 $0x100000, s2;
	[bflag:$0x2] =	sbarrier.arrive $0xFFFF  }
0x63: {  	[sflag:s0] =	ssyncadd.tile.s32 @!p0 $0x1;
	_ =	shalt  }
.Lfunc_end2:
_tile_overlayer_lowered:
.L_overlay_start_2:
0x64: {  	(tag) =	ssettag $0x2  }
0x65: {  	s0 =	rddreg [dreg:$0x0];
	s2 =	stileid.u32  }
0x66: {  	s1 =	rddreg [dreg:$0x1];
	p0 =	sne.s32 s2, $0x0  }
0x67: {  	s3 =	rddreg [dreg:$0x2];
	[bflag:$0x3] =	sbarrier.arrive $0xFFFF;
	s2 =	simm.s32 @!p0 $0x1C03  }
0x68: {  	[timem:s3], [sflag:s2] =	dma.local @!p0 [hbm:s0], s1  }
0x69: {  	s0 =	simm.s32 @!p0 $0x3  }
0x6a: {  	_ =	swait.ge @!p0 [sflag:s0], s1  }
0x6b: {  	s1 =	ssub.s32 @!p0 $0x0, s1;
	[sflag:s0] =	ssyncset.done @!p0 $0x0  }
0x6c: {  	[sflag:s0] =	ssyncadd.s32 @!p0 s1  }
0x6d: {  	[bflag:$0x3] =	sbarrier.arrive $0xFFFF  }
0x6e: {  	_ =	shalt  }

// kernel: kernel.20.cloned.1.call-start
scs
__scs_entry_jumppad:
0x0: {  	(pc) =	sbr.rel $0x88, $3  }
0x1: {  	(tag) =	ssettag $0x0;
	lr =	simm.s32 $0x1  }
0x2: {  	[smem:$0x3F92] =	sst lr;
	_ =	strace $0xD0000000  }
0x3: {  	_ = 	snop  }
0x4: {  	_ = 	snop  }
0x5: {  	_ = 	snop  }
0x6: {  	_ = 	snop  }
0x7: {  	_ = 	snop  }
__scs_overlays_trampoline_lowered:
0x8: {  	[smem:$0x3FA1] =	sst s0  }
0x9: {  	[smem:$0x3FA2] =	sst s1  }
0xa: {  	[smem:$0x3FA3] =	sst s2  }
0xb: {  	[smem:$0x3FA4] =	sst s3  }
0xc: {  	[smem:$0x3FA5] =	sst s4  }
0xd: {  	[smem:$0x3FA6] =	sst s5  }
0xe: {  	[smem:$0x3FA7] =	sst s6  }
0xf: {  	[smem:$0x3FA8] =	sst s7  }
0x10: {  	[smem:$0x3FA9] =	sst s8  }
0x11: {  	[smem:$0x3FAA] =	sst s9;
	s0 =	simm.s32 @!p0 $0x0  }
0x12: {  	s1 =	sld [smem:$0x3F90];
	s0 =	simm.s32 @p0 $0x1  }
0x13: {  	[smem:$0x3FAB] =	sst s0;
	s0 =	simm.s32 @!p1 $0x0  }
0x14: {  	s2 =	sld [smem:$0x3F8F];
	s0 =	simm.s32 @p1 $0x1  }
0x15: {  	[smem:$0x3FAC] =	sst s0;
	s0 =	simm.s32 @!p2 $0x0  }
0x16: {  	s3 =	sld [smem:$0x3FDB];
	s0 =	simm.s32 @p2 $0x1  }
0x17: {  	s4 =	simm.s32 $0x1BF5;
	[smem:$0x3FAE] =	sst s0  }
0x18: {  	s0 =	sld [smem:$0x3F91];
	_ =	swait.ge [sflag:s4], $0x0  }
0x19: {  	s7 =	sld [smem:$0x3F92]  }
0x1a: {  	s8 =	sadd.s32 $0xFFFFE003, lr  }
0x1b: {  	s9 =	sadd.s32 $0xFFFFFEF7, lr;
	s5 =	simm.s32 $0xFFFFFFFF;
	p2 =	slt.u32 s8, $0xFFFFF086  }
0x1c: {  	p1 =	slt.u32 s9, $0xF7A;
	s5 =	simm.s32 @!p2 $0x0  }
0x1d: {  	s5 =	simm.s32 @p1 $0x1;
	p0 =	seq.s32 s7, s2  }
0x1e: {  	s7 =	smul.u32 @!p0 $0xF7A, s2;
	p2 =	seq.s32 @!p0 s5, $0x0  }
0x1f: {  	s9 =	smul.u32 $0xF7A, s1;
	s8 =	simm.s32 @!p0 $0x1BF5;
	p2 =	por !p2, p0  }
0x20: {  	[sflag:s8] =	ssyncset.s32 @!p0 $0xFFFFF086;
	s6 =	sadd.s32 @!p0 s3, s7;
	s7 =	simm.s32 @!p0 $0x108  }
0x21: {  	s3 =	sadd.s32 s3, s9;
	s6 =	sadd.s32 @!p0 $0x88, s6;
	s7 =	simm.s32 @p2 $0x1082  }
0x22: {  	[simem:s7], [sflag:s8] =	dma.local @!p0 [hbm:s6], $0xF7A  }
0x23: {  	s9 =	sor.u32 $0xD0000000, s2;
	s6 =	simm.s32 $0x108;
	_ =	swait.ge @!p0 [sflag:s8], $0x0  }
0x24: {  	s3 =	sadd.s32 $0x88, s3;
	s6 =	simm.s32 @!p1 $0x1082;
	[sflag:s4] =	ssyncset.s32 $0xFFFFF086  }
0x25: {  	[simem:s6], [sflag:s4] =	dma.local [hbm:s3], $0xF7A  }
0x26: {  	[smem:$0x3F92] =	sst s1;
	(tag) =	ssettag s2;
	_ =	strace s9  }
0x27: {  	s1 =	sld [smem:$0x3FA2]  }
0x28: {  	s2 =	sld [smem:$0x3FA3]  }
0x29: {  	s4 =	sld [smem:$0x3FA5]  }
0x2a: {  	p0 =	seq.s32 s5, $0x0;
	s5 =	sld [smem:$0x3FA6]  }
0x2b: {  	s6 =	sld [smem:$0x3FA7]  }
0x2c: {  	s7 =	sld [smem:$0x3FA8]  }
0x2d: {  	s3 =	simm.s32 $0x108;
	s8 =	sld [smem:$0x3FA9]  }
0x2e: {  	s3 =	simm.s32 @!p0 $0x1082;
	s9 =	sld [smem:$0x3FAA]  }
0x2f: {  	lr =	sadd.s32 s0, s3;
	s0 =	sld [smem:$0x3FA1]  }
0x30: {  	s3 =	sld [smem:$0x3FA4]  }
0x31: {  	[smem:$0x3FAD] =	sst s10  }
0x32: {  	s10 =	sld [smem:$0x3FAB];
	_ =	sdelay $0x3  }
0x33: {  	p0 =	seq.s32 s10, $0x1;
	s10 =	sld [smem:$0x3FAD];
	_ =	sdelay $0x3  }
0x34: {  	[smem:$0x3FAD] =	sst s10  }
0x35: {  	s10 =	sld [smem:$0x3FAC];
	_ =	sdelay $0x3  }
0x36: {  	p1 =	seq.s32 s10, $0x1;
	s10 =	sld [smem:$0x3FAD];
	_ =	sdelay $0x3  }
0x37: {  	[smem:$0x3FAD] =	sst s10  }
0x38: {  	s10 =	sld [smem:$0x3FAE]  }
0x39: {  	_ = 	snop;
	(pc) =	sbr.ind lr, $3  }
0x3a: {  	_ = 	snop  }
0x3b: {  	_ = 	snop  }
0x3c: {  	p2 =	seq.s32 s10, $0x1;
	s10 =	sld [smem:$0x3FAD]  }
0x3d: {  	_ =	shalt  }
0x3e: {  	_ =	shalt  }
0x3f: {  	_ =	shalt  }
0x40: {  	_ =	shalt  }
0x41: {  	_ =	shalt  }
0x42: {  	_ =	shalt  }
0x43: {  	_ =	shalt  }
0x44: {  	_ =	shalt  }
0x45: {  	_ =	shalt  }
0x46: {  	_ =	shalt  }
0x47: {  	_ =	shalt  }
0x48: {  	_ =	shalt  }
0x49: {  	_ =	shalt  }
0x4a: {  	_ =	shalt  }
0x4b: {  	_ =	shalt  }
0x4c: {  	_ =	shalt  }
0x4d: {  	_ =	shalt  }
0x4e: {  	_ =	shalt  }
0x4f: {  	_ =	shalt  }
0x50: {  	_ =	shalt  }
0x51: {  	_ =	shalt  }
0x52: {  	_ =	shalt  }
0x53: {  	_ =	shalt  }
0x54: {  	_ =	shalt  }
0x55: {  	_ =	shalt  }
0x56: {  	_ =	shalt  }
0x57: {  	_ =	shalt  }
0x58: {  	_ =	shalt  }
0x59: {  	_ =	shalt  }
0x5a: {  	_ =	shalt  }
0x5b: {  	_ =	shalt  }
0x5c: {  	_ =	shalt  }
0x5d: {  	_ =	shalt  }
0x5e: {  	_ =	shalt  }
0x5f: {  	_ =	shalt  }
0x60: {  	_ =	shalt  }
0x61: {  	_ =	shalt  }
0x62: {  	_ =	shalt  }
0x63: {  	_ =	shalt  }
0x64: {  	_ =	shalt  }
0x65: {  	_ =	shalt  }
0x66: {  	_ =	shalt  }
0x67: {  	_ =	shalt  }
0x68: {  	_ =	shalt  }
0x69: {  	_ =	shalt  }
0x6a: {  	_ =	shalt  }
0x6b: {  	_ =	shalt  }
0x6c: {  	_ =	shalt  }
0x6d: {  	_ =	shalt  }
0x6e: {  	_ =	shalt  }
0x6f: {  	_ =	shalt  }
0x70: {  	_ =	shalt  }
0x71: {  	_ =	shalt  }
0x72: {  	_ =	shalt  }
0x73: {  	_ =	shalt  }
0x74: {  	_ =	shalt  }
0x75: {  	_ =	shalt  }
0x76: {  	_ =	shalt  }
0x77: {  	_ =	shalt  }
0x78: {  	_ =	shalt  }
0x79: {  	_ =	shalt  }
0x7a: {  	_ =	shalt  }
0x7b: {  	_ =	shalt  }
0x7c: {  	_ =	shalt  }
0x7d: {  	_ =	shalt  }
0x7e: {  	_ =	shalt  }
0x7f: {  	_ =	shalt  }
0x80: {  	_ =	shalt  }
0x81: {  	_ =	shalt  }
0x82: {  	_ =	shalt  }
0x83: {  	_ =	shalt  }
0x84: {  	_ =	shalt  }
0x85: {  	_ =	shalt  }
0x86: {  	_ =	shalt  }
0x87: {  	_ =	shalt  }
.Lfunc_end0:
.L_simem_size_0:
called_computation.3_lowered:
.L_overlay_start_0:
0x88: {  	s2 =	sld [smem:$0x3FD9]  }
0x89: {  	s3 =	sld [smem:$0x3FFE];
	_ =	sdelay $0x1  }
0x8a: {  	s1 =	srdreg.scid  }
0x8b: {  	s0 =	sand.u32 $0x1, s1  }
0x8c: {  	s17 =	sshll.u32 s0, $0xA;
	s2 =	sadd.s32 s3, s2  }
0x8d: {  	s2 =	sadd.s32 s2, s17  }
0x8e: {  	[smem:$0x3FB9] =	sst s2  }
0x8f: {  	_ = 	snop  }
0x90: {  	s2 =	sld [smem:$0x3FD0];
	(tm) =	ssettm $0x1  }
0x91: {  	s18 =	sld [smem:$0x3FFB];
	_ =	sdelay $0x3  }
0x92: {  	_ =	strace s18  }
0x93: {  	s3 =	sld [smem:$0x3FFC];
	_ =	sdelay $0x3  }
0x94: {  	_ =	strace s3  }
0x95: {  	s3 =	sld [smem:$0x3FFD];
	_ =	sdelay $0x3  }
0x96: {  	_ =	strace s3  }
0x97: {  	_ =	strace $0x8FFFFFFF  }
0x98: {  	s19 =	sld [smem:$0x3FDB];
	_ =	sdelay $0x1  }
0x99: {  	s4 =	simm.s32 $_scs_section_size  }
0x9a: {  	s5 =	simm.s32 $_size__tile_overlayer_lowered;
	s6 =	simm.s32 $_tile_overlayer_lowered  }
0x9b: {  	s22 =	simm.s32 $0x1BFF;
	s21 =	sshll.u32 s6, $0x1;
	s3 =	sadd.s32 s4, s19  }
0x9c: {  	s7 =	simm.s32 $0x0;
	s20 =	sshll.u32 s5, $0x1;
	s5 =	sadd.s32 s21, s3  }
0x9d: {  	[timem:s7], [sflag:s22] =	dma.local [hbm:s5], s20  }
0x9e: {  	_ =	swait.ge [sflag:s22], s20  }
0x9f: {  	s4 =	ssub.s32 $0x0, s20;
	[sflag:s22] =	ssyncset.done $0x0  }
0xa0: {  	[sflag:s22] =	ssyncadd.s32 s4;
	_ =	sdelay $0x1  }
0xa1: {  	s23 =	simm.s32 $0x1B8B  }
0xa2: {  	_ =	swait.ge [sflag:s23], $0x1  }
0xa3: {  	[sflag:s23] =	ssyncset.done $0x0  }
0xa4: {  	s25 =	simm.s32 $0x1B8E;
	s24 =	sld [smem:$0x3FFE];
	[sflag:s23] =	ssyncadd.s32 $0xFFFFFFFF  }
0xa5: {  	s26 =	simm.s32 $execute0_lowered;
	[smem:$0x3FD2] =	sst s25  }
0xa6: {  	s5 =	sshll.u32 s26, $0x1;
	_ =	strace $0x8000004F;
	[dreg:$0x1] =	wrdreg $0xFFFFFFFF  }
0xa7: {  	s28 =	simm.s32 $_size_execute0_lowered;
	s3 =	sadd.s32 s3, s5;
	[dreg:$0x0] =	wrdreg $0x0  }
0xa8: {  	s5 =	sshll.u32 s28, $0x1;
	[dreg:$0x2] =	wrdreg s3  }
0xa9: {  	[dreg:$0x3] =	wrdreg s5  }
0xaa: {  	[dreg:$0x4] =	wrdreg $0xC0  }
0xab: {  	_ =	task [dreg:s7], $0x5FFFF  }
0xac: {  	[dreg:$0x1] =	wrdreg $0xFFFFFFFF  }
0xad: {  	[dreg:$0x0] =	wrdreg $0x60  }
0xae: {  	[dreg:$0x2] =	wrdreg s2  }
0xaf: {  	[dreg:$0x3] =	wrdreg s24  }
0xb0: {  	[dreg:$0x4] =	wrdreg $0xB7800  }
0xb1: {  	[dreg:$0x5] =	wrdreg $0x9  }
0xb2: {  	_ =	task.clear_ibuf [dreg:s7], $0x6FFFF;
	_ =	strace $0x9000004F  }
0xb3: {  	s29 =	simm.s32 $0x9;
	_ =	strace $0x80000051  }
0xb4: {  	_ =	swait.ge [sflag:s29], $0x1  }
0xb5: {  	[sflag:s29] =	ssyncadd.s32 $0xFFFFFFFF  }
0xb6: {  	_ =	strace $0x90000051  }
0xb7: {  	_ =	sfence  }
0xb8: {  	s30 =	sld [smem:$0x0];
	_ =	sdelay $0x2  }
0xb9: {  	s31 =	sshll.u32 s1, $0xD;
	s1 =	sshrl.u32 s1, $0x2  }
0xba: {  	s3 =	sand.u32 $0x4000, s31;
	s1 =	sadd.s32 s1, s30  }
0xbb: {  	s0 =	sor.u32 s3, s0;
	s1 =	sshll.u32 s1, $0x11  }
0xbc: {  	s0 =	sor.u32 s1, s0  }
0xbd: {  	s0 =	sadd.s32 $0x8F2B, s0  }
0xbe: {  	[sflag:s0] =	ssyncadd.remote.s32 $0x1  }
0xbf: {  	_ =	sfence.sel $0xFFFF  }
0xc0: {  	[dreg:$0x0] =	wrdreg $0xFFFFFFFF;
	(pc) =	sbr.abs _section_cstart, $3  }
0xc1: {  	[dreg:$0x1] =	wrdreg $0xFFFFFFFF  }
0xc2: {  	_ =	task.clear_ibuf [dreg:s7], $0x2FFFF;
	_ =	strace $0x9FFFFFFF  }
0xc3: {  	(tm) =	ssettm $0x7FFFFFFF  }
tec
execute0_lowered:
.L_overlay_start_1:
0x0: {  	(tag) =	ssettag $0x1  }
0x1: {  	s1 =	rddreg [dreg:$0x0];
	s2 =	srdreg.scid  }
0x2: {  	s0 =	stileid.u32;
	s5 =	rddreg [dreg:$0x1]  }
0x3: {  	s3 =	rddreg [dreg:$0x2];
	s4 =	simm.s32 $0x0;
	s14 =	simm.s32 $0x6780  }
0x4: {  	s15 =	simm.s32 $0x8F80;
	s16 =	simm.s32 $0x1;
	s17 =	simm.s32 $0x2  }
0x5: {  	s18 =	simm.s32 $0x26C0;
	s19 =	simm.s32 $0x6580;
	s20 =	simm.s32 $0x0  }
0x6: {  	s6 =	sand.u32 $0x1, s2;
	s2 =	rddreg [dreg:$0x3];
	s9 =	smul.u32 $0x14000, s0  }
0x7: {  	s29 =	sshll.u32 s0, $0x1;
	[smem:$0x7FF] =	sst s4;
	s30 =	smul.u32 $0x50000, s0  }
0x8: {  	s31 =	sshll.u32 s0, $0x6;
	s7 =	sor.u32 s6, s29;
	s10 =	smul.u32 $0x140000, s6  }
0x9: {  	_ =	strace $0x80000050;
	s6 =	ssub.s32 $0x2, s6;
	s8 =	smul.u32 $0x4E2, s7  }
0xa: {  	s7 =	sshll.u32 s7, $0xB;
	s11 =	sshrl.u32 s9, $0x3;
	s12 =	sshrl.u32 s6, $0x1  }
0xb: {  	s7 =	sadd.s32 s7, s5;
	s9 =	sadd.s32 s9, s10;
	s11 =	sadd.s32 s11, s5  }
0xc: {  	s12 =	ssub.s32 s6, s12;
	s10 =	sshrl.u32 s30, $0x2;
	s8 =	sadd.s32 s8, s5  }
0xd: {  	s9 =	sshrl.u32 s9, $0x3;
	s6 =	sadd.s32 $0xE000, s7;
	s13 =	sadd.s32 s10, s3  }
0xe: {  	s7 =	sadd.s32 $0x1E000, s11;
	s10 =	simm.s32 $0x3;
	s9 =	sadd.s32 s9, s5  }
0xf: {  	s11 =	sor.u32 $0x1C03, s31;
	s5 =	sadd.s32 $0x4200, s8;
	s8 =	sadd.s32 $0x96000, s9  }
0x10: {  	s9 =	smax.u32 s12, $0x1;
	s12 =	sshrl.u32 s13, $0x3;
	s13 =	simm.s32 $0x50  }
.LBB2_1:
0x11: {  	[tilespmem:s4], [sflag:$0x3] =	stream.linear.gather [hbm4b:s5+s4], $0x2710, $0x38;
	[tilespmem:$0x1F780] =	vst v63  }
0x12: {  	_ =	swait.ge [sflag:s10], $0x2710  }
0x13: {  	[sflag:s10] =	ssyncset.done $0x0  }
0x14: {  	s21 =	simm.s32 $0x2780;
	[sflag:s10] =	ssyncadd.s32 $0xFFFFD8F0  }
0x15: {  	[tilespmem:s21], [sflag:$0x3] =	stream.linear.gather [hbm4b:s6+s4], $0x3E80, $0x38;
	[tilespmem:$0x1F780] =	vst v63  }
0x16: {  	_ =	swait.ge [sflag:s10], $0x3E80  }
0x17: {  	[sflag:s10] =	ssyncset.done $0x0  }
0x18: {  	[sflag:s10] =	ssyncadd.s32 $0xFFFFC180  }
0x19: {  	[spmem:s12], [sflag:s11] =	dma.local [hbm:s7], $0x2800  }
0x1a: {  	_ =	swait.ge [sflag:s10], $0x2800  }
0x1b: {  	[sflag:s10] =	ssyncset.done $0x0  }
0x1c: {  	[sflag:s10] =	ssyncadd.s32 $0xFFFFD800  }
0x1d: {  	s22 =	simm.s32 $0x0;
	[bflag:$0x0] =	sbarrier.arrive $0xFFFF  }
0x1e: {  	[tilespmem:s14], [sflag:$0x1] =	stream.indirect.gather [hbm4b:s1+s13], $0x80, s22, s13, $0xb8;
	[tilespmem:$0x1F780] =	vst v63  }
0x1f: {  	s30 =	simm.s32 $0x50  }
0x20: {  	[tilespmem:s15], [sflag:$0x2] =	stream.indirect.gather [hbm4b:s1+s13], $0x80, s30, s13, $0xb8;
	[tilespmem:$0x1F780] =	vst v63  }
0x21: {  	_ =	swait.ge [sflag:s16], $0x2800  }
0x22: {  	[sflag:s16] =	ssyncset.done $0x0  }
0x23: {  	[sflag:s16] =	ssyncadd.s32 $0xFFFFD800  }
0x24: {  	[spmem:s3] =	stream.indirect.scatter.add.f32 [tilespmem:s14], [sflag:$0x3], $0x80, s21, s13, $0xb8;
	[tilespmem:$0x1F780] =	vst v63  }
0x25: {  	_ =	swait.ge [sflag:s10], $0x2800  }
0x26: {  	[sflag:s10] =	ssyncset.done $0x0  }
0x27: {  	[sflag:s10] =	ssyncadd.s32 $0xFFFFD800  }
0x28: {  	_ =	swait.ge [sflag:s17], $0x2800  }
0x29: {  	[sflag:s17] =	ssyncset.done $0x0  }
0x2a: {  	s31 =	simm.s32 $0x2800;
	[sflag:s17] =	ssyncadd.s32 $0xFFFFD800  }
0x2b: {  	[spmem:s3] =	stream.indirect.scatter.add.f32 [tilespmem:s15], [sflag:$0x3], $0x80, s31, s13, $0xb8;
	[tilespmem:$0x1F780] =	vst v63  }
0x2c: {  	s23 =	simm.s32 $0x500;
	_ =	swait.ge [sflag:s10], $0x2800  }
0x2d: {  	s22 =	simm.s32 $0x280;
	s21 =	simm.s32 $0x2880;
	[sflag:s10] =	ssyncset.done $0x0  }
.LBB2_2:
0x2e: {  	s24 =	sshra.s32 s22, $0x2  }
0x2f: {  	[sflag:s10] =	ssyncadd.s32 $0xFFFFD800;
	s22 =	smov.u32 s23;
	s25 =	sadd.s32 $0x280, s23  }
0x30: {  	[tilespmem:s14], [sflag:$0x1] =	stream.indirect.gather [hbm4b:s1+s13], $0x80, s24, s13, $0xb8;
	[tilespmem:$0x1F780] =	vst v63  }
0x31: {  	p0 =	sne.s32 s23, $0x9880;
	s23 =	sadd.s32 $0x50, s24  }
0x32: {  	[tilespmem:s15], [sflag:$0x2] =	stream.indirect.gather [hbm4b:s1+s13], $0x80, s23, s13, $0xb8;
	[tilespmem:$0x1F780] =	vst v63  }
0x33: {  	_ =	swait.ge [sflag:s16], $0x2800  }
0x34: {  	[sflag:s16] =	ssyncset.done $0x0  }
0x35: {  	[sflag:s16] =	ssyncadd.s32 $0xFFFFD800  }
0x36: {  	[spmem:s3] =	stream.indirect.scatter.add.f32 [tilespmem:s14], [sflag:$0x3], $0x80, s21, s13, $0xb8;
	[tilespmem:$0x1F780] =	vst v63  }
0x37: {  	_ =	swait.ge [sflag:s10], $0x2800  }
0x38: {  	[sflag:s10] =	ssyncset.done $0x0  }
0x39: {  	[sflag:s10] =	ssyncadd.s32 $0xFFFFD800  }
0x3a: {  	_ =	swait.ge [sflag:s17], $0x2800  }
.Ltmp0:
0x3b: {  	[sflag:s17] =	ssyncset.done $0x0;
	(pc) =	sbr.rel @p0 .LBB2_2-.Ltmp0, $4  }
0x3c: {  	s23 =	sadd.s32 $0x80, s21;
	[sflag:s17] =	ssyncadd.s32 $0xFFFFD800  }
0x3d: {  	[spmem:s3] =	stream.indirect.scatter.add.f32 [tilespmem:s15], [sflag:$0x3], $0x80, s23, s13, $0xb8;
	[tilespmem:$0x1F780] =	vst v63  }
0x3e: {  	_ =	swait.ge [sflag:s10], $0x2800  }
0x3f: {  	s21 =	sadd.s32 $0x100, s21;
	s23 =	smov.u32 s25;
	[sflag:s10] =	ssyncset.done $0x0  }
0x40: {  	s22 =	sshra.s32 s22, $0x2;
	[sflag:s10] =	ssyncadd.s32 $0xFFFFD800  }
0x41: {  	[tilespmem:s14], [sflag:$0x1] =	stream.indirect.gather [hbm4b:s1+s13], $0x80, s22, s13, $0xb8;
	[tilespmem:$0x1F780] =	vst v63  }
0x42: {  	s22 =	sadd.s32 $0x50, s22  }
0x43: {  	[tilespmem:s15], [sflag:$0x2] =	stream.indirect.gather [hbm4b:s1+s13], $0x80, s22, s13, $0xb8;
	[tilespmem:$0x1F780] =	vst v63  }
0x44: {  	_ =	swait.ge [sflag:s16], $0x2800  }
0x45: {  	[sflag:s16] =	ssyncset.done $0x0  }
0x46: {  	[sflag:s16] =	ssyncadd.s32 $0xFFFFD800  }
0x47: {  	[spmem:s3] =	stream.indirect.scatter.add.f32 [tilespmem:s14], [sflag:$0x3], $0x80, s21, s13, $0xb8;
	[tilespmem:$0x1F780] =	vst v63  }
0x48: {  	_ =	swait.ge [sflag:s10], $0x2800  }
0x49: {  	[sflag:s10] =	ssyncset.done $0x0  }
0x4a: {  	[sflag:s10] =	ssyncadd.s32 $0xFFFFD800  }
0x4b: {  	_ =	swait.ge [sflag:s17], $0x2800  }
0x4c: {  	[sflag:s17] =	ssyncset.done $0x0  }
0x4d: {  	s31 =	sadd.s32 $0x80, s21;
	[sflag:s17] =	ssyncadd.s32 $0xFFFFD800  }
0x4e: {  	[spmem:s3] =	stream.indirect.scatter.add.f32 [tilespmem:s15], [sflag:$0x3], $0x80, s31, s13, $0xb8;
	[tilespmem:$0x1F780] =	vst v63  }
0x4f: {  	_ =	swait.ge [sflag:s10], $0x2800  }
0x50: {  	[sflag:s10] =	ssyncset.done $0x0  }
0x51: {  	[sflag:s10] =	ssyncadd.s32 $0xFFFFD800  }
0x52: {  	[tilespmem:s14], [sflag:$0x1] =	stream.indirect.gather [hbm4b:s1+s13], $0x80, s18, s13, $0xb8;
	[tilespmem:$0x1F780] =	vst v63  }
0x53: {  	_ =	swait.ge [sflag:s16], $0x2800  }
0x54: {  	[sflag:s16] =	ssyncset.done $0x0  }
0x55: {  	[sflag:s16] =	ssyncadd.s32 $0xFFFFD800  }
0x56: {  	[spmem:s3] =	stream.indirect.scatter.add.f32 [tilespmem:s14], [sflag:$0x3], $0x80, s19, s13, $0xb8;
	[tilespmem:$0x1F780] =	vst v63  }
0x57: {  	_ =	swait.ge [sflag:s10], $0x2800  }
0x58: {  	s20 =	sadd.s32 $0x1, s20;
	[sflag:s10] =	ssyncset.done $0x0  }
0x59: {  	p0 =	sne.s32 s20, s9;
	[sflag:s10] =	ssyncadd.s32 $0xFFFFD800  }
.Ltmp1:
0x5a: {  	[bflag:$0x0] =	sbarrier.arrive $0xFFFF;
	(pc) =	sbr.rel @p0 .LBB2_1-.Ltmp1, $4  }
0x5b: {  	[hbm:s8], [sflag:s11] =	dma.local [spmem:s12], $0x2800  }
0x5c: {  	_ =	swait.ge [sflag:s10], $0x2800  }
0x5d: {  	[sflag:s10] =	ssyncset.done $0x0  }
0x5e: {  	[sflag:s10] =	ssyncadd.s32 $0xFFFFD800  }
0x5f: {  	_ =	sfence.sel $0x180000  }
0x60: {  	[bflag:$0x0] =	sbarrier.arrive $0xFFFF  }
0x61: {  	p0 =	sne.s32 s0, $0x0;
	_ =	strace $0x90000050  }
0x62: {  	s0 =	sadd.s32 @!p0 $0x100000, s2;
	[bflag:$0x2] =	sbarrier.arrive $0xFFFF  }
0x63: {  	[sflag:s0] =	ssyncadd.tile.s32 @!p0 $0x1;
	_ =	shalt  }
.Lfunc_end2:
_tile_overlayer_lowered:
.L_overlay_start_2:
0x64: {  	(tag) =	ssettag $0x2  }
0x65: {  	s0 =	rddreg [dreg:$0x0];
	s2 =	stileid.u32  }
0x66: {  	s1 =	rddreg [dreg:$0x1];
	p0 =	sne.s32 s2, $0x0  }
0x67: {  	s3 =	rddreg [dreg:$0x2];
	[bflag:$0x3] =	sbarrier.arrive $0xFFFF;
	s2 =	simm.s32 @!p0 $0x1C03  }
0x68: {  	[timem:s3], [sflag:s2] =	dma.local @!p0 [hbm:s0], s1  }
0x69: {  	s0 =	simm.s32 @!p0 $0x3  }
0x6a: {  	_ =	swait.ge @!p0 [sflag:s0], s1  }
0x6b: {  	s1 =	ssub.s32 @!p0 $0x0, s1;
	[sflag:s0] =	ssyncset.done @!p0 $0x0  }
0x6c: {  	[sflag:s0] =	ssyncadd.s32 @!p0 s1  }
0x6d: {  	[bflag:$0x3] =	sbarrier.arrive $0xFFFF  }
0x6e: {  	_ =	shalt  }

// kernel: kernel.23.cloned.1.call-start
scs
__scs_entry_jumppad:
0x0: {  	(pc) =	sbr.rel $0x88, $3  }
0x1: {  	(tag) =	ssettag $0x0;
	lr =	simm.s32 $0x1  }
0x2: {  	[smem:$0x3F92] =	sst lr;
	_ =	strace $0xD0000000  }
0x3: {  	_ = 	snop  }
0x4: {  	_ = 	snop  }
0x5: {  	_ = 	snop  }
0x6: {  	_ = 	snop  }
0x7: {  	_ = 	snop  }
__scs_overlays_trampoline_lowered:
0x8: {  	[smem:$0x3FA1] =	sst s0  }
0x9: {  	[smem:$0x3FA2] =	sst s1  }
0xa: {  	[smem:$0x3FA3] =	sst s2  }
0xb: {  	[smem:$0x3FA4] =	sst s3  }
0xc: {  	[smem:$0x3FA5] =	sst s4  }
0xd: {  	[smem:$0x3FA6] =	sst s5  }
0xe: {  	[smem:$0x3FA7] =	sst s6  }
0xf: {  	[smem:$0x3FA8] =	sst s7  }
0x10: {  	[smem:$0x3FA9] =	sst s8  }
0x11: {  	[smem:$0x3FAA] =	sst s9;
	s0 =	simm.s32 @!p0 $0x0  }
0x12: {  	s1 =	sld [smem:$0x3F90];
	s0 =	simm.s32 @p0 $0x1  }
0x13: {  	[smem:$0x3FAB] =	sst s0;
	s0 =	simm.s32 @!p1 $0x0  }
0x14: {  	s2 =	sld [smem:$0x3F8F];
	s0 =	simm.s32 @p1 $0x1  }
0x15: {  	[smem:$0x3FAC] =	sst s0;
	s0 =	simm.s32 @!p2 $0x0  }
0x16: {  	s3 =	sld [smem:$0x3FDB];
	s0 =	simm.s32 @p2 $0x1  }
0x17: {  	s4 =	simm.s32 $0x1BF5;
	[smem:$0x3FAE] =	sst s0  }
0x18: {  	s0 =	sld [smem:$0x3F91];
	_ =	swait.ge [sflag:s4], $0x0  }
0x19: {  	s7 =	sld [smem:$0x3F92]  }
0x1a: {  	s8 =	sadd.s32 $0xFFFFE003, lr  }
0x1b: {  	s9 =	sadd.s32 $0xFFFFFEF7, lr;
	s5 =	simm.s32 $0xFFFFFFFF;
	p2 =	slt.u32 s8, $0xFFFFF086  }
0x1c: {  	p1 =	slt.u32 s9, $0xF7A;
	s5 =	simm.s32 @!p2 $0x0  }
0x1d: {  	s5 =	simm.s32 @p1 $0x1;
	p0 =	seq.s32 s7, s2  }
0x1e: {  	s7 =	smul.u32 @!p0 $0xF7A, s2;
	p2 =	seq.s32 @!p0 s5, $0x0  }
0x1f: {  	s9 =	smul.u32 $0xF7A, s1;
	s8 =	simm.s32 @!p0 $0x1BF5;
	p2 =	por !p2, p0  }
0x20: {  	[sflag:s8] =	ssyncset.s32 @!p0 $0xFFFFF086;
	s6 =	sadd.s32 @!p0 s3, s7;
	s7 =	simm.s32 @!p0 $0x108  }
0x21: {  	s3 =	sadd.s32 s3, s9;
	s6 =	sadd.s32 @!p0 $0x88, s6;
	s7 =	simm.s32 @p2 $0x1082  }
0x22: {  	[simem:s7], [sflag:s8] =	dma.local @!p0 [hbm:s6], $0xF7A  }
0x23: {  	s9 =	sor.u32 $0xD0000000, s2;
	s6 =	simm.s32 $0x108;
	_ =	swait.ge @!p0 [sflag:s8], $0x0  }
0x24: {  	s3 =	sadd.s32 $0x88, s3;
	s6 =	simm.s32 @!p1 $0x1082;
	[sflag:s4] =	ssyncset.s32 $0xFFFFF086  }
0x25: {  	[simem:s6], [sflag:s4] =	dma.local [hbm:s3], $0xF7A  }
0x26: {  	[smem:$0x3F92] =	sst s1;
	(tag) =	ssettag s2;
	_ =	strace s9  }
0x27: {  	s1 =	sld [smem:$0x3FA2]  }
0x28: {  	s2 =	sld [smem:$0x3FA3]  }
0x29: {  	s4 =	sld [smem:$0x3FA5]  }
0x2a: {  	p0 =	seq.s32 s5, $0x0;
	s5 =	sld [smem:$0x3FA6]  }
0x2b: {  	s6 =	sld [smem:$0x3FA7]  }
0x2c: {  	s7 =	sld [smem:$0x3FA8]  }
0x2d: {  	s3 =	simm.s32 $0x108;
	s8 =	sld [smem:$0x3FA9]  }
0x2e: {  	s3 =	simm.s32 @!p0 $0x1082;
	s9 =	sld [smem:$0x3FAA]  }
0x2f: {  	lr =	sadd.s32 s0, s3;
	s0 =	sld [smem:$0x3FA1]  }
0x30: {  	s3 =	sld [smem:$0x3FA4]  }
0x31: {  	[smem:$0x3FAD] =	sst s10  }
0x32: {  	s10 =	sld [smem:$0x3FAB];
	_ =	sdelay $0x3  }
0x33: {  	p0 =	seq.s32 s10, $0x1;
	s10 =	sld [smem:$0x3FAD];
	_ =	sdelay $0x3  }
0x34: {  	[smem:$0x3FAD] =	sst s10  }
0x35: {  	s10 =	sld [smem:$0x3FAC];
	_ =	sdelay $0x3  }
0x36: {  	p1 =	seq.s32 s10, $0x1;
	s10 =	sld [smem:$0x3FAD];
	_ =	sdelay $0x3  }
0x37: {  	[smem:$0x3FAD] =	sst s10  }
0x38: {  	s10 =	sld [smem:$0x3FAE]  }
0x39: {  	_ = 	snop;
	(pc) =	sbr.ind lr, $3  }
0x3a: {  	_ = 	snop  }
0x3b: {  	_ = 	snop  }
0x3c: {  	p2 =	seq.s32 s10, $0x1;
	s10 =	sld [smem:$0x3FAD]  }
0x3d: {  	_ =	shalt  }
0x3e: {  	_ =	shalt  }
0x3f: {  	_ =	shalt  }
0x40: {  	_ =	shalt  }
0x41: {  	_ =	shalt  }
0x42: {  	_ =	shalt  }
0x43: {  	_ =	shalt  }
0x44: {  	_ =	shalt  }
0x45: {  	_ =	shalt  }
0x46: {  	_ =	shalt  }
0x47: {  	_ =	shalt  }
0x48: {  	_ =	shalt  }
0x49: {  	_ =	shalt  }
0x4a: {  	_ =	shalt  }
0x4b: {  	_ =	shalt  }
0x4c: {  	_ =	shalt  }
0x4d: {  	_ =	shalt  }
0x4e: {  	_ =	shalt  }
0x4f: {  	_ =	shalt  }
0x50: {  	_ =	shalt  }
0x51: {  	_ =	shalt  }
0x52: {  	_ =	shalt  }
0x53: {  	_ =	shalt  }
0x54: {  	_ =	shalt  }
0x55: {  	_ =	shalt  }
0x56: {  	_ =	shalt  }
0x57: {  	_ =	shalt  }
0x58: {  	_ =	shalt  }
0x59: {  	_ =	shalt  }
0x5a: {  	_ =	shalt  }
0x5b: {  	_ =	shalt  }
0x5c: {  	_ =	shalt  }
0x5d: {  	_ =	shalt  }
0x5e: {  	_ =	shalt  }
0x5f: {  	_ =	shalt  }
0x60: {  	_ =	shalt  }
0x61: {  	_ =	shalt  }
0x62: {  	_ =	shalt  }
0x63: {  	_ =	shalt  }
0x64: {  	_ =	shalt  }
0x65: {  	_ =	shalt  }
0x66: {  	_ =	shalt  }
0x67: {  	_ =	shalt  }
0x68: {  	_ =	shalt  }
0x69: {  	_ =	shalt  }
0x6a: {  	_ =	shalt  }
0x6b: {  	_ =	shalt  }
0x6c: {  	_ =	shalt  }
0x6d: {  	_ =	shalt  }
0x6e: {  	_ =	shalt  }
0x6f: {  	_ =	shalt  }
0x70: {  	_ =	shalt  }
0x71: {  	_ =	shalt  }
0x72: {  	_ =	shalt  }
0x73: {  	_ =	shalt  }
0x74: {  	_ =	shalt  }
0x75: {  	_ =	shalt  }
0x76: {  	_ =	shalt  }
0x77: {  	_ =	shalt  }
0x78: {  	_ =	shalt  }
0x79: {  	_ =	shalt  }
0x7a: {  	_ =	shalt  }
0x7b: {  	_ =	shalt  }
0x7c: {  	_ =	shalt  }
0x7d: {  	_ =	shalt  }
0x7e: {  	_ =	shalt  }
0x7f: {  	_ =	shalt  }
0x80: {  	_ =	shalt  }
0x81: {  	_ =	shalt  }
0x82: {  	_ =	shalt  }
0x83: {  	_ =	shalt  }
0x84: {  	_ =	shalt  }
0x85: {  	_ =	shalt  }
0x86: {  	_ =	shalt  }
0x87: {  	_ =	shalt  }
.Lfunc_end0:
.L_simem_size_0:
called_computation.4_lowered:
.L_overlay_start_0:
0x88: {  	s2 =	sld [smem:$0x3FD9]  }
0x89: {  	s3 =	sld [smem:$0x3FFE];
	_ =	sdelay $0x1  }
0x8a: {  	s1 =	srdreg.scid  }
0x8b: {  	s0 =	sand.u32 $0x1, s1  }
0x8c: {  	s17 =	sshll.u32 s0, $0xA;
	s2 =	sadd.s32 s3, s2  }
0x8d: {  	s2 =	sadd.s32 s2, s17  }
0x8e: {  	[smem:$0x3FB9] =	sst s2  }
0x8f: {  	_ = 	snop  }
0x90: {  	s2 =	sld [smem:$0x3FD0];
	(tm) =	ssettm $0x1  }
0x91: {  	s18 =	sld [smem:$0x3FFB];
	_ =	sdelay $0x3  }
0x92: {  	_ =	strace s18  }
0x93: {  	s3 =	sld [smem:$0x3FFC];
	_ =	sdelay $0x3  }
0x94: {  	_ =	strace s3  }
0x95: {  	s3 =	sld [smem:$0x3FFD];
	_ =	sdelay $0x3  }
0x96: {  	_ =	strace s3  }
0x97: {  	_ =	strace $0x8FFFFFFF  }
0x98: {  	s19 =	sld [smem:$0x3FDB];
	_ =	sdelay $0x1  }
0x99: {  	s4 =	simm.s32 $_scs_section_size  }
0x9a: {  	s5 =	simm.s32 $_size__tile_overlayer_lowered;
	s6 =	simm.s32 $_tile_overlayer_lowered  }
0x9b: {  	s22 =	simm.s32 $0x1BFF;
	s21 =	sshll.u32 s6, $0x1;
	s3 =	sadd.s32 s4, s19  }
0x9c: {  	s7 =	simm.s32 $0x0;
	s20 =	sshll.u32 s5, $0x1;
	s5 =	sadd.s32 s21, s3  }
0x9d: {  	[timem:s7], [sflag:s22] =	dma.local [hbm:s5], s20  }
0x9e: {  	_ =	swait.ge [sflag:s22], s20  }
0x9f: {  	s4 =	ssub.s32 $0x0, s20;
	[sflag:s22] =	ssyncset.done $0x0  }
0xa0: {  	[sflag:s22] =	ssyncadd.s32 s4;
	_ =	sdelay $0x1  }
0xa1: {  	s23 =	simm.s32 $0x1B8B  }
0xa2: {  	_ =	swait.ge [sflag:s23], $0x1  }
0xa3: {  	[sflag:s23] =	ssyncset.done $0x0  }
0xa4: {  	s25 =	simm.s32 $0x1B8E;
	s24 =	sld [smem:$0x3FFE];
	[sflag:s23] =	ssyncadd.s32 $0xFFFFFFFF  }
0xa5: {  	s26 =	simm.s32 $execute0_lowered;
	[smem:$0x3FD2] =	sst s25  }
0xa6: {  	s5 =	sshll.u32 s26, $0x1;
	_ =	strace $0x80000052;
	[dreg:$0x1] =	wrdreg $0xFFFFFFFF  }
0xa7: {  	s28 =	simm.s32 $_size_execute0_lowered;
	s3 =	sadd.s32 s3, s5;
	[dreg:$0x0] =	wrdreg $0x0  }
0xa8: {  	s5 =	sshll.u32 s28, $0x1;
	[dreg:$0x2] =	wrdreg s3  }
0xa9: {  	[dreg:$0x3] =	wrdreg s5  }
0xaa: {  	[dreg:$0x4] =	wrdreg $0xC0  }
0xab: {  	_ =	task [dreg:s7], $0x5FFFF  }
0xac: {  	[dreg:$0x1] =	wrdreg $0xFFFFFFFF  }
0xad: {  	[dreg:$0x0] =	wrdreg $0x60  }
0xae: {  	[dreg:$0x2] =	wrdreg s2  }
0xaf: {  	[dreg:$0x3] =	wrdreg s24  }
0xb0: {  	[dreg:$0x4] =	wrdreg $0xB7800  }
0xb1: {  	[dreg:$0x5] =	wrdreg $0x9  }
0xb2: {  	_ =	task.clear_ibuf [dreg:s7], $0x6FFFF;
	_ =	strace $0x90000052  }
0xb3: {  	s29 =	simm.s32 $0x9;
	_ =	strace $0x80000054  }
0xb4: {  	_ =	swait.ge [sflag:s29], $0x1  }
0xb5: {  	[sflag:s29] =	ssyncadd.s32 $0xFFFFFFFF  }
0xb6: {  	_ =	strace $0x90000054  }
0xb7: {  	_ =	sfence  }
0xb8: {  	s30 =	sld [smem:$0x0];
	_ =	sdelay $0x2  }
0xb9: {  	s31 =	sshll.u32 s1, $0xD;
	s1 =	sshrl.u32 s1, $0x2  }
0xba: {  	s3 =	sand.u32 $0x4000, s31;
	s1 =	sadd.s32 s1, s30  }
0xbb: {  	s0 =	sor.u32 s3, s0;
	s1 =	sshll.u32 s1, $0x11  }
0xbc: {  	s0 =	sor.u32 s1, s0  }
0xbd: {  	s0 =	sadd.s32 $0x8F2B, s0  }
0xbe: {  	[sflag:s0] =	ssyncadd.remote.s32 $0x1  }
0xbf: {  	_ =	sfence.sel $0xFFFF  }
0xc0: {  	[dreg:$0x0] =	wrdreg $0xFFFFFFFF;
	(pc) =	sbr.abs _section_cstart, $3  }
0xc1: {  	[dreg:$0x1] =	wrdreg $0xFFFFFFFF  }
0xc2: {  	_ =	task.clear_ibuf [dreg:s7], $0x2FFFF;
	_ =	strace $0x9FFFFFFF  }
0xc3: {  	(tm) =	ssettm $0x7FFFFFFF  }
tec
execute0_lowered:
.L_overlay_start_1:
0x0: {  	(tag) =	ssettag $0x1  }
0x1: {  	s1 =	rddreg [dreg:$0x0];
	s2 =	srdreg.scid  }
0x2: {  	s0 =	stileid.u32;
	s5 =	rddreg [dreg:$0x1]  }
0x3: {  	s3 =	rddreg [dreg:$0x2];
	s4 =	simm.s32 $0x0;
	s14 =	simm.s32 $0x6780  }
0x4: {  	s15 =	simm.s32 $0x8F80;
	s16 =	simm.s32 $0x1;
	s17 =	simm.s32 $0x2  }
0x5: {  	s18 =	simm.s32 $0x26C0;
	s19 =	simm.s32 $0x6580;
	s20 =	simm.s32 $0x0  }
0x6: {  	s6 =	sand.u32 $0x1, s2;
	s2 =	rddreg [dreg:$0x3];
	s9 =	smul.u32 $0x14000, s0  }
0x7: {  	s29 =	sshll.u32 s0, $0x1;
	[smem:$0x7FF] =	sst s4;
	s30 =	smul.u32 $0x50000, s0  }
0x8: {  	s31 =	sshll.u32 s0, $0x6;
	s7 =	sor.u32 s6, s29;
	s10 =	smul.u32 $0x140000, s6  }
0x9: {  	_ =	strace $0x80000053;
	s6 =	ssub.s32 $0x2, s6;
	s8 =	smul.u32 $0x4E2, s7  }
0xa: {  	s7 =	sshll.u32 s7, $0xB;
	s11 =	sshrl.u32 s9, $0x3;
	s12 =	sshrl.u32 s6, $0x1  }
0xb: {  	s7 =	sadd.s32 s7, s5;
	s9 =	sadd.s32 s9, s10;
	s11 =	sadd.s32 s11, s5  }
0xc: {  	s12 =	ssub.s32 s6, s12;
	s10 =	sshrl.u32 s30, $0x2;
	s8 =	sadd.s32 s8, s5  }
0xd: {  	s9 =	sshrl.u32 s9, $0x3;
	s6 =	sadd.s32 $0xE000, s7;
	s13 =	sadd.s32 s10, s3  }
0xe: {  	s7 =	sadd.s32 $0x1E000, s11;
	s10 =	simm.s32 $0x3;
	s9 =	sadd.s32 s9, s5  }
0xf: {  	s11 =	sor.u32 $0x1C03, s31;
	s5 =	sadd.s32 $0x4200, s8;
	s8 =	sadd.s32 $0x96000, s9  }
0x10: {  	s9 =	smax.u32 s12, $0x1;
	s12 =	sshrl.u32 s13, $0x3;
	s13 =	simm.s32 $0x50  }
.LBB2_1:
0x11: {  	[tilespmem:s4], [sflag:$0x3] =	stream.linear.gather [hbm4b:s5+s4], $0x2710, $0x38;
	[tilespmem:$0x1F780] =	vst v63  }
0x12: {  	_ =	swait.ge [sflag:s10], $0x2710  }
0x13: {  	[sflag:s10] =	ssyncset.done $0x0  }
0x14: {  	s21 =	simm.s32 $0x2780;
	[sflag:s10] =	ssyncadd.s32 $0xFFFFD8F0  }
0x15: {  	[tilespmem:s21], [sflag:$0x3] =	stream.linear.gather [hbm4b:s6+s4], $0x3E80, $0x38;
	[tilespmem:$0x1F780] =	vst v63  }
0x16: {  	_ =	swait.ge [sflag:s10], $0x3E80  }
0x17: {  	[sflag:s10] =	ssyncset.done $0x0  }
0x18: {  	[sflag:s10] =	ssyncadd.s32 $0xFFFFC180  }
0x19: {  	[spmem:s12], [sflag:s11] =	dma.local [hbm:s7], $0x2800  }
0x1a: {  	_ =	swait.ge [sflag:s10], $0x2800  }
0x1b: {  	[sflag:s10] =	ssyncset.done $0x0  }
0x1c: {  	[sflag:s10] =	ssyncadd.s32 $0xFFFFD800  }
0x1d: {  	s22 =	simm.s32 $0x0;
	[bflag:$0x0] =	sbarrier.arrive $0xFFFF  }
0x1e: {  	[tilespmem:s14], [sflag:$0x1] =	stream.indirect.gather [hbm4b:s1+s13], $0x80, s22, s13, $0xb8;
	[tilespmem:$0x1F780] =	vst v63  }
0x1f: {  	s30 =	simm.s32 $0x50  }
0x20: {  	[tilespmem:s15], [sflag:$0x2] =	stream.indirect.gather [hbm4b:s1+s13], $0x80, s30, s13, $0xb8;
	[tilespmem:$0x1F780] =	vst v63  }
0x21: {  	_ =	swait.ge [sflag:s16], $0x2800  }
0x22: {  	[sflag:s16] =	ssyncset.done $0x0  }
0x23: {  	[sflag:s16] =	ssyncadd.s32 $0xFFFFD800  }
0x24: {  	[spmem:s3] =	stream.indirect.scatter.add.f32 [tilespmem:s14], [sflag:$0x3], $0x80, s21, s13, $0xb8;
	[tilespmem:$0x1F780] =	vst v63  }
0x25: {  	_ =	swait.ge [sflag:s10], $0x2800  }
0x26: {  	[sflag:s10] =	ssyncset.done $0x0  }
0x27: {  	[sflag:s10] =	ssyncadd.s32 $0xFFFFD800  }
0x28: {  	_ =	swait.ge [sflag:s17], $0x2800  }
0x29: {  	[sflag:s17] =	ssyncset.done $0x0  }
0x2a: {  	s31 =	simm.s32 $0x2800;
	[sflag:s17] =	ssyncadd.s32 $0xFFFFD800  }
0x2b: {  	[spmem:s3] =	stream.indirect.scatter.add.f32 [tilespmem:s15], [sflag:$0x3], $0x80, s31, s13, $0xb8;
	[tilespmem:$0x1F780] =	vst v63  }
0x2c: {  	s23 =	simm.s32 $0x500;
	_ =	swait.ge [sflag:s10], $0x2800  }
0x2d: {  	s22 =	simm.s32 $0x280;
	s21 =	simm.s32 $0x2880;
	[sflag:s10] =	ssyncset.done $0x0  }
.LBB2_2:
0x2e: {  	s24 =	sshra.s32 s22, $0x2  }
0x2f: {  	[sflag:s10] =	ssyncadd.s32 $0xFFFFD800;
	s22 =	smov.u32 s23;
	s25 =	sadd.s32 $0x280, s23  }
0x30: {  	[tilespmem:s14], [sflag:$0x1] =	stream.indirect.gather [hbm4b:s1+s13], $0x80, s24, s13, $0xb8;
	[tilespmem:$0x1F780] =	vst v63  }
0x31: {  	p0 =	sne.s32 s23, $0x9880;
	s23 =	sadd.s32 $0x50, s24  }
0x32: {  	[tilespmem:s15], [sflag:$0x2] =	stream.indirect.gather [hbm4b:s1+s13], $0x80, s23, s13, $0xb8;
	[tilespmem:$0x1F780] =	vst v63  }
0x33: {  	_ =	swait.ge [sflag:s16], $0x2800  }
0x34: {  	[sflag:s16] =	ssyncset.done $0x0  }
0x35: {  	[sflag:s16] =	ssyncadd.s32 $0xFFFFD800  }
0x36: {  	[spmem:s3] =	stream.indirect.scatter.add.f32 [tilespmem:s14], [sflag:$0x3], $0x80, s21, s13, $0xb8;
	[tilespmem:$0x1F780] =	vst v63  }
0x37: {  	_ =	swait.ge [sflag:s10], $0x2800  }
0x38: {  	[sflag:s10] =	ssyncset.done $0x0  }
0x39: {  	[sflag:s10] =	ssyncadd.s32 $0xFFFFD800  }
0x3a: {  	_ =	swait.ge [sflag:s17], $0x2800  }
.Ltmp0:
0x3b: {  	[sflag:s17] =	ssyncset.done $0x0;
	(pc) =	sbr.rel @p0 .LBB2_2-.Ltmp0, $4  }
0x3c: {  	s23 =	sadd.s32 $0x80, s21;
	[sflag:s17] =	ssyncadd.s32 $0xFFFFD800  }
0x3d: {  	[spmem:s3] =	stream.indirect.scatter.add.f32 [tilespmem:s15], [sflag:$0x3], $0x80, s23, s13, $0xb8;
	[tilespmem:$0x1F780] =	vst v63  }
0x3e: {  	_ =	swait.ge [sflag:s10], $0x2800  }
0x3f: {  	s21 =	sadd.s32 $0x100, s21;
	s23 =	smov.u32 s25;
	[sflag:s10] =	ssyncset.done $0x0  }
0x40: {  	s22 =	sshra.s32 s22, $0x2;
	[sflag:s10] =	ssyncadd.s32 $0xFFFFD800  }
0x41: {  	[tilespmem:s14], [sflag:$0x1] =	stream.indirect.gather [hbm4b:s1+s13], $0x80, s22, s13, $0xb8;
	[tilespmem:$0x1F780] =	vst v63  }
0x42: {  	s22 =	sadd.s32 $0x50, s22  }
0x43: {  	[tilespmem:s15], [sflag:$0x2] =	stream.indirect.gather [hbm4b:s1+s13], $0x80, s22, s13, $0xb8;
	[tilespmem:$0x1F780] =	vst v63  }
0x44: {  	_ =	swait.ge [sflag:s16], $0x2800  }
0x45: {  	[sflag:s16] =	ssyncset.done $0x0  }
0x46: {  	[sflag:s16] =	ssyncadd.s32 $0xFFFFD800  }
0x47: {  	[spmem:s3] =	stream.indirect.scatter.add.f32 [tilespmem:s14], [sflag:$0x3], $0x80, s21, s13, $0xb8;
	[tilespmem:$0x1F780] =	vst v63  }
0x48: {  	_ =	swait.ge [sflag:s10], $0x2800  }
0x49: {  	[sflag:s10] =	ssyncset.done $0x0  }
0x4a: {  	[sflag:s10] =	ssyncadd.s32 $0xFFFFD800  }
0x4b: {  	_ =	swait.ge [sflag:s17], $0x2800  }
0x4c: {  	[sflag:s17] =	ssyncset.done $0x0  }
0x4d: {  	s31 =	sadd.s32 $0x80, s21;
	[sflag:s17] =	ssyncadd.s32 $0xFFFFD800  }
0x4e: {  	[spmem:s3] =	stream.indirect.scatter.add.f32 [tilespmem:s15], [sflag:$0x3], $0x80, s31, s13, $0xb8;
	[tilespmem:$0x1F780] =	vst v63  }
0x4f: {  	_ =	swait.ge [sflag:s10], $0x2800  }
0x50: {  	[sflag:s10] =	ssyncset.done $0x0  }
0x51: {  	[sflag:s10] =	ssyncadd.s32 $0xFFFFD800  }
0x52: {  	[tilespmem:s14], [sflag:$0x1] =	stream.indirect.gather [hbm4b:s1+s13], $0x80, s18, s13, $0xb8;
	[tilespmem:$0x1F780] =	vst v63  }
0x53: {  	_ =	swait.ge [sflag:s16], $0x2800  }
0x54: {  	[sflag:s16] =	ssyncset.done $0x0  }
0x55: {  	[sflag:s16] =	ssyncadd.s32 $0xFFFFD800  }
0x56: {  	[spmem:s3] =	stream.indirect.scatter.add.f32 [tilespmem:s14], [sflag:$0x3], $0x80, s19, s13, $0xb8;
	[tilespmem:$0x1F780] =	vst v63  }
0x57: {  	_ =	swait.ge [sflag:s10], $0x2800  }
0x58: {  	s20 =	sadd.s32 $0x1, s20;
	[sflag:s10] =	ssyncset.done $0x0  }
0x59: {  	p0 =	sne.s32 s20, s9;
	[sflag:s10] =	ssyncadd.s32 $0xFFFFD800  }
.Ltmp1:
0x5a: {  	[bflag:$0x0] =	sbarrier.arrive $0xFFFF;
	(pc) =	sbr.rel @p0 .LBB2_1-.Ltmp1, $4  }
0x5b: {  	[hbm:s8], [sflag:s11] =	dma.local [spmem:s12], $0x2800  }
0x5c: {  	_ =	swait.ge [sflag:s10], $0x2800  }
0x5d: {  	[sflag:s10] =	ssyncset.done $0x0  }
0x5e: {  	[sflag:s10] =	ssyncadd.s32 $0xFFFFD800  }
0x5f: {  	_ =	sfence.sel $0x180000  }
0x60: {  	[bflag:$0x0] =	sbarrier.arrive $0xFFFF  }
0x61: {  	p0 =	sne.s32 s0, $0x0;
	_ =	strace $0x90000053  }
0x62: {  	s0 =	sadd.s32 @!p0 $0x100000, s2;
	[bflag:$0x2] =	sbarrier.arrive $0xFFFF  }
0x63: {  	[sflag:s0] =	ssyncadd.tile.s32 @!p0 $0x1;
	_ =	shalt  }
.Lfunc_end2:
_tile_overlayer_lowered:
.L_overlay_start_2:
0x64: {  	(tag) =	ssettag $0x2  }
0x65: {  	s0 =	rddreg [dreg:$0x0];
	s2 =	stileid.u32  }
0x66: {  	s1 =	rddreg [dreg:$0x1];
	p0 =	sne.s32 s2, $0x0  }
0x67: {  	s3 =	rddreg [dreg:$0x2];
	[bflag:$0x3] =	sbarrier.arrive $0xFFFF;
	s2 =	simm.s32 @!p0 $0x1C03  }
0x68: {  	[timem:s3], [sflag:s2] =	dma.local @!p0 [hbm:s0], s1  }
0x69: {  	s0 =	simm.s32 @!p0 $0x3  }
0x6a: {  	_ =	swait.ge @!p0 [sflag:s0], s1  }
0x6b: {  	s1 =	ssub.s32 @!p0 $0x0, s1;
	[sflag:s0] =	ssyncset.done @!p0 $0x0  }
0x6c: {  	[sflag:s0] =	ssyncadd.s32 @!p0 s1  }
0x6d: {  	[bflag:$0x3] =	sbarrier.arrive $0xFFFF  }
0x6e: {  	_ =	shalt  }

</sc_bundles>
